<compile_context>
chip_gen: v7x
topology: tpu7x:2x2x1
jax: 0.10.2.dev20260603
libtpu: 0.0.44.dev20260713+nightly
codegen_flags: <defaults>
</compile_context>

<pallas_src>
import functools

import jax
import jax.numpy as jnp
from jax import lax
from jax.experimental import pallas as pl
from jax.experimental.pallas import tpu as pltpu
from jax.experimental.pallas import tpu_sc as plsc

N_NODES = 2048
N_EDGES = 32768
N_LG_EDGES = 131072
DIM = 128

NC = 2
NS = 16
CHUNK = 128

_SC_MESH = plsc.VectorSubcoreMesh(core_axis_name="c", subcore_axis_name="s")



@functools.cache
def _make_seg_partial(n_tables, n_edges, seg_rows):
    ipt = n_edges // (NC * NS * CHUNK)
    rows_per_tile = seg_rows // NS
    nbuf = 4 // n_tables
    ngroups = ipt // nbuf

    def body(*args):
        tables = args[:n_tables]
        src_hbm, dst_hbm, zeros_hbm, out_hbm = args[n_tables:n_tables + 4]
        (src_i, dst_i, rows_v, accum,
         gsem0, gsem1, gsem2, gsem3, ssem) = args[n_tables + 4:]
        gsems = (gsem0, gsem1, gsem2, gsem3)
        cid = lax.axis_index("c")
        sid = lax.axis_index("s")
        zr = sid * rows_per_tile
        pltpu.sync_copy(zeros_hbm.at[pl.ds(zr, rows_per_tile)],
                        accum.at[pl.ds(zr, rows_per_tile)])
        row_base = (cid * NS + sid) * ipt
        pltpu.sync_copy(src_hbm.at[pl.ds(row_base, ipt)], src_i)
        pltpu.sync_copy(dst_hbm.at[pl.ds(row_base, ipt)], dst_i)
        plsc.subcore_barrier()

        def group(gi, carry):
            gh = []
            for b in range(nbuf):
                k = gi * nbuf + b
                for t in range(n_tables):
                    s = b * n_tables + t
                    gh.append(pltpu.async_copy(
                        tables[t].at[src_i.at[k]],
                        rows_v.at[pl.ds(s * CHUNK, CHUNK)],
                        gsems[s]))
            sh = []
            for b in range(nbuf):
                k = gi * nbuf + b
                for t in range(n_tables):
                    s = b * n_tables + t
                    gh[s].wait()
                    sh.append(pltpu.async_copy(
                        rows_v.at[pl.ds(s * CHUNK, CHUNK)],
                        accum.at[dst_i.at[k]], ssem, add=True))
            for h in sh:
                h.wait()
            return carry

        lax.fori_loop(0, ngroups, group, 0)
        plsc.subcore_barrier()
        pltpu.sync_copy(accum.at[pl.ds(zr, rows_per_tile)],
                        out_hbm.at[pl.ds(cid * seg_rows + zr, rows_per_tile)])

    return pl.kernel(
        body,
        mesh=_SC_MESH,
        out_type=jax.ShapeDtypeStruct((NC * seg_rows, DIM), jnp.float32),
        scratch_types=[
            pltpu.VMEM((ipt, CHUNK), jnp.int32),
            pltpu.VMEM((ipt, CHUNK), jnp.int32),
            pltpu.VMEM((4 * CHUNK, DIM), jnp.float32),
            pltpu.VMEM_SHARED((seg_rows, DIM), jnp.float32),
            pltpu.SemaphoreType.DMA,
            pltpu.SemaphoreType.DMA,
            pltpu.SemaphoreType.DMA,
            pltpu.SemaphoreType.DMA,
            pltpu.SemaphoreType.DMA,
        ],
    )



LG_RANGE = 8192
LG_ACC_ROWS = 8320
LG_ZERO_PER_TILE = LG_ACC_ROWS // NS
LG_WB_PER_TILE = LG_RANGE // NS


@functools.cache
def _make_seg_ranged(n_edges, seg_rows, nbuf=2, chunk=128):
    ipt = n_edges // (NS * chunk)
    n_ranges = seg_rows // LG_RANGE
    n_ranges_per_sc = n_ranges // NC
    ngroups = ipt // nbuf

    def body(table_hbm, src_hbm, dstall_hbm, zeros_hbm, out_hbm,
             src_i, dst_i, rows_v, accum, gsem0, gsem1, ssem):
        gsems = (gsem0, gsem1)
        cid = lax.axis_index("c")
        sid = lax.axis_index("s")
        zr = sid * LG_ZERO_PER_TILE
        row_base = sid * ipt
        pltpu.sync_copy(src_hbm.at[pl.ds(row_base, ipt)], src_i)
        for r in range(n_ranges_per_sc):
            rng = cid * n_ranges_per_sc + r
            pltpu.sync_copy(zeros_hbm.at[pl.ds(zr, LG_ZERO_PER_TILE)],
                            accum.at[pl.ds(zr, LG_ZERO_PER_TILE)])
            pltpu.sync_copy(
                dstall_hbm.at[pl.ds(rng * (NS * ipt) + row_base, ipt)], dst_i)
            plsc.subcore_barrier()

            def group(gi, carry):
                gh = []
                for b in range(nbuf):
                    k = gi * nbuf + b
                    gh.append(pltpu.async_copy(
                        table_hbm.at[src_i.at[k]],
                        rows_v.at[pl.ds(b * chunk, chunk)], gsems[b]))
                sh = []
                for b in range(nbuf):
                    k = gi * nbuf + b
                    gh[b].wait()
                    sh.append(pltpu.async_copy(
                        rows_v.at[pl.ds(b * chunk, chunk)],
                        accum.at[dst_i.at[k]], ssem, add=True))
                for h in sh:
                    h.wait()
                return carry

            lax.fori_loop(0, ngroups, group, 0)
            plsc.subcore_barrier()
            wb = sid * LG_WB_PER_TILE
            pltpu.sync_copy(accum.at[pl.ds(wb, LG_WB_PER_TILE)],
                            out_hbm.at[pl.ds(rng * LG_RANGE + wb, LG_WB_PER_TILE)])
            plsc.subcore_barrier()

    return pl.kernel(
        body,
        mesh=_SC_MESH,
        out_type=jax.ShapeDtypeStruct((seg_rows, DIM), jnp.float32),
        scratch_types=[
            pltpu.VMEM((ipt, chunk), jnp.int32),
            pltpu.VMEM((ipt, chunk), jnp.int32),
            pltpu.VMEM((nbuf * chunk, DIM), jnp.float32),
            pltpu.VMEM_SHARED((LG_ACC_ROWS, DIM), jnp.float32),
            pltpu.SemaphoreType.DMA,
            pltpu.SemaphoreType.DMA,
            pltpu.SemaphoreType.DMA,
        ],
    )



def _dual_mm_body(p_ref, lgx_ref, x_ref, a_ref, b_ref):
    j = pl.program_id(0)
    p = p_ref[...]
    a_up = jnp.dot(p, lgx_ref[...], preferred_element_type=jnp.float32)

    @pl.when(j == 0)
    def _init():
        a_ref[...] = jnp.zeros_like(a_ref)

    a_ref[...] += a_up
    b_ref[...] = lax.dot_general(
        p, x_ref[...], (((0,), (0,)), ((), ())),
        preferred_element_type=jnp.float32)


def _dual_matmul(pm_pd, lg_x, x, block_e=512):
    ne = N_EDGES // block_e
    return pl.pallas_call(
        _dual_mm_body,
        grid=(ne,),
        in_specs=[
            pl.BlockSpec((N_NODES, block_e), lambda j: (0, j)),
            pl.BlockSpec((block_e, DIM), lambda j: (j, 0)),
            pl.BlockSpec((N_NODES, DIM), lambda j: (0, 0)),
        ],
        out_specs=[
            pl.BlockSpec((N_NODES, DIM), lambda j: (0, 0)),
            pl.BlockSpec((block_e, DIM), lambda j: (j, 0)),
        ],
        out_shape=[
            jax.ShapeDtypeStruct((N_NODES, DIM), jnp.float32),
            jax.ShapeDtypeStruct((N_EDGES, DIM), jnp.float32),
        ],
    )(pm_pd, lg_x, x)



def _make_core_body(split_z, ni, block_r, inv_rows):
    def body(*refs):
        if split_z:
            (feat_ref, deg_ref, z1a_ref, z1b_ref, z2a_ref, z2b_ref, fuse_ref,
             wp_ref, wd_ref, w0_ref, w1_ref, wf_ref, bias_ref,
             gamma_ref, beta_ref, out_ref, r_scr, stats_scr) = refs
        else:
            (feat_ref, deg_ref, z1_ref, z2_ref, fuse_ref,
             wp_ref, wd_ref, w0_ref, w1_ref, wf_ref, bias_ref,
             gamma_ref, beta_ref, out_ref, r_scr, stats_scr) = refs
        i = pl.program_id(0)

        @pl.when(i < ni)
        def _proj():
            if split_z:
                z1 = z1a_ref[...] + z1b_ref[...]
                z2 = z2a_ref[...] + z2b_ref[...]
            else:
                z1 = z1_ref[...]
                z2 = z2_ref[...]
            feat = feat_ref[...]
            s = jnp.dot(feat, wp_ref[...], preferred_element_type=jnp.float32)
            s = s + jnp.dot(feat * deg_ref[...], wd_ref[...],
                            preferred_element_type=jnp.float32)
            s = s + jnp.dot(z1, w0_ref[...], preferred_element_type=jnp.float32)
            s = s + jnp.dot(z2, w1_ref[...], preferred_element_type=jnp.float32)
            s = s + jnp.dot(fuse_ref[...], wf_ref[...],
                            preferred_element_type=jnp.float32)
            s = s + bias_ref[...]
            col = lax.broadcasted_iota(jnp.int32, s.shape, 1)
            r = jnp.where(col < DIM // 2, s, jnp.maximum(s, 0.0))
            r_scr[pl.ds(i * block_r, block_r), :] = r

            @pl.when(i == 0)
            def _init():
                stats_scr[...] = jnp.zeros_like(stats_scr)

            stats_scr[0:1, :] += jnp.sum(r, axis=0, keepdims=True)
            stats_scr[1:2, :] += jnp.sum(r * r, axis=0, keepdims=True)

        @pl.when(i >= ni)
        def _norm():
            j = i - ni
            mean = stats_scr[0:1, :] * inv_rows
            ex2 = stats_scr[1:2, :] * inv_rows
            var = ex2 - mean * mean
            inv = lax.rsqrt(var + 1e-5)
            r = r_scr[pl.ds(j * block_r, block_r), :]
            out_ref[...] = (r - mean) * inv * gamma_ref[...] + beta_ref[...]

    return body


def _core(feat, deg, zs, fuse_in, wp, bp, wd, bd, w0, b0, w1, b1,
          wf, bf, gamma, beta, block_r):
    bias = (bp + bd + b0 + b1 + bf).reshape(1, DIM)
    rows = feat.shape[0]
    ni = rows // block_r
    split_z = len(zs) == 4
    last = ni - 1
    row_spec = pl.BlockSpec((block_r, DIM),
                            lambda i: (jnp.minimum(i, last), 0))
    w_spec = pl.BlockSpec((DIM, DIM), lambda i: (0, 0))
    vec_spec = pl.BlockSpec((1, DIM), lambda i: (0, 0))
    return pl.pallas_call(
        _make_core_body(split_z, ni, block_r, 1.0 / rows),
        grid=(2 * ni,),
        in_specs=[
            row_spec,
            pl.BlockSpec((block_r, 1), lambda i: (jnp.minimum(i, last), 0)),
        ] + [row_spec] * (len(zs) + 1) + [
            w_spec, w_spec, w_spec, w_spec, w_spec,
            vec_spec, vec_spec, vec_spec,
        ],
        out_specs=pl.BlockSpec((block_r, DIM),
                               lambda i: (jnp.maximum(i - ni, 0), 0)),
        out_shape=jax.ShapeDtypeStruct((rows, DIM), jnp.float32),
        scratch_shapes=[
            pltpu.VMEM((rows, DIM), jnp.float32),
            pltpu.VMEM((2, DIM), jnp.float32),
        ],
    )(feat, deg, *zs, fuse_in, wp, wd, w0, w1, wf, bias,
      gamma.reshape(1, DIM), beta.reshape(1, DIM))


def kernel(x, lg_x, deg_g, deg_lg, pm_pd, edge_index_g, edge_index_lg,
           W_g_prev, b_g_prev, W_g_deg, b_g_deg, W_g_r0, b_g_r0,
           W_g_r1, b_g_r1, W_g_fuse, b_g_fuse, gamma_g, beta_g,
           W_lg_prev, b_lg_prev, W_lg_deg, b_lg_deg, W_lg_r0, b_lg_r0,
           W_lg_r1, b_lg_r1, W_lg_fuse, b_lg_fuse, gamma_lg, beta_lg):
    src_g = edge_index_g[0].reshape(-1, CHUNK)
    dst_g = edge_index_g[1].reshape(-1, CHUNK)
    src_lg = edge_index_lg[0]
    dst_lg = edge_index_lg[1]

    fuse_g_in, fuse_lg_in = _dual_matmul(pm_pd, lg_x, x)

    zeros_g = jnp.zeros((N_NODES, DIM), jnp.float32)
    zeros_lg = jnp.zeros((LG_ACC_ROWS, DIM), jnp.float32)

    clamped = []
    for rng in range(N_EDGES // LG_RANGE):
        loc = dst_lg - rng * LG_RANGE
        ok = (loc >= 0) & (loc < LG_RANGE)
        clamped.append(jnp.where(ok, loc, LG_RANGE).reshape(-1, CHUNK))
    dstall_lg = jnp.concatenate(clamped, axis=0)
    src_lg2 = src_lg.reshape(-1, CHUNK)

    p1 = _make_seg_partial(1, N_EDGES, N_NODES)(x, src_g, dst_g, zeros_g)
    p2 = _make_seg_partial(2, N_EDGES, N_NODES)(
        p1[:N_NODES], p1[N_NODES:], src_g, dst_g, zeros_g)

    lg_kern = _make_seg_ranged(N_LG_EDGES, N_EDGES)

    def _lg_round(tab, _):
        out = lg_kern(tab, src_lg2, dstall_lg, zeros_lg)
        return out, out

    _, zl = lax.scan(_lg_round, lg_x, None, length=2)
    z1l, z2l = zl[0], zl[1]

    out_g = _core(x, deg_g,
                  (p1[:N_NODES], p1[N_NODES:], p2[:N_NODES], p2[N_NODES:]),
                  fuse_g_in,
                  W_g_prev, b_g_prev, W_g_deg, b_g_deg, W_g_r0, b_g_r0,
                  W_g_r1, b_g_r1, W_g_fuse, b_g_fuse, gamma_g, beta_g,
                  block_r=512)
    out_lg = _core(lg_x, deg_lg, (z1l, z2l), fuse_lg_in,
                   W_lg_prev, b_lg_prev, W_lg_deg, b_lg_deg, W_lg_r0, b_lg_r0,
                   W_lg_r1, b_lg_r1, W_lg_fuse, b_lg_fuse, gamma_lg, beta_lg,
                   block_r=512)
    return (out_g, out_lg)

# --- scband reference (transcript-rebuilt; emitter-appended) ---
"""Pipeline reference for scband-lgnnlayer-77884936945809 (READ-ONLY COPY).

The authoritative reference and input builder live on the scoring server;
editing this copy changes nothing except your own understanding.
"""

import jax, jax.numpy as jnp
import numpy as np

N = 2048
E = 32768
E_LG = 131072
D = 128
RADIUS = 2


def setup_inputs(seed: int = 0):
    key = jax.random.key(seed)
    ks = jax.random.split(key, 64)
    inp = {}
    inp["x"] = jax.random.normal(ks[0], (N, D), jnp.float32)
    inp["lg_x"] = jax.random.normal(ks[1], (E, D), jnp.float32)
    inp["deg_g"] = jax.random.uniform(ks[2], (N, 1), jnp.float32)
    inp["deg_lg"] = jax.random.uniform(ks[3], (E, 1), jnp.float32)
    inp["pm_pd"] = jax.random.normal(ks[4], (N, E), jnp.float32) * 0.01
    inp["edge_index_g"] = jax.random.randint(ks[5], (2, E), 0, N, jnp.int32)
    inp["edge_index_lg"] = jax.random.randint(ks[6], (2, E_LG), 0, E, jnp.int32)
    i = 7
    for pre in ["g", "lg"]:
        for name in ["prev", "deg", "r0", "r1", "fuse"]:
            inp["W_%s_%s" % (pre, name)] = jax.random.normal(ks[i], (D, D), jnp.float32) / np.sqrt(D)
            i += 1
            inp["b_%s_%s" % (pre, name)] = jnp.zeros((D,), jnp.float32)
        inp["gamma_%s" % pre] = jnp.ones((D,), jnp.float32)
        inp["beta_%s" % pre] = jnp.zeros((D,), jnp.float32)
    return inp


def _aggregate_radius(radius, src, dst, num_nodes, z):
    # copy_src + sum message passing: z_new[dst] += z[src]
    z_list = []
    z = jax.ops.segment_sum(z[src], dst, num_segments=num_nodes)
    z_list.append(z)
    for i in range(radius - 1):
        for _ in range(2 ** i):
            z = jax.ops.segment_sum(z[src], dst, num_segments=num_nodes)
        z_list.append(z)
    return z_list


def _lgnn_core(edge_index, num_nodes, feat_a, feat_b, deg, pm_pd, Wp, bp, Wd, bd, Wrs, brs, Wf, bf, gamma, beta):
    src = edge_index[0]
    dst = edge_index[1]
    prev_proj = feat_a @ Wp + bp
    deg_proj = (deg * feat_a) @ Wd + bd
    hops = _aggregate_radius(RADIUS, src, dst, num_nodes, feat_a)
    radius_proj = hops[0] @ Wrs[0] + brs[0]
    for h, W, b in zip(hops[1:], Wrs[1:], brs[1:]):
        radius_proj = radius_proj + h @ W + b
    fuse = (pm_pd @ feat_b) @ Wf + bf
    result = prev_proj + deg_proj + radius_proj + fuse
    n = result.shape[1] // 2
    result = jnp.concatenate([result[:, :n], jax.nn.relu(result[:, n:])], axis=1)
    mean = jnp.mean(result, axis=0)
    var = jnp.var(result, axis=0)
    result = (result - mean) / jnp.sqrt(var + 1e-5) * gamma + beta
    return result


def reference(x, lg_x, deg_g, deg_lg, pm_pd, edge_index_g, edge_index_lg,
              W_g_prev, b_g_prev, W_g_deg, b_g_deg, W_g_r0, b_g_r0, W_g_r1, b_g_r1,
              W_g_fuse, b_g_fuse, gamma_g, beta_g,
              W_lg_prev, b_lg_prev, W_lg_deg, b_lg_deg, W_lg_r0, b_lg_r0, W_lg_r1, b_lg_r1,
              W_lg_fuse, b_lg_fuse, gamma_lg, beta_lg):
    next_x = _lgnn_core(edge_index_g, N, x, lg_x, deg_g, pm_pd,
                        W_g_prev, b_g_prev, W_g_deg, b_g_deg,
                        [W_g_r0, W_g_r1], [b_g_r0, b_g_r1],
                        W_g_fuse, b_g_fuse, gamma_g, beta_g)
    next_lg_x = _lgnn_core(edge_index_lg, E, lg_x, x, deg_lg, pm_pd.T,
                           W_lg_prev, b_lg_prev, W_lg_deg, b_lg_deg,
                           [W_lg_r0, W_lg_r1], [b_lg_r0, b_lg_r1],
                           W_lg_fuse, b_lg_fuse, gamma_lg, beta_lg)
    return (next_x, next_lg_x)

if __name__ == "__main__":
    import jax
    _d = setup_inputs()
    print(jax.jit(kernel)(*tuple(_d.values())))

</pallas_src>

<mosaic_0001>
#map = affine_map<(d0, d1) -> (0, 0)>
module attributes {stable_mosaic.version = 14 : i64} {
  func.func @body(%arg0: i32, %arg1: i32, %arg2: memref<2048x128xf32, #tpu.memory_space<hbm>>, %arg3: memref<2048x128xf32, #tpu.memory_space<hbm>>, %arg4: memref<256x128xi32, #tpu.memory_space<hbm>>, %arg5: memref<256x128xi32, #tpu.memory_space<hbm>>, %arg6: memref<2048x128xf32, #tpu.memory_space<hbm>>, %arg7: memref<4096x128xf32, #tpu.memory_space<hbm>>, %arg8: memref<8x128xi32, #tpu.memory_space<vmem>>, %arg9: memref<8x128xi32, #tpu.memory_space<vmem>>, %arg10: memref<512x128xf32, #tpu.memory_space<vmem>>, %arg11: memref<2048x128xf32, #tpu.memory_space<vmem_shared>>, %arg12: memref<!tpu.dma_semaphore, #tpu.memory_space<semaphore_mem>>, %arg13: memref<!tpu.dma_semaphore, #tpu.memory_space<semaphore_mem>>, %arg14: memref<!tpu.dma_semaphore, #tpu.memory_space<semaphore_mem>>, %arg15: memref<!tpu.dma_semaphore, #tpu.memory_space<semaphore_mem>>, %arg16: memref<!tpu.dma_semaphore, #tpu.memory_space<semaphore_mem>>) attributes {dimension_semantics = [#tpu.dimension_semantics<core_parallel>, #tpu.dimension_semantics<subcore_parallel>], iteration_bounds = array<i64: 2, 16>, scalar_prefetch = 0 : i64, scratch_operands = 9 : i64, tpu.core_type = #tpu.core_type<sc_vector_subcore>, window_params = [{transform_indices = #map}, {transform_indices = #map}, {transform_indices = #map}, {transform_indices = #map}, {transform_indices = #map}, {transform_indices = #map}]} {
    %mul3A = arith.constant 128 : i32
    %mul3A_0 = arith.muli %arg1, %mul3A : i32
    "tpu.region"() ({
      %run_scoped3A = tpu.sem_alloc : memref<!tpu.dma_semaphore, #tpu.memory_space<semaphore_mem>>
      %dma_start3A = arith.constant 0 : i32
      %dma_start3A_14 = tpu.memref_slice %arg11[%mul3A_0, %dma_start3A] : memref<2048x128xf32, #tpu.memory_space<vmem_shared>> -> memref<128x128xf32, #tpu.memory_space<vmem_shared>>
      %dma_start3A_15 = arith.constant 0 : i32
      %dma_start3A_16 = tpu.memref_slice %arg6[%mul3A_0, %dma_start3A_15] : memref<2048x128xf32, #tpu.memory_space<hbm>> -> memref<128x128xf32, #tpu.memory_space<hbm>>
      tpu.enqueue_dma source(%dma_start3A_16 : memref<128x128xf32, #tpu.memory_space<hbm>>) target(%dma_start3A_14 : memref<128x128xf32, #tpu.memory_space<vmem_shared>>) target_semaphore(%run_scoped3A : memref<!tpu.dma_semaphore, #tpu.memory_space<semaphore_mem>>)
      %dma_wait3A = arith.constant 0 : i32
      %dma_wait3A_17 = tpu.memref_slice %arg11[%mul3A_0, %dma_wait3A] : memref<2048x128xf32, #tpu.memory_space<vmem_shared>> -> memref<128x128xf32, #tpu.memory_space<vmem_shared>>
      %dma_wait3A_18 = arith.constant 0 : i32
      %dma_wait3A_19 = tpu.memref_slice %arg6[%mul3A_0, %dma_wait3A_18] : memref<2048x128xf32, #tpu.memory_space<hbm>> -> memref<128x128xf32, #tpu.memory_space<hbm>>
      tpu.wait_dma2 semaphore(%run_scoped3A : memref<!tpu.dma_semaphore, #tpu.memory_space<semaphore_mem>>) src(%dma_wait3A_19 : memref<128x128xf32, #tpu.memory_space<hbm>>) dst(%dma_wait3A_17 : memref<128x128xf32, #tpu.memory_space<vmem_shared>>)
      tpu.yield
    }) : () -> ()
    %mul3A_1 = arith.constant 16 : i32
    %mul3A_2 = arith.muli %arg0, %mul3A_1 : i32
    %add3A = arith.addi %mul3A_2, %arg1 : i32
    %mul3A_3 = arith.constant 8 : i32
    %mul3A_4 = arith.muli %add3A, %mul3A_3 : i32
    "tpu.region"() ({
      %run_scoped3A = tpu.sem_alloc : memref<!tpu.dma_semaphore, #tpu.memory_space<semaphore_mem>>
      %dma_start3A = arith.constant 0 : i32
      %dma_start3A_14 = tpu.memref_slice %arg4[%mul3A_4, %dma_start3A] : memref<256x128xi32, #tpu.memory_space<hbm>> -> memref<8x128xi32, #tpu.memory_space<hbm>>
      %dma_start3A_15 = arith.constant 0 : i32
      %dma_start3A_16 = tpu.memref_slice %arg4[%mul3A_4, %dma_start3A_15] : memref<256x128xi32, #tpu.memory_space<hbm>> -> memref<8x128xi32, #tpu.memory_space<hbm>>
      tpu.enqueue_dma source(%dma_start3A_16 : memref<8x128xi32, #tpu.memory_space<hbm>>) target(%arg8 : memref<8x128xi32, #tpu.memory_space<vmem>>) target_semaphore(%run_scoped3A : memref<!tpu.dma_semaphore, #tpu.memory_space<semaphore_mem>>)
      %dma_wait3A = arith.constant 0 : i32
      %dma_wait3A_17 = tpu.memref_slice %arg4[%mul3A_4, %dma_wait3A] : memref<256x128xi32, #tpu.memory_space<hbm>> -> memref<8x128xi32, #tpu.memory_space<hbm>>
      %dma_wait3A_18 = arith.constant 0 : i32
      %dma_wait3A_19 = tpu.memref_slice %arg4[%mul3A_4, %dma_wait3A_18] : memref<256x128xi32, #tpu.memory_space<hbm>> -> memref<8x128xi32, #tpu.memory_space<hbm>>
      tpu.wait_dma2 semaphore(%run_scoped3A : memref<!tpu.dma_semaphore, #tpu.memory_space<semaphore_mem>>) src(%dma_wait3A_19 : memref<8x128xi32, #tpu.memory_space<hbm>>) dst(%arg8 : memref<8x128xi32, #tpu.memory_space<vmem>>)
      tpu.yield
    }) : () -> ()
    "tpu.region"() ({
      %run_scoped3A = tpu.sem_alloc : memref<!tpu.dma_semaphore, #tpu.memory_space<semaphore_mem>>
      %dma_start3A = arith.constant 0 : i32
      %dma_start3A_14 = tpu.memref_slice %arg5[%mul3A_4, %dma_start3A] : memref<256x128xi32, #tpu.memory_space<hbm>> -> memref<8x128xi32, #tpu.memory_space<hbm>>
      %dma_start3A_15 = arith.constant 0 : i32
      %dma_start3A_16 = tpu.memref_slice %arg5[%mul3A_4, %dma_start3A_15] : memref<256x128xi32, #tpu.memory_space<hbm>> -> memref<8x128xi32, #tpu.memory_space<hbm>>
      tpu.enqueue_dma source(%dma_start3A_16 : memref<8x128xi32, #tpu.memory_space<hbm>>) target(%arg9 : memref<8x128xi32, #tpu.memory_space<vmem>>) target_semaphore(%run_scoped3A : memref<!tpu.dma_semaphore, #tpu.memory_space<semaphore_mem>>)
      %dma_wait3A = arith.constant 0 : i32
      %dma_wait3A_17 = tpu.memref_slice %arg5[%mul3A_4, %dma_wait3A] : memref<256x128xi32, #tpu.memory_space<hbm>> -> memref<8x128xi32, #tpu.memory_space<hbm>>
      %dma_wait3A_18 = arith.constant 0 : i32
      %dma_wait3A_19 = tpu.memref_slice %arg5[%mul3A_4, %dma_wait3A_18] : memref<256x128xi32, #tpu.memory_space<hbm>> -> memref<8x128xi32, #tpu.memory_space<hbm>>
      tpu.wait_dma2 semaphore(%run_scoped3A : memref<!tpu.dma_semaphore, #tpu.memory_space<semaphore_mem>>) src(%dma_wait3A_19 : memref<8x128xi32, #tpu.memory_space<hbm>>) dst(%arg9 : memref<8x128xi32, #tpu.memory_space<vmem>>)
      tpu.yield
    }) : () -> ()
    %barrier3A = arith.constant 0 : index
    tpu.barrier barrier_id(%barrier3A)
    %scan3A = arith.constant 0 : i32
    %scan3A_5 = arith.constant 0 : i32
    %scan3A_6 = arith.constant 4 : i32
    %scan3A_7 = arith.addi %scan3A_5, %scan3A_6 : i32
    %scan3A_8 = arith.constant 1 : i32
    scf.for %scan3A_14 = %scan3A_5 to %scan3A_7 step %scan3A_8  : i32 {
      %mul3A_15 = arith.constant 2 : i32
      %mul3A_16 = arith.muli %scan3A_14, %mul3A_15 : i32
      %add3A_17 = arith.constant 0 : i32
      %add3A_18 = arith.addi %mul3A_16, %add3A_17 : i32
      %dma_start3A = arith.constant 0 : i32
      %dma_start3A_19 = arith.constant 0 : i32
      %dma_start3A_20 = tpu.memref_slice %arg10[%dma_start3A, %dma_start3A_19] : memref<512x128xf32, #tpu.memory_space<vmem>> -> memref<128x128xf32, #tpu.memory_space<vmem>>
      %dma_start3A_21 = arith.constant 0 : i32
      %dma_start3A_22 = tpu.memref_slice %arg8[%add3A_18, %dma_start3A_21] : memref<8x128xi32, #tpu.memory_space<vmem>> -> memref<1x128xi32, #tpu.memory_space<vmem>>
      %dma_start3A_23 = tpu.memref_squeeze %dma_start3A_22 : memref<1x128xi32, #tpu.memory_space<vmem>> -> memref<128xi32, #tpu.memory_space<vmem>>
      %dma_start3A_24 = arith.constant 0 : i32
      %dma_start3A_25 = arith.constant 0 : i32
      %dma_start3A_26 = tpu.memref_slice %arg2[%dma_start3A_24, %dma_start3A_25] : memref<2048x128xf32, #tpu.memory_space<hbm>> -> memref<2048x128xf32, #tpu.memory_space<hbm>>
      tpu.enqueue_indirect_dma source(%dma_start3A_26 : memref<2048x128xf32, #tpu.memory_space<hbm>>) target(%dma_start3A_20 : memref<128x128xf32, #tpu.memory_space<vmem>>) offsets(%dma_start3A_23 : memref<128xi32, #tpu.memory_space<vmem>>) semaphore(%arg12 : memref<!tpu.dma_semaphore, #tpu.memory_space<semaphore_mem>>)
      %dma_start3A_27 = arith.constant 128 : i32
      %dma_start3A_28 = arith.constant 0 : i32
      %dma_start3A_29 = tpu.memref_slice %arg10[%dma_start3A_27, %dma_start3A_28] : memref<512x128xf32, #tpu.memory_space<vmem>> -> memref<128x128xf32, #tpu.memory_space<vmem>>
      %dma_start3A_30 = arith.constant 0 : i32
      %dma_start3A_31 = tpu.memref_slice %arg8[%add3A_18, %dma_start3A_30] : memref<8x128xi32, #tpu.memory_space<vmem>> -> memref<1x128xi32, #tpu.memory_space<vmem>>
      %dma_start3A_32 = tpu.memref_squeeze %dma_start3A_31 : memref<1x128xi32, #tpu.memory_space<vmem>> -> memref<128xi32, #tpu.memory_space<vmem>>
      %dma_start3A_33 = arith.constant 0 : i32
      %dma_start3A_34 = arith.constant 0 : i32
      %dma_start3A_35 = tpu.memref_slice %arg3[%dma_start3A_33, %dma_start3A_34] : memref<2048x128xf32, #tpu.memory_space<hbm>> -> memref<2048x128xf32, #tpu.memory_space<hbm>>
      tpu.enqueue_indirect_dma source(%dma_start3A_35 : memref<2048x128xf32, #tpu.memory_space<hbm>>) target(%dma_start3A_29 : memref<128x128xf32, #tpu.memory_space<vmem>>) offsets(%dma_start3A_32 : memref<128xi32, #tpu.memory_space<vmem>>) semaphore(%arg13 : memref<!tpu.dma_semaphore, #tpu.memory_space<semaphore_mem>>)
      %mul3A_36 = arith.constant 2 : i32
      %mul3A_37 = arith.muli %scan3A_14, %mul3A_36 : i32
      %add3A_38 = arith.constant 1 : i32
      %add3A_39 = arith.addi %mul3A_37, %add3A_38 : i32
      %dma_start3A_40 = arith.constant 256 : i32
      %dma_start3A_41 = arith.constant 0 : i32
      %dma_start3A_42 = tpu.memref_slice %arg10[%dma_start3A_40, %dma_start3A_41] : memref<512x128xf32, #tpu.memory_space<vmem>> -> memref<128x128xf32, #tpu.memory_space<vmem>>
      %dma_start3A_43 = arith.constant 0 : i32
      %dma_start3A_44 = tpu.memref_slice %arg8[%add3A_39, %dma_start3A_43] : memref<8x128xi32, #tpu.memory_space<vmem>> -> memref<1x128xi32, #tpu.memory_space<vmem>>
      %dma_start3A_45 = tpu.memref_squeeze %dma_start3A_44 : memref<1x128xi32, #tpu.memory_space<vmem>> -> memref<128xi32, #tpu.memory_space<vmem>>
      %dma_start3A_46 = arith.constant 0 : i32
      %dma_start3A_47 = arith.constant 0 : i32
      %dma_start3A_48 = tpu.memref_slice %arg2[%dma_start3A_46, %dma_start3A_47] : memref<2048x128xf32, #tpu.memory_space<hbm>> -> memref<2048x128xf32, #tpu.memory_space<hbm>>
      tpu.enqueue_indirect_dma source(%dma_start3A_48 : memref<2048x128xf32, #tpu.memory_space<hbm>>) target(%dma_start3A_42 : memref<128x128xf32, #tpu.memory_space<vmem>>) offsets(%dma_start3A_45 : memref<128xi32, #tpu.memory_space<vmem>>) semaphore(%arg14 : memref<!tpu.dma_semaphore, #tpu.memory_space<semaphore_mem>>)
      %dma_start3A_49 = arith.constant 384 : i32
      %dma_start3A_50 = arith.constant 0 : i32
      %dma_start3A_51 = tpu.memref_slice %arg10[%dma_start3A_49, %dma_start3A_50] : memref<512x128xf32, #tpu.memory_space<vmem>> -> memref<128x128xf32, #tpu.memory_space<vmem>>
      %dma_start3A_52 = arith.constant 0 : i32
      %dma_start3A_53 = tpu.memref_slice %arg8[%add3A_39, %dma_start3A_52] : memref<8x128xi32, #tpu.memory_space<vmem>> -> memref<1x128xi32, #tpu.memory_space<vmem>>
      %dma_start3A_54 = tpu.memref_squeeze %dma_start3A_53 : memref<1x128xi32, #tpu.memory_space<vmem>> -> memref<128xi32, #tpu.memory_space<vmem>>
      %dma_start3A_55 = arith.constant 0 : i32
      %dma_start3A_56 = arith.constant 0 : i32
      %dma_start3A_57 = tpu.memref_slice %arg3[%dma_start3A_55, %dma_start3A_56] : memref<2048x128xf32, #tpu.memory_space<hbm>> -> memref<2048x128xf32, #tpu.memory_space<hbm>>
      tpu.enqueue_indirect_dma source(%dma_start3A_57 : memref<2048x128xf32, #tpu.memory_space<hbm>>) target(%dma_start3A_51 : memref<128x128xf32, #tpu.memory_space<vmem>>) offsets(%dma_start3A_54 : memref<128xi32, #tpu.memory_space<vmem>>) semaphore(%arg15 : memref<!tpu.dma_semaphore, #tpu.memory_space<semaphore_mem>>)
      %mul3A_58 = arith.constant 2 : i32
      %mul3A_59 = arith.muli %scan3A_14, %mul3A_58 : i32
      %add3A_60 = arith.constant 0 : i32
      %add3A_61 = arith.addi %mul3A_59, %add3A_60 : i32
      %dma_wait3A = arith.constant 0 : i32
      %dma_wait3A_62 = arith.constant 0 : i32
      %dma_wait3A_63 = tpu.memref_slice %arg10[%dma_wait3A, %dma_wait3A_62] : memref<512x128xf32, #tpu.memory_space<vmem>> -> memref<128x128xf32, #tpu.memory_space<vmem>>
      %dma_wait3A_64 = arith.constant 0 : i32
      %dma_wait3A_65 = tpu.memref_slice %arg8[%add3A_18, %dma_wait3A_64] : memref<8x128xi32, #tpu.memory_space<vmem>> -> memref<1x128xi32, #tpu.memory_space<vmem>>
      %dma_wait3A_66 = tpu.memref_squeeze %dma_wait3A_65 : memref<1x128xi32, #tpu.memory_space<vmem>> -> memref<128xi32, #tpu.memory_space<vmem>>
      %dma_wait3A_67 = arith.constant 0 : i32
      %dma_wait3A_68 = arith.constant 0 : i32
      %dma_wait3A_69 = tpu.memref_slice %arg2[%dma_wait3A_67, %dma_wait3A_68] : memref<2048x128xf32, #tpu.memory_space<hbm>> -> memref<2048x128xf32, #tpu.memory_space<hbm>>
      tpu.wait_indirect_dma semaphore(%arg12 : memref<!tpu.dma_semaphore, #tpu.memory_space<semaphore_mem>>) src(%dma_wait3A_69 : memref<2048x128xf32, #tpu.memory_space<hbm>>) dst(%dma_wait3A_63 : memref<128x128xf32, #tpu.memory_space<vmem>>)
      %dma_start3A_70 = arith.constant 0 : i32
      %dma_start3A_71 = arith.constant 0 : i32
      %dma_start3A_72 = tpu.memref_slice %arg10[%dma_start3A_70, %dma_start3A_71] : memref<512x128xf32, #tpu.memory_space<vmem>> -> memref<128x128xf32, #tpu.memory_space<vmem>>
      %dma_start3A_73 = arith.constant 0 : i32
      %dma_start3A_74 = tpu.memref_slice %arg9[%add3A_61, %dma_start3A_73] : memref<8x128xi32, #tpu.memory_space<vmem>> -> memref<1x128xi32, #tpu.memory_space<vmem>>
      %dma_start3A_75 = tpu.memref_squeeze %dma_start3A_74 : memref<1x128xi32, #tpu.memory_space<vmem>> -> memref<128xi32, #tpu.memory_space<vmem>>
      %dma_start3A_76 = arith.constant 0 : i32
      %dma_start3A_77 = arith.constant 0 : i32
      %dma_start3A_78 = tpu.memref_slice %arg11[%dma_start3A_76, %dma_start3A_77] : memref<2048x128xf32, #tpu.memory_space<vmem_shared>> -> memref<2048x128xf32, #tpu.memory_space<vmem_shared>>
      tpu.enqueue_indirect_dma source(%dma_start3A_72 : memref<128x128xf32, #tpu.memory_space<vmem>>) target(%dma_start3A_78 : memref<2048x128xf32, #tpu.memory_space<vmem_shared>>) offsets(%dma_start3A_75 : memref<128xi32, #tpu.memory_space<vmem>>) semaphore(%arg16 : memref<!tpu.dma_semaphore, #tpu.memory_space<semaphore_mem>>) {add = true}
      %dma_wait3A_79 = arith.constant 128 : i32
      %dma_wait3A_80 = arith.constant 0 : i32
      %dma_wait3A_81 = tpu.memref_slice %arg10[%dma_wait3A_79, %dma_wait3A_80] : memref<512x128xf32, #tpu.memory_space<vmem>> -> memref<128x128xf32, #tpu.memory_space<vmem>>
      %dma_wait3A_82 = arith.constant 0 : i32
      %dma_wait3A_83 = tpu.memref_slice %arg8[%add3A_18, %dma_wait3A_82] : memref<8x128xi32, #tpu.memory_space<vmem>> -> memref<1x128xi32, #tpu.memory_space<vmem>>
      %dma_wait3A_84 = tpu.memref_squeeze %dma_wait3A_83 : memref<1x128xi32, #tpu.memory_space<vmem>> -> memref<128xi32, #tpu.memory_space<vmem>>
      %dma_wait3A_85 = arith.constant 0 : i32
      %dma_wait3A_86 = arith.constant 0 : i32
      %dma_wait3A_87 = tpu.memref_slice %arg3[%dma_wait3A_85, %dma_wait3A_86] : memref<2048x128xf32, #tpu.memory_space<hbm>> -> memref<2048x128xf32, #tpu.memory_space<hbm>>
      tpu.wait_indirect_dma semaphore(%arg13 : memref<!tpu.dma_semaphore, #tpu.memory_space<semaphore_mem>>) src(%dma_wait3A_87 : memref<2048x128xf32, #tpu.memory_space<hbm>>) dst(%dma_wait3A_81 : memref<128x128xf32, #tpu.memory_space<vmem>>)
      %dma_start3A_88 = arith.constant 128 : i32
      %dma_start3A_89 = arith.constant 0 : i32
      %dma_start3A_90 = tpu.memref_slice %arg10[%dma_start3A_88, %dma_start3A_89] : memref<512x128xf32, #tpu.memory_space<vmem>> -> memref<128x128xf32, #tpu.memory_space<vmem>>
      %dma_start3A_91 = arith.constant 0 : i32
      %dma_start3A_92 = tpu.memref_slice %arg9[%add3A_61, %dma_start3A_91] : memref<8x128xi32, #tpu.memory_space<vmem>> -> memref<1x128xi32, #tpu.memory_space<vmem>>
      %dma_start3A_93 = tpu.memref_squeeze %dma_start3A_92 : memref<1x128xi32, #tpu.memory_space<vmem>> -> memref<128xi32, #tpu.memory_space<vmem>>
      %dma_start3A_94 = arith.constant 0 : i32
      %dma_start3A_95 = arith.constant 0 : i32
      %dma_start3A_96 = tpu.memref_slice %arg11[%dma_start3A_94, %dma_start3A_95] : memref<2048x128xf32, #tpu.memory_space<vmem_shared>> -> memref<2048x128xf32, #tpu.memory_space<vmem_shared>>
      tpu.enqueue_indirect_dma source(%dma_start3A_90 : memref<128x128xf32, #tpu.memory_space<vmem>>) target(%dma_start3A_96 : memref<2048x128xf32, #tpu.memory_space<vmem_shared>>) offsets(%dma_start3A_93 : memref<128xi32, #tpu.memory_space<vmem>>) semaphore(%arg16 : memref<!tpu.dma_semaphore, #tpu.memory_space<semaphore_mem>>) {add = true}
      %mul3A_97 = arith.constant 2 : i32
      %mul3A_98 = arith.muli %scan3A_14, %mul3A_97 : i32
      %add3A_99 = arith.constant 1 : i32
      %add3A_100 = arith.addi %mul3A_98, %add3A_99 : i32
      %dma_wait3A_101 = arith.constant 256 : i32
      %dma_wait3A_102 = arith.constant 0 : i32
      %dma_wait3A_103 = tpu.memref_slice %arg10[%dma_wait3A_101, %dma_wait3A_102] : memref<512x128xf32, #tpu.memory_space<vmem>> -> memref<128x128xf32, #tpu.memory_space<vmem>>
      %dma_wait3A_104 = arith.constant 0 : i32
      %dma_wait3A_105 = tpu.memref_slice %arg8[%add3A_39, %dma_wait3A_104] : memref<8x128xi32, #tpu.memory_space<vmem>> -> memref<1x128xi32, #tpu.memory_space<vmem>>
      %dma_wait3A_106 = tpu.memref_squeeze %dma_wait3A_105 : memref<1x128xi32, #tpu.memory_space<vmem>> -> memref<128xi32, #tpu.memory_space<vmem>>
      %dma_wait3A_107 = arith.constant 0 : i32
      %dma_wait3A_108 = arith.constant 0 : i32
      %dma_wait3A_109 = tpu.memref_slice %arg2[%dma_wait3A_107, %dma_wait3A_108] : memref<2048x128xf32, #tpu.memory_space<hbm>> -> memref<2048x128xf32, #tpu.memory_space<hbm>>
      tpu.wait_indirect_dma semaphore(%arg14 : memref<!tpu.dma_semaphore, #tpu.memory_space<semaphore_mem>>) src(%dma_wait3A_109 : memref<2048x128xf32, #tpu.memory_space<hbm>>) dst(%dma_wait3A_103 : memref<128x128xf32, #tpu.memory_space<vmem>>)
      %dma_start3A_110 = arith.constant 256 : i32
      %dma_start3A_111 = arith.constant 0 : i32
      %dma_start3A_112 = tpu.memref_slice %arg10[%dma_start3A_110, %dma_start3A_111] : memref<512x128xf32, #tpu.memory_space<vmem>> -> memref<128x128xf32, #tpu.memory_space<vmem>>
      %dma_start3A_113 = arith.constant 0 : i32
      %dma_start3A_114 = tpu.memref_slice %arg9[%add3A_100, %dma_start3A_113] : memref<8x128xi32, #tpu.memory_space<vmem>> -> memref<1x128xi32, #tpu.memory_space<vmem>>
      %dma_start3A_115 = tpu.memref_squeeze %dma_start3A_114 : memref<1x128xi32, #tpu.memory_space<vmem>> -> memref<128xi32, #tpu.memory_space<vmem>>
      %dma_start3A_116 = arith.constant 0 : i32
      %dma_start3A_117 = arith.constant 0 : i32
      %dma_start3A_118 = tpu.memref_slice %arg11[%dma_start3A_116, %dma_start3A_117] : memref<2048x128xf32, #tpu.memory_space<vmem_shared>> -> memref<2048x128xf32, #tpu.memory_space<vmem_shared>>
      tpu.enqueue_indirect_dma source(%dma_start3A_112 : memref<128x128xf32, #tpu.memory_space<vmem>>) target(%dma_start3A_118 : memref<2048x128xf32, #tpu.memory_space<vmem_shared>>) offsets(%dma_start3A_115 : memref<128xi32, #tpu.memory_space<vmem>>) semaphore(%arg16 : memref<!tpu.dma_semaphore, #tpu.memory_space<semaphore_mem>>) {add = true}
      %dma_wait3A_119 = arith.constant 384 : i32
      %dma_wait3A_120 = arith.constant 0 : i32
      %dma_wait3A_121 = tpu.memref_slice %arg10[%dma_wait3A_119, %dma_wait3A_120] : memref<512x128xf32, #tpu.memory_space<vmem>> -> memref<128x128xf32, #tpu.memory_space<vmem>>
      %dma_wait3A_122 = arith.constant 0 : i32
      %dma_wait3A_123 = tpu.memref_slice %arg8[%add3A_39, %dma_wait3A_122] : memref<8x128xi32, #tpu.memory_space<vmem>> -> memref<1x128xi32, #tpu.memory_space<vmem>>
      %dma_wait3A_124 = tpu.memref_squeeze %dma_wait3A_123 : memref<1x128xi32, #tpu.memory_space<vmem>> -> memref<128xi32, #tpu.memory_space<vmem>>
      %dma_wait3A_125 = arith.constant 0 : i32
      %dma_wait3A_126 = arith.constant 0 : i32
      %dma_wait3A_127 = tpu.memref_slice %arg3[%dma_wait3A_125, %dma_wait3A_126] : memref<2048x128xf32, #tpu.memory_space<hbm>> -> memref<2048x128xf32, #tpu.memory_space<hbm>>
      tpu.wait_indirect_dma semaphore(%arg15 : memref<!tpu.dma_semaphore, #tpu.memory_space<semaphore_mem>>) src(%dma_wait3A_127 : memref<2048x128xf32, #tpu.memory_space<hbm>>) dst(%dma_wait3A_121 : memref<128x128xf32, #tpu.memory_space<vmem>>)
      %dma_start3A_128 = arith.constant 384 : i32
      %dma_start3A_129 = arith.constant 0 : i32
      %dma_start3A_130 = tpu.memref_slice %arg10[%dma_start3A_128, %dma_start3A_129] : memref<512x128xf32, #tpu.memory_space<vmem>> -> memref<128x128xf32, #tpu.memory_space<vmem>>
      %dma_start3A_131 = arith.constant 0 : i32
      %dma_start3A_132 = tpu.memref_slice %arg9[%add3A_100, %dma_start3A_131] : memref<8x128xi32, #tpu.memory_space<vmem>> -> memref<1x128xi32, #tpu.memory_space<vmem>>
      %dma_start3A_133 = tpu.memref_squeeze %dma_start3A_132 : memref<1x128xi32, #tpu.memory_space<vmem>> -> memref<128xi32, #tpu.memory_space<vmem>>
      %dma_start3A_134 = arith.constant 0 : i32
      %dma_start3A_135 = arith.constant 0 : i32
      %dma_start3A_136 = tpu.memref_slice %arg11[%dma_start3A_134, %dma_start3A_135] : memref<2048x128xf32, #tpu.memory_space<vmem_shared>> -> memref<2048x128xf32, #tpu.memory_space<vmem_shared>>
      tpu.enqueue_indirect_dma source(%dma_start3A_130 : memref<128x128xf32, #tpu.memory_space<vmem>>) target(%dma_start3A_136 : memref<2048x128xf32, #tpu.memory_space<vmem_shared>>) offsets(%dma_start3A_133 : memref<128xi32, #tpu.memory_space<vmem>>) semaphore(%arg16 : memref<!tpu.dma_semaphore, #tpu.memory_space<semaphore_mem>>) {add = true}
      %dma_wait3A_137 = arith.constant 0 : i32
      %dma_wait3A_138 = arith.constant 0 : i32
      %dma_wait3A_139 = tpu.memref_slice %arg10[%dma_wait3A_137, %dma_wait3A_138] : memref<512x128xf32, #tpu.memory_space<vmem>> -> memref<128x128xf32, #tpu.memory_space<vmem>>
      %dma_wait3A_140 = arith.constant 0 : i32
      %dma_wait3A_141 = tpu.memref_slice %arg9[%add3A_61, %dma_wait3A_140] : memref<8x128xi32, #tpu.memory_space<vmem>> -> memref<1x128xi32, #tpu.memory_space<vmem>>
      %dma_wait3A_142 = tpu.memref_squeeze %dma_wait3A_141 : memref<1x128xi32, #tpu.memory_space<vmem>> -> memref<128xi32, #tpu.memory_space<vmem>>
      %dma_wait3A_143 = arith.constant 0 : i32
      %dma_wait3A_144 = arith.constant 0 : i32
      %dma_wait3A_145 = tpu.memref_slice %arg11[%dma_wait3A_143, %dma_wait3A_144] : memref<2048x128xf32, #tpu.memory_space<vmem_shared>> -> memref<2048x128xf32, #tpu.memory_space<vmem_shared>>
      tpu.wait_indirect_dma semaphore(%arg16 : memref<!tpu.dma_semaphore, #tpu.memory_space<semaphore_mem>>) src(%dma_wait3A_139 : memref<128x128xf32, #tpu.memory_space<vmem>>) dst(%dma_wait3A_145 : memref<2048x128xf32, #tpu.memory_space<vmem_shared>>)
      %dma_wait3A_146 = arith.constant 128 : i32
      %dma_wait3A_147 = arith.constant 0 : i32
      %dma_wait3A_148 = tpu.memref_slice %arg10[%dma_wait3A_146, %dma_wait3A_147] : memref<512x128xf32, #tpu.memory_space<vmem>> -> memref<128x128xf32, #tpu.memory_space<vmem>>
      %dma_wait3A_149 = arith.constant 0 : i32
      %dma_wait3A_150 = tpu.memref_slice %arg9[%add3A_61, %dma_wait3A_149] : memref<8x128xi32, #tpu.memory_space<vmem>> -> memref<1x128xi32, #tpu.memory_space<vmem>>
      %dma_wait3A_151 = tpu.memref_squeeze %dma_wait3A_150 : memref<1x128xi32, #tpu.memory_space<vmem>> -> memref<128xi32, #tpu.memory_space<vmem>>
      %dma_wait3A_152 = arith.constant 0 : i32
      %dma_wait3A_153 = arith.constant 0 : i32
      %dma_wait3A_154 = tpu.memref_slice %arg11[%dma_wait3A_152, %dma_wait3A_153] : memref<2048x128xf32, #tpu.memory_space<vmem_shared>> -> memref<2048x128xf32, #tpu.memory_space<vmem_shared>>
      tpu.wait_indirect_dma semaphore(%arg16 : memref<!tpu.dma_semaphore, #tpu.memory_space<semaphore_mem>>) src(%dma_wait3A_148 : memref<128x128xf32, #tpu.memory_space<vmem>>) dst(%dma_wait3A_154 : memref<2048x128xf32, #tpu.memory_space<vmem_shared>>)
      %dma_wait3A_155 = arith.constant 256 : i32
      %dma_wait3A_156 = arith.constant 0 : i32
      %dma_wait3A_157 = tpu.memref_slice %arg10[%dma_wait3A_155, %dma_wait3A_156] : memref<512x128xf32, #tpu.memory_space<vmem>> -> memref<128x128xf32, #tpu.memory_space<vmem>>
      %dma_wait3A_158 = arith.constant 0 : i32
      %dma_wait3A_159 = tpu.memref_slice %arg9[%add3A_100, %dma_wait3A_158] : memref<8x128xi32, #tpu.memory_space<vmem>> -> memref<1x128xi32, #tpu.memory_space<vmem>>
      %dma_wait3A_160 = tpu.memref_squeeze %dma_wait3A_159 : memref<1x128xi32, #tpu.memory_space<vmem>> -> memref<128xi32, #tpu.memory_space<vmem>>
      %dma_wait3A_161 = arith.constant 0 : i32
      %dma_wait3A_162 = arith.constant 0 : i32
      %dma_wait3A_163 = tpu.memref_slice %arg11[%dma_wait3A_161, %dma_wait3A_162] : memref<2048x128xf32, #tpu.memory_space<vmem_shared>> -> memref<2048x128xf32, #tpu.memory_space<vmem_shared>>
      tpu.wait_indirect_dma semaphore(%arg16 : memref<!tpu.dma_semaphore, #tpu.memory_space<semaphore_mem>>) src(%dma_wait3A_157 : memref<128x128xf32, #tpu.memory_space<vmem>>) dst(%dma_wait3A_163 : memref<2048x128xf32, #tpu.memory_space<vmem_shared>>)
      %dma_wait3A_164 = arith.constant 384 : i32
      %dma_wait3A_165 = arith.constant 0 : i32
      %dma_wait3A_166 = tpu.memref_slice %arg10[%dma_wait3A_164, %dma_wait3A_165] : memref<512x128xf32, #tpu.memory_space<vmem>> -> memref<128x128xf32, #tpu.memory_space<vmem>>
      %dma_wait3A_167 = arith.constant 0 : i32
      %dma_wait3A_168 = tpu.memref_slice %arg9[%add3A_100, %dma_wait3A_167] : memref<8x128xi32, #tpu.memory_space<vmem>> -> memref<1x128xi32, #tpu.memory_space<vmem>>
      %dma_wait3A_169 = tpu.memref_squeeze %dma_wait3A_168 : memref<1x128xi32, #tpu.memory_space<vmem>> -> memref<128xi32, #tpu.memory_space<vmem>>
      %dma_wait3A_170 = arith.constant 0 : i32
      %dma_wait3A_171 = arith.constant 0 : i32
      %dma_wait3A_172 = tpu.memref_slice %arg11[%dma_wait3A_170, %dma_wait3A_171] : memref<2048x128xf32, #tpu.memory_space<vmem_shared>> -> memref<2048x128xf32, #tpu.memory_space<vmem_shared>>
      tpu.wait_indirect_dma semaphore(%arg16 : memref<!tpu.dma_semaphore, #tpu.memory_space<semaphore_mem>>) src(%dma_wait3A_166 : memref<128x128xf32, #tpu.memory_space<vmem>>) dst(%dma_wait3A_172 : memref<2048x128xf32, #tpu.memory_space<vmem_shared>>)
    }
    %scan3A_9 = arith.constant 4 : i32
    %barrier3A_10 = arith.constant 0 : index
    tpu.barrier barrier_id(%barrier3A_10)
    %mul3A_11 = arith.constant 2048 : i32
    %mul3A_12 = arith.muli %arg0, %mul3A_11 : i32
    %add3A_13 = arith.addi %mul3A_12, %mul3A_0 : i32
    "tpu.region"() ({
      %run_scoped3A = tpu.sem_alloc : memref<!tpu.dma_semaphore, #tpu.memory_space<semaphore_mem>>
      %dma_start3A = arith.constant 0 : i32
      %dma_start3A_14 = tpu.memref_slice %arg7[%add3A_13, %dma_start3A] : memref<4096x128xf32, #tpu.memory_space<hbm>> -> memref<128x128xf32, #tpu.memory_space<hbm>>
      %dma_start3A_15 = arith.constant 0 : i32
      %dma_start3A_16 = tpu.memref_slice %arg11[%mul3A_0, %dma_start3A_15] : memref<2048x128xf32, #tpu.memory_space<vmem_shared>> -> memref<128x128xf32, #tpu.memory_space<vmem_shared>>
      tpu.enqueue_dma source(%dma_start3A_16 : memref<128x128xf32, #tpu.memory_space<vmem_shared>>) target(%dma_start3A_14 : memref<128x128xf32, #tpu.memory_space<hbm>>) target_semaphore(%run_scoped3A : memref<!tpu.dma_semaphore, #tpu.memory_space<semaphore_mem>>)
      %dma_wait3A = arith.constant 0 : i32
      %dma_wait3A_17 = tpu.memref_slice %arg7[%add3A_13, %dma_wait3A] : memref<4096x128xf32, #tpu.memory_space<hbm>> -> memref<128x128xf32, #tpu.memory_space<hbm>>
      %dma_wait3A_18 = arith.constant 0 : i32
      %dma_wait3A_19 = tpu.memref_slice %arg11[%mul3A_0, %dma_wait3A_18] : memref<2048x128xf32, #tpu.memory_space<vmem_shared>> -> memref<128x128xf32, #tpu.memory_space<vmem_shared>>
      tpu.wait_dma2 semaphore(%run_scoped3A : memref<!tpu.dma_semaphore, #tpu.memory_space<semaphore_mem>>) src(%dma_wait3A_19 : memref<128x128xf32, #tpu.memory_space<vmem_shared>>) dst(%dma_wait3A_17 : memref<128x128xf32, #tpu.memory_space<hbm>>)
      tpu.yield
    }) : () -> ()
    return
  }
}

#map = affine_map<(d0, d1) -> (0, 0)>
module attributes {stable_mosaic.version = 14 : i64} {
  func.func @body(%arg0: i32, %arg1: i32, %arg2: memref<32768x128xf32, #tpu.memory_space<hbm>>, %arg3: memref<1024x128xi32, #tpu.memory_space<hbm>>, %arg4: memref<4096x128xi32, #tpu.memory_space<hbm>>, %arg5: memref<8320x128xf32, #tpu.memory_space<hbm>>, %arg6: memref<32768x128xf32, #tpu.memory_space<hbm>>, %arg7: memref<64x128xi32, #tpu.memory_space<vmem>>, %arg8: memref<64x128xi32, #tpu.memory_space<vmem>>, %arg9: memref<256x128xf32, #tpu.memory_space<vmem>>, %arg10: memref<8320x128xf32, #tpu.memory_space<vmem_shared>>, %arg11: memref<!tpu.dma_semaphore, #tpu.memory_space<semaphore_mem>>, %arg12: memref<!tpu.dma_semaphore, #tpu.memory_space<semaphore_mem>>, %arg13: memref<!tpu.dma_semaphore, #tpu.memory_space<semaphore_mem>>) attributes {dimension_semantics = [#tpu.dimension_semantics<core_parallel>, #tpu.dimension_semantics<subcore_parallel>], iteration_bounds = array<i64: 2, 16>, scalar_prefetch = 0 : i64, scratch_operands = 7 : i64, tpu.core_type = #tpu.core_type<sc_vector_subcore>, window_params = [{transform_indices = #map}, {transform_indices = #map}, {transform_indices = #map}, {transform_indices = #map}, {transform_indices = #map}]} {
    %mul3A = arith.constant 520 : i32
    %mul3A_0 = arith.muli %arg1, %mul3A : i32
    %mul3A_1 = arith.constant 64 : i32
    %mul3A_2 = arith.muli %arg1, %mul3A_1 : i32
    "tpu.region"() ({
      %run_scoped3A = tpu.sem_alloc : memref<!tpu.dma_semaphore, #tpu.memory_space<semaphore_mem>>
      %dma_start3A = arith.constant 0 : i32
      %dma_start3A_42 = tpu.memref_slice %arg3[%mul3A_2, %dma_start3A] : memref<1024x128xi32, #tpu.memory_space<hbm>> -> memref<64x128xi32, #tpu.memory_space<hbm>>
      %dma_start3A_43 = arith.constant 0 : i32
      %dma_start3A_44 = tpu.memref_slice %arg3[%mul3A_2, %dma_start3A_43] : memref<1024x128xi32, #tpu.memory_space<hbm>> -> memref<64x128xi32, #tpu.memory_space<hbm>>
      tpu.enqueue_dma source(%dma_start3A_44 : memref<64x128xi32, #tpu.memory_space<hbm>>) target(%arg7 : memref<64x128xi32, #tpu.memory_space<vmem>>) target_semaphore(%run_scoped3A : memref<!tpu.dma_semaphore, #tpu.memory_space<semaphore_mem>>)
      %dma_wait3A = arith.constant 0 : i32
      %dma_wait3A_45 = tpu.memref_slice %arg3[%mul3A_2, %dma_wait3A] : memref<1024x128xi32, #tpu.memory_space<hbm>> -> memref<64x128xi32, #tpu.memory_space<hbm>>
      %dma_wait3A_46 = arith.constant 0 : i32
      %dma_wait3A_47 = tpu.memref_slice %arg3[%mul3A_2, %dma_wait3A_46] : memref<1024x128xi32, #tpu.memory_space<hbm>> -> memref<64x128xi32, #tpu.memory_space<hbm>>
      tpu.wait_dma2 semaphore(%run_scoped3A : memref<!tpu.dma_semaphore, #tpu.memory_space<semaphore_mem>>) src(%dma_wait3A_47 : memref<64x128xi32, #tpu.memory_space<hbm>>) dst(%arg7 : memref<64x128xi32, #tpu.memory_space<vmem>>)
      tpu.yield
    }) : () -> ()
    %mul3A_3 = arith.constant 2 : i32
    %mul3A_4 = arith.muli %arg0, %mul3A_3 : i32
    %add3A = arith.constant 0 : i32
    %add3A_5 = arith.addi %mul3A_4, %add3A : i32
    "tpu.region"() ({
      %run_scoped3A = tpu.sem_alloc : memref<!tpu.dma_semaphore, #tpu.memory_space<semaphore_mem>>
      %dma_start3A = arith.constant 0 : i32
      %dma_start3A_42 = tpu.memref_slice %arg10[%mul3A_0, %dma_start3A] : memref<8320x128xf32, #tpu.memory_space<vmem_shared>> -> memref<520x128xf32, #tpu.memory_space<vmem_shared>>
      %dma_start3A_43 = arith.constant 0 : i32
      %dma_start3A_44 = tpu.memref_slice %arg5[%mul3A_0, %dma_start3A_43] : memref<8320x128xf32, #tpu.memory_space<hbm>> -> memref<520x128xf32, #tpu.memory_space<hbm>>
      tpu.enqueue_dma source(%dma_start3A_44 : memref<520x128xf32, #tpu.memory_space<hbm>>) target(%dma_start3A_42 : memref<520x128xf32, #tpu.memory_space<vmem_shared>>) target_semaphore(%run_scoped3A : memref<!tpu.dma_semaphore, #tpu.memory_space<semaphore_mem>>)
      %dma_wait3A = arith.constant 0 : i32
      %dma_wait3A_45 = tpu.memref_slice %arg10[%mul3A_0, %dma_wait3A] : memref<8320x128xf32, #tpu.memory_space<vmem_shared>> -> memref<520x128xf32, #tpu.memory_space<vmem_shared>>
      %dma_wait3A_46 = arith.constant 0 : i32
      %dma_wait3A_47 = tpu.memref_slice %arg5[%mul3A_0, %dma_wait3A_46] : memref<8320x128xf32, #tpu.memory_space<hbm>> -> memref<520x128xf32, #tpu.memory_space<hbm>>
      tpu.wait_dma2 semaphore(%run_scoped3A : memref<!tpu.dma_semaphore, #tpu.memory_space<semaphore_mem>>) src(%dma_wait3A_47 : memref<520x128xf32, #tpu.memory_space<hbm>>) dst(%dma_wait3A_45 : memref<520x128xf32, #tpu.memory_space<vmem_shared>>)
      tpu.yield
    }) : () -> ()
    %mul3A_6 = arith.constant 1024 : i32
    %mul3A_7 = arith.muli %add3A_5, %mul3A_6 : i32
    %add3A_8 = arith.addi %mul3A_7, %mul3A_2 : i32
    "tpu.region"() ({
      %run_scoped3A = tpu.sem_alloc : memref<!tpu.dma_semaphore, #tpu.memory_space<semaphore_mem>>
      %dma_start3A = arith.constant 0 : i32
      %dma_start3A_42 = tpu.memref_slice %arg4[%add3A_8, %dma_start3A] : memref<4096x128xi32, #tpu.memory_space<hbm>> -> memref<64x128xi32, #tpu.memory_space<hbm>>
      %dma_start3A_43 = arith.constant 0 : i32
      %dma_start3A_44 = tpu.memref_slice %arg4[%add3A_8, %dma_start3A_43] : memref<4096x128xi32, #tpu.memory_space<hbm>> -> memref<64x128xi32, #tpu.memory_space<hbm>>
      tpu.enqueue_dma source(%dma_start3A_44 : memref<64x128xi32, #tpu.memory_space<hbm>>) target(%arg8 : memref<64x128xi32, #tpu.memory_space<vmem>>) target_semaphore(%run_scoped3A : memref<!tpu.dma_semaphore, #tpu.memory_space<semaphore_mem>>)
      %dma_wait3A = arith.constant 0 : i32
      %dma_wait3A_45 = tpu.memref_slice %arg4[%add3A_8, %dma_wait3A] : memref<4096x128xi32, #tpu.memory_space<hbm>> -> memref<64x128xi32, #tpu.memory_space<hbm>>
      %dma_wait3A_46 = arith.constant 0 : i32
      %dma_wait3A_47 = tpu.memref_slice %arg4[%add3A_8, %dma_wait3A_46] : memref<4096x128xi32, #tpu.memory_space<hbm>> -> memref<64x128xi32, #tpu.memory_space<hbm>>
      tpu.wait_dma2 semaphore(%run_scoped3A : memref<!tpu.dma_semaphore, #tpu.memory_space<semaphore_mem>>) src(%dma_wait3A_47 : memref<64x128xi32, #tpu.memory_space<hbm>>) dst(%arg8 : memref<64x128xi32, #tpu.memory_space<vmem>>)
      tpu.yield
    }) : () -> ()
    %barrier3A = arith.constant 0 : index
    tpu.barrier barrier_id(%barrier3A)
    %scan3A = arith.constant 0 : i32
    %scan3A_9 = arith.constant 0 : i32
    %scan3A_10 = arith.constant 32 : i32
    %scan3A_11 = arith.addi %scan3A_9, %scan3A_10 : i32
    %scan3A_12 = arith.constant 1 : i32
    scf.for %scan3A_42 = %scan3A_9 to %scan3A_11 step %scan3A_12  : i32 {
      %mul3A_43 = arith.constant 2 : i32
      %mul3A_44 = arith.muli %scan3A_42, %mul3A_43 : i32
      %add3A_45 = arith.constant 0 : i32
      %add3A_46 = arith.addi %mul3A_44, %add3A_45 : i32
      %dma_start3A = arith.constant 0 : i32
      %dma_start3A_47 = arith.constant 0 : i32
      %dma_start3A_48 = tpu.memref_slice %arg9[%dma_start3A, %dma_start3A_47] : memref<256x128xf32, #tpu.memory_space<vmem>> -> memref<128x128xf32, #tpu.memory_space<vmem>>
      %dma_start3A_49 = arith.constant 0 : i32
      %dma_start3A_50 = tpu.memref_slice %arg7[%add3A_46, %dma_start3A_49] : memref<64x128xi32, #tpu.memory_space<vmem>> -> memref<1x128xi32, #tpu.memory_space<vmem>>
      %dma_start3A_51 = tpu.memref_squeeze %dma_start3A_50 : memref<1x128xi32, #tpu.memory_space<vmem>> -> memref<128xi32, #tpu.memory_space<vmem>>
      %dma_start3A_52 = arith.constant 0 : i32
      %dma_start3A_53 = arith.constant 0 : i32
      %dma_start3A_54 = tpu.memref_slice %arg2[%dma_start3A_52, %dma_start3A_53] : memref<32768x128xf32, #tpu.memory_space<hbm>> -> memref<32768x128xf32, #tpu.memory_space<hbm>>
      tpu.enqueue_indirect_dma source(%dma_start3A_54 : memref<32768x128xf32, #tpu.memory_space<hbm>>) target(%dma_start3A_48 : memref<128x128xf32, #tpu.memory_space<vmem>>) offsets(%dma_start3A_51 : memref<128xi32, #tpu.memory_space<vmem>>) semaphore(%arg11 : memref<!tpu.dma_semaphore, #tpu.memory_space<semaphore_mem>>)
      %mul3A_55 = arith.constant 2 : i32
      %mul3A_56 = arith.muli %scan3A_42, %mul3A_55 : i32
      %add3A_57 = arith.constant 1 : i32
      %add3A_58 = arith.addi %mul3A_56, %add3A_57 : i32
      %dma_start3A_59 = arith.constant 128 : i32
      %dma_start3A_60 = arith.constant 0 : i32
      %dma_start3A_61 = tpu.memref_slice %arg9[%dma_start3A_59, %dma_start3A_60] : memref<256x128xf32, #tpu.memory_space<vmem>> -> memref<128x128xf32, #tpu.memory_space<vmem>>
      %dma_start3A_62 = arith.constant 0 : i32
      %dma_start3A_63 = tpu.memref_slice %arg7[%add3A_58, %dma_start3A_62] : memref<64x128xi32, #tpu.memory_space<vmem>> -> memref<1x128xi32, #tpu.memory_space<vmem>>
      %dma_start3A_64 = tpu.memref_squeeze %dma_start3A_63 : memref<1x128xi32, #tpu.memory_space<vmem>> -> memref<128xi32, #tpu.memory_space<vmem>>
      %dma_start3A_65 = arith.constant 0 : i32
      %dma_start3A_66 = arith.constant 0 : i32
      %dma_start3A_67 = tpu.memref_slice %arg2[%dma_start3A_65, %dma_start3A_66] : memref<32768x128xf32, #tpu.memory_space<hbm>> -> memref<32768x128xf32, #tpu.memory_space<hbm>>
      tpu.enqueue_indirect_dma source(%dma_start3A_67 : memref<32768x128xf32, #tpu.memory_space<hbm>>) target(%dma_start3A_61 : memref<128x128xf32, #tpu.memory_space<vmem>>) offsets(%dma_start3A_64 : memref<128xi32, #tpu.memory_space<vmem>>) semaphore(%arg12 : memref<!tpu.dma_semaphore, #tpu.memory_space<semaphore_mem>>)
      %mul3A_68 = arith.constant 2 : i32
      %mul3A_69 = arith.muli %scan3A_42, %mul3A_68 : i32
      %add3A_70 = arith.constant 0 : i32
      %add3A_71 = arith.addi %mul3A_69, %add3A_70 : i32
      %dma_wait3A = arith.constant 0 : i32
      %dma_wait3A_72 = arith.constant 0 : i32
      %dma_wait3A_73 = tpu.memref_slice %arg9[%dma_wait3A, %dma_wait3A_72] : memref<256x128xf32, #tpu.memory_space<vmem>> -> memref<128x128xf32, #tpu.memory_space<vmem>>
      %dma_wait3A_74 = arith.constant 0 : i32
      %dma_wait3A_75 = tpu.memref_slice %arg7[%add3A_46, %dma_wait3A_74] : memref<64x128xi32, #tpu.memory_space<vmem>> -> memref<1x128xi32, #tpu.memory_space<vmem>>
      %dma_wait3A_76 = tpu.memref_squeeze %dma_wait3A_75 : memref<1x128xi32, #tpu.memory_space<vmem>> -> memref<128xi32, #tpu.memory_space<vmem>>
      %dma_wait3A_77 = arith.constant 0 : i32
      %dma_wait3A_78 = arith.constant 0 : i32
      %dma_wait3A_79 = tpu.memref_slice %arg2[%dma_wait3A_77, %dma_wait3A_78] : memref<32768x128xf32, #tpu.memory_space<hbm>> -> memref<32768x128xf32, #tpu.memory_space<hbm>>
      tpu.wait_indirect_dma semaphore(%arg11 : memref<!tpu.dma_semaphore, #tpu.memory_space<semaphore_mem>>) src(%dma_wait3A_79 : memref<32768x128xf32, #tpu.memory_space<hbm>>) dst(%dma_wait3A_73 : memref<128x128xf32, #tpu.memory_space<vmem>>)
      %dma_start3A_80 = arith.constant 0 : i32
      %dma_start3A_81 = arith.constant 0 : i32
      %dma_start3A_82 = tpu.memref_slice %arg9[%dma_start3A_80, %dma_start3A_81] : memref<256x128xf32, #tpu.memory_space<vmem>> -> memref<128x128xf32, #tpu.memory_space<vmem>>
      %dma_start3A_83 = arith.constant 0 : i32
      %dma_start3A_84 = tpu.memref_slice %arg8[%add3A_71, %dma_start3A_83] : memref<64x128xi32, #tpu.memory_space<vmem>> -> memref<1x128xi32, #tpu.memory_space<vmem>>
      %dma_start3A_85 = tpu.memref_squeeze %dma_start3A_84 : memref<1x128xi32, #tpu.memory_space<vmem>> -> memref<128xi32, #tpu.memory_space<vmem>>
      %dma_start3A_86 = arith.constant 0 : i32
      %dma_start3A_87 = arith.constant 0 : i32
      %dma_start3A_88 = tpu.memref_slice %arg10[%dma_start3A_86, %dma_start3A_87] : memref<8320x128xf32, #tpu.memory_space<vmem_shared>> -> memref<8320x128xf32, #tpu.memory_space<vmem_shared>>
      tpu.enqueue_indirect_dma source(%dma_start3A_82 : memref<128x128xf32, #tpu.memory_space<vmem>>) target(%dma_start3A_88 : memref<8320x128xf32, #tpu.memory_space<vmem_shared>>) offsets(%dma_start3A_85 : memref<128xi32, #tpu.memory_space<vmem>>) semaphore(%arg13 : memref<!tpu.dma_semaphore, #tpu.memory_space<semaphore_mem>>) {add = true}
      %mul3A_89 = arith.constant 2 : i32
      %mul3A_90 = arith.muli %scan3A_42, %mul3A_89 : i32
      %add3A_91 = arith.constant 1 : i32
      %add3A_92 = arith.addi %mul3A_90, %add3A_91 : i32
      %dma_wait3A_93 = arith.constant 128 : i32
      %dma_wait3A_94 = arith.constant 0 : i32
      %dma_wait3A_95 = tpu.memref_slice %arg9[%dma_wait3A_93, %dma_wait3A_94] : memref<256x128xf32, #tpu.memory_space<vmem>> -> memref<128x128xf32, #tpu.memory_space<vmem>>
      %dma_wait3A_96 = arith.constant 0 : i32
      %dma_wait3A_97 = tpu.memref_slice %arg7[%add3A_58, %dma_wait3A_96] : memref<64x128xi32, #tpu.memory_space<vmem>> -> memref<1x128xi32, #tpu.memory_space<vmem>>
      %dma_wait3A_98 = tpu.memref_squeeze %dma_wait3A_97 : memref<1x128xi32, #tpu.memory_space<vmem>> -> memref<128xi32, #tpu.memory_space<vmem>>
      %dma_wait3A_99 = arith.constant 0 : i32
      %dma_wait3A_100 = arith.constant 0 : i32
      %dma_wait3A_101 = tpu.memref_slice %arg2[%dma_wait3A_99, %dma_wait3A_100] : memref<32768x128xf32, #tpu.memory_space<hbm>> -> memref<32768x128xf32, #tpu.memory_space<hbm>>
      tpu.wait_indirect_dma semaphore(%arg12 : memref<!tpu.dma_semaphore, #tpu.memory_space<semaphore_mem>>) src(%dma_wait3A_101 : memref<32768x128xf32, #tpu.memory_space<hbm>>) dst(%dma_wait3A_95 : memref<128x128xf32, #tpu.memory_space<vmem>>)
      %dma_start3A_102 = arith.constant 128 : i32
      %dma_start3A_103 = arith.constant 0 : i32
      %dma_start3A_104 = tpu.memref_slice %arg9[%dma_start3A_102, %dma_start3A_103] : memref<256x128xf32, #tpu.memory_space<vmem>> -> memref<128x128xf32, #tpu.memory_space<vmem>>
      %dma_start3A_105 = arith.constant 0 : i32
      %dma_start3A_106 = tpu.memref_slice %arg8[%add3A_92, %dma_start3A_105] : memref<64x128xi32, #tpu.memory_space<vmem>> -> memref<1x128xi32, #tpu.memory_space<vmem>>
      %dma_start3A_107 = tpu.memref_squeeze %dma_start3A_106 : memref<1x128xi32, #tpu.memory_space<vmem>> -> memref<128xi32, #tpu.memory_space<vmem>>
      %dma_start3A_108 = arith.constant 0 : i32
      %dma_start3A_109 = arith.constant 0 : i32
      %dma_start3A_110 = tpu.memref_slice %arg10[%dma_start3A_108, %dma_start3A_109] : memref<8320x128xf32, #tpu.memory_space<vmem_shared>> -> memref<8320x128xf32, #tpu.memory_space<vmem_shared>>
      tpu.enqueue_indirect_dma source(%dma_start3A_104 : memref<128x128xf32, #tpu.memory_space<vmem>>) target(%dma_start3A_110 : memref<8320x128xf32, #tpu.memory_space<vmem_shared>>) offsets(%dma_start3A_107 : memref<128xi32, #tpu.memory_space<vmem>>) semaphore(%arg13 : memref<!tpu.dma_semaphore, #tpu.memory_space<semaphore_mem>>) {add = true}
      %dma_wait3A_111 = arith.constant 0 : i32
      %dma_wait3A_112 = arith.constant 0 : i32
      %dma_wait3A_113 = tpu.memref_slice %arg9[%dma_wait3A_111, %dma_wait3A_112] : memref<256x128xf32, #tpu.memory_space<vmem>> -> memref<128x128xf32, #tpu.memory_space<vmem>>
      %dma_wait3A_114 = arith.constant 0 : i32
      %dma_wait3A_115 = tpu.memref_slice %arg8[%add3A_71, %dma_wait3A_114] : memref<64x128xi32, #tpu.memory_space<vmem>> -> memref<1x128xi32, #tpu.memory_space<vmem>>
      %dma_wait3A_116 = tpu.memref_squeeze %dma_wait3A_115 : memref<1x128xi32, #tpu.memory_space<vmem>> -> memref<128xi32, #tpu.memory_space<vmem>>
      %dma_wait3A_117 = arith.constant 0 : i32
      %dma_wait3A_118 = arith.constant 0 : i32
      %dma_wait3A_119 = tpu.memref_slice %arg10[%dma_wait3A_117, %dma_wait3A_118] : memref<8320x128xf32, #tpu.memory_space<vmem_shared>> -> memref<8320x128xf32, #tpu.memory_space<vmem_shared>>
      tpu.wait_indirect_dma semaphore(%arg13 : memref<!tpu.dma_semaphore, #tpu.memory_space<semaphore_mem>>) src(%dma_wait3A_113 : memref<128x128xf32, #tpu.memory_space<vmem>>) dst(%dma_wait3A_119 : memref<8320x128xf32, #tpu.memory_space<vmem_shared>>)
      %dma_wait3A_120 = arith.constant 128 : i32
      %dma_wait3A_121 = arith.constant 0 : i32
      %dma_wait3A_122 = tpu.memref_slice %arg9[%dma_wait3A_120, %dma_wait3A_121] : memref<256x128xf32, #tpu.memory_space<vmem>> -> memref<128x128xf32, #tpu.memory_space<vmem>>
      %dma_wait3A_123 = arith.constant 0 : i32
      %dma_wait3A_124 = tpu.memref_slice %arg8[%add3A_92, %dma_wait3A_123] : memref<64x128xi32, #tpu.memory_space<vmem>> -> memref<1x128xi32, #tpu.memory_space<vmem>>
      %dma_wait3A_125 = tpu.memref_squeeze %dma_wait3A_124 : memref<1x128xi32, #tpu.memory_space<vmem>> -> memref<128xi32, #tpu.memory_space<vmem>>
      %dma_wait3A_126 = arith.constant 0 : i32
      %dma_wait3A_127 = arith.constant 0 : i32
      %dma_wait3A_128 = tpu.memref_slice %arg10[%dma_wait3A_126, %dma_wait3A_127] : memref<8320x128xf32, #tpu.memory_space<vmem_shared>> -> memref<8320x128xf32, #tpu.memory_space<vmem_shared>>
      tpu.wait_indirect_dma semaphore(%arg13 : memref<!tpu.dma_semaphore, #tpu.memory_space<semaphore_mem>>) src(%dma_wait3A_122 : memref<128x128xf32, #tpu.memory_space<vmem>>) dst(%dma_wait3A_128 : memref<8320x128xf32, #tpu.memory_space<vmem_shared>>)
    }
    %scan3A_13 = arith.constant 32 : i32
    %barrier3A_14 = arith.constant 0 : index
    tpu.barrier barrier_id(%barrier3A_14)
    %mul3A_15 = arith.constant 512 : i32
    %mul3A_16 = arith.muli %arg1, %mul3A_15 : i32
    %mul3A_17 = arith.constant 8192 : i32
    %mul3A_18 = arith.muli %add3A_5, %mul3A_17 : i32
    %add3A_19 = arith.addi %mul3A_18, %mul3A_16 : i32
    "tpu.region"() ({
      %run_scoped3A = tpu.sem_alloc : memref<!tpu.dma_semaphore, #tpu.memory_space<semaphore_mem>>
      %dma_start3A = arith.constant 0 : i32
      %dma_start3A_42 = tpu.memref_slice %arg6[%add3A_19, %dma_start3A] : memref<32768x128xf32, #tpu.memory_space<hbm>> -> memref<512x128xf32, #tpu.memory_space<hbm>>
      %dma_start3A_43 = arith.constant 0 : i32
      %dma_start3A_44 = tpu.memref_slice %arg10[%mul3A_16, %dma_start3A_43] : memref<8320x128xf32, #tpu.memory_space<vmem_shared>> -> memref<512x128xf32, #tpu.memory_space<vmem_shared>>
      tpu.enqueue_dma source(%dma_start3A_44 : memref<512x128xf32, #tpu.memory_space<vmem_shared>>) target(%dma_start3A_42 : memref<512x128xf32, #tpu.memory_space<hbm>>) target_semaphore(%run_scoped3A : memref<!tpu.dma_semaphore, #tpu.memory_space<semaphore_mem>>)
      %dma_wait3A = arith.constant 0 : i32
      %dma_wait3A_45 = tpu.memref_slice %arg6[%add3A_19, %dma_wait3A] : memref<32768x128xf32, #tpu.memory_space<hbm>> -> memref<512x128xf32, #tpu.memory_space<hbm>>
      %dma_wait3A_46 = arith.constant 0 : i32
      %dma_wait3A_47 = tpu.memref_slice %arg10[%mul3A_16, %dma_wait3A_46] : memref<8320x128xf32, #tpu.memory_space<vmem_shared>> -> memref<512x128xf32, #tpu.memory_space<vmem_shared>>
      tpu.wait_dma2 semaphore(%run_scoped3A : memref<!tpu.dma_semaphore, #tpu.memory_space<semaphore_mem>>) src(%dma_wait3A_47 : memref<512x128xf32, #tpu.memory_space<vmem_shared>>) dst(%dma_wait3A_45 : memref<512x128xf32, #tpu.memory_space<hbm>>)
      tpu.yield
    }) : () -> ()
    %barrier3A_20 = arith.constant 0 : index
    tpu.barrier barrier_id(%barrier3A_20)
    %mul3A_21 = arith.constant 2 : i32
    %mul3A_22 = arith.muli %arg0, %mul3A_21 : i32
    %add3A_23 = arith.constant 1 : i32
    %add3A_24 = arith.addi %mul3A_22, %add3A_23 : i32
    "tpu.region"() ({
      %run_scoped3A = tpu.sem_alloc : memref<!tpu.dma_semaphore, #tpu.memory_space<semaphore_mem>>
      %dma_start3A = arith.constant 0 : i32
      %dma_start3A_42 = tpu.memref_slice %arg10[%mul3A_0, %dma_start3A] : memref<8320x128xf32, #tpu.memory_space<vmem_shared>> -> memref<520x128xf32, #tpu.memory_space<vmem_shared>>
      %dma_start3A_43 = arith.constant 0 : i32
      %dma_start3A_44 = tpu.memref_slice %arg5[%mul3A_0, %dma_start3A_43] : memref<8320x128xf32, #tpu.memory_space<hbm>> -> memref<520x128xf32, #tpu.memory_space<hbm>>
      tpu.enqueue_dma source(%dma_start3A_44 : memref<520x128xf32, #tpu.memory_space<hbm>>) target(%dma_start3A_42 : memref<520x128xf32, #tpu.memory_space<vmem_shared>>) target_semaphore(%run_scoped3A : memref<!tpu.dma_semaphore, #tpu.memory_space<semaphore_mem>>)
      %dma_wait3A = arith.constant 0 : i32
      %dma_wait3A_45 = tpu.memref_slice %arg10[%mul3A_0, %dma_wait3A] : memref<8320x128xf32, #tpu.memory_space<vmem_shared>> -> memref<520x128xf32, #tpu.memory_space<vmem_shared>>
      %dma_wait3A_46 = arith.constant 0 : i32
      %dma_wait3A_47 = tpu.memref_slice %arg5[%mul3A_0, %dma_wait3A_46] : memref<8320x128xf32, #tpu.memory_space<hbm>> -> memref<520x128xf32, #tpu.memory_space<hbm>>
      tpu.wait_dma2 semaphore(%run_scoped3A : memref<!tpu.dma_semaphore, #tpu.memory_space<semaphore_mem>>) src(%dma_wait3A_47 : memref<520x128xf32, #tpu.memory_space<hbm>>) dst(%dma_wait3A_45 : memref<520x128xf32, #tpu.memory_space<vmem_shared>>)
      tpu.yield
    }) : () -> ()
    %mul3A_25 = arith.constant 1024 : i32
    %mul3A_26 = arith.muli %add3A_24, %mul3A_25 : i32
    %add3A_27 = arith.addi %mul3A_26, %mul3A_2 : i32
    "tpu.region"() ({
      %run_scoped3A = tpu.sem_alloc : memref<!tpu.dma_semaphore, #tpu.memory_space<semaphore_mem>>
      %dma_start3A = arith.constant 0 : i32
      %dma_start3A_42 = tpu.memref_slice %arg4[%add3A_27, %dma_start3A] : memref<4096x128xi32, #tpu.memory_space<hbm>> -> memref<64x128xi32, #tpu.memory_space<hbm>>
      %dma_start3A_43 = arith.constant 0 : i32
      %dma_start3A_44 = tpu.memref_slice %arg4[%add3A_27, %dma_start3A_43] : memref<4096x128xi32, #tpu.memory_space<hbm>> -> memref<64x128xi32, #tpu.memory_space<hbm>>
      tpu.enqueue_dma source(%dma_start3A_44 : memref<64x128xi32, #tpu.memory_space<hbm>>) target(%arg8 : memref<64x128xi32, #tpu.memory_space<vmem>>) target_semaphore(%run_scoped3A : memref<!tpu.dma_semaphore, #tpu.memory_space<semaphore_mem>>)
      %dma_wait3A = arith.constant 0 : i32
      %dma_wait3A_45 = tpu.memref_slice %arg4[%add3A_27, %dma_wait3A] : memref<4096x128xi32, #tpu.memory_space<hbm>> -> memref<64x128xi32, #tpu.memory_space<hbm>>
      %dma_wait3A_46 = arith.constant 0 : i32
      %dma_wait3A_47 = tpu.memref_slice %arg4[%add3A_27, %dma_wait3A_46] : memref<4096x128xi32, #tpu.memory_space<hbm>> -> memref<64x128xi32, #tpu.memory_space<hbm>>
      tpu.wait_dma2 semaphore(%run_scoped3A : memref<!tpu.dma_semaphore, #tpu.memory_space<semaphore_mem>>) src(%dma_wait3A_47 : memref<64x128xi32, #tpu.memory_space<hbm>>) dst(%arg8 : memref<64x128xi32, #tpu.memory_space<vmem>>)
      tpu.yield
    }) : () -> ()
    %barrier3A_28 = arith.constant 0 : index
    tpu.barrier barrier_id(%barrier3A_28)
    %scan3A_29 = arith.constant 0 : i32
    %scan3A_30 = arith.constant 0 : i32
    %scan3A_31 = arith.constant 32 : i32
    %scan3A_32 = arith.addi %scan3A_30, %scan3A_31 : i32
    %scan3A_33 = arith.constant 1 : i32
    scf.for %scan3A_42 = %scan3A_30 to %scan3A_32 step %scan3A_33  : i32 {
      %mul3A_43 = arith.constant 2 : i32
      %mul3A_44 = arith.muli %scan3A_42, %mul3A_43 : i32
      %add3A_45 = arith.constant 0 : i32
      %add3A_46 = arith.addi %mul3A_44, %add3A_45 : i32
      %dma_start3A = arith.constant 0 : i32
      %dma_start3A_47 = arith.constant 0 : i32
      %dma_start3A_48 = tpu.memref_slice %arg9[%dma_start3A, %dma_start3A_47] : memref<256x128xf32, #tpu.memory_space<vmem>> -> memref<128x128xf32, #tpu.memory_space<vmem>>
      %dma_start3A_49 = arith.constant 0 : i32
      %dma_start3A_50 = tpu.memref_slice %arg7[%add3A_46, %dma_start3A_49] : memref<64x128xi32, #tpu.memory_space<vmem>> -> memref<1x128xi32, #tpu.memory_space<vmem>>
      %dma_start3A_51 = tpu.memref_squeeze %dma_start3A_50 : memref<1x128xi32, #tpu.memory_space<vmem>> -> memref<128xi32, #tpu.memory_space<vmem>>
      %dma_start3A_52 = arith.constant 0 : i32
      %dma_start3A_53 = arith.constant 0 : i32
      %dma_start3A_54 = tpu.memref_slice %arg2[%dma_start3A_52, %dma_start3A_53] : memref<32768x128xf32, #tpu.memory_space<hbm>> -> memref<32768x128xf32, #tpu.memory_space<hbm>>
      tpu.enqueue_indirect_dma source(%dma_start3A_54 : memref<32768x128xf32, #tpu.memory_space<hbm>>) target(%dma_start3A_48 : memref<128x128xf32, #tpu.memory_space<vmem>>) offsets(%dma_start3A_51 : memref<128xi32, #tpu.memory_space<vmem>>) semaphore(%arg11 : memref<!tpu.dma_semaphore, #tpu.memory_space<semaphore_mem>>)
      %mul3A_55 = arith.constant 2 : i32
      %mul3A_56 = arith.muli %scan3A_42, %mul3A_55 : i32
      %add3A_57 = arith.constant 1 : i32
      %add3A_58 = arith.addi %mul3A_56, %add3A_57 : i32
      %dma_start3A_59 = arith.constant 128 : i32
      %dma_start3A_60 = arith.constant 0 : i32
      %dma_start3A_61 = tpu.memref_slice %arg9[%dma_start3A_59, %dma_start3A_60] : memref<256x128xf32, #tpu.memory_space<vmem>> -> memref<128x128xf32, #tpu.memory_space<vmem>>
      %dma_start3A_62 = arith.constant 0 : i32
      %dma_start3A_63 = tpu.memref_slice %arg7[%add3A_58, %dma_start3A_62] : memref<64x128xi32, #tpu.memory_space<vmem>> -> memref<1x128xi32, #tpu.memory_space<vmem>>
      %dma_start3A_64 = tpu.memref_squeeze %dma_start3A_63 : memref<1x128xi32, #tpu.memory_space<vmem>> -> memref<128xi32, #tpu.memory_space<vmem>>
      %dma_start3A_65 = arith.constant 0 : i32
      %dma_start3A_66 = arith.constant 0 : i32
      %dma_start3A_67 = tpu.memref_slice %arg2[%dma_start3A_65, %dma_start3A_66] : memref<32768x128xf32, #tpu.memory_space<hbm>> -> memref<32768x128xf32, #tpu.memory_space<hbm>>
      tpu.enqueue_indirect_dma source(%dma_start3A_67 : memref<32768x128xf32, #tpu.memory_space<hbm>>) target(%dma_start3A_61 : memref<128x128xf32, #tpu.memory_space<vmem>>) offsets(%dma_start3A_64 : memref<128xi32, #tpu.memory_space<vmem>>) semaphore(%arg12 : memref<!tpu.dma_semaphore, #tpu.memory_space<semaphore_mem>>)
      %mul3A_68 = arith.constant 2 : i32
      %mul3A_69 = arith.muli %scan3A_42, %mul3A_68 : i32
      %add3A_70 = arith.constant 0 : i32
      %add3A_71 = arith.addi %mul3A_69, %add3A_70 : i32
      %dma_wait3A = arith.constant 0 : i32
      %dma_wait3A_72 = arith.constant 0 : i32
      %dma_wait3A_73 = tpu.memref_slice %arg9[%dma_wait3A, %dma_wait3A_72] : memref<256x128xf32, #tpu.memory_space<vmem>> -> memref<128x128xf32, #tpu.memory_space<vmem>>
      %dma_wait3A_74 = arith.constant 0 : i32
      %dma_wait3A_75 = tpu.memref_slice %arg7[%add3A_46, %dma_wait3A_74] : memref<64x128xi32, #tpu.memory_space<vmem>> -> memref<1x128xi32, #tpu.memory_space<vmem>>
      %dma_wait3A_76 = tpu.memref_squeeze %dma_wait3A_75 : memref<1x128xi32, #tpu.memory_space<vmem>> -> memref<128xi32, #tpu.memory_space<vmem>>
      %dma_wait3A_77 = arith.constant 0 : i32
      %dma_wait3A_78 = arith.constant 0 : i32
      %dma_wait3A_79 = tpu.memref_slice %arg2[%dma_wait3A_77, %dma_wait3A_78] : memref<32768x128xf32, #tpu.memory_space<hbm>> -> memref<32768x128xf32, #tpu.memory_space<hbm>>
      tpu.wait_indirect_dma semaphore(%arg11 : memref<!tpu.dma_semaphore, #tpu.memory_space<semaphore_mem>>) src(%dma_wait3A_79 : memref<32768x128xf32, #tpu.memory_space<hbm>>) dst(%dma_wait3A_73 : memref<128x128xf32, #tpu.memory_space<vmem>>)
      %dma_start3A_80 = arith.constant 0 : i32
      %dma_start3A_81 = arith.constant 0 : i32
      %dma_start3A_82 = tpu.memref_slice %arg9[%dma_start3A_80, %dma_start3A_81] : memref<256x128xf32, #tpu.memory_space<vmem>> -> memref<128x128xf32, #tpu.memory_space<vmem>>
      %dma_start3A_83 = arith.constant 0 : i32
      %dma_start3A_84 = tpu.memref_slice %arg8[%add3A_71, %dma_start3A_83] : memref<64x128xi32, #tpu.memory_space<vmem>> -> memref<1x128xi32, #tpu.memory_space<vmem>>
      %dma_start3A_85 = tpu.memref_squeeze %dma_start3A_84 : memref<1x128xi32, #tpu.memory_space<vmem>> -> memref<128xi32, #tpu.memory_space<vmem>>
      %dma_start3A_86 = arith.constant 0 : i32
      %dma_start3A_87 = arith.constant 0 : i32
      %dma_start3A_88 = tpu.memref_slice %arg10[%dma_start3A_86, %dma_start3A_87] : memref<8320x128xf32, #tpu.memory_space<vmem_shared>> -> memref<8320x128xf32, #tpu.memory_space<vmem_shared>>
      tpu.enqueue_indirect_dma source(%dma_start3A_82 : memref<128x128xf32, #tpu.memory_space<vmem>>) target(%dma_start3A_88 : memref<8320x128xf32, #tpu.memory_space<vmem_shared>>) offsets(%dma_start3A_85 : memref<128xi32, #tpu.memory_space<vmem>>) semaphore(%arg13 : memref<!tpu.dma_semaphore, #tpu.memory_space<semaphore_mem>>) {add = true}
      %mul3A_89 = arith.constant 2 : i32
      %mul3A_90 = arith.muli %scan3A_42, %mul3A_89 : i32
      %add3A_91 = arith.constant 1 : i32
      %add3A_92 = arith.addi %mul3A_90, %add3A_91 : i32
      %dma_wait3A_93 = arith.constant 128 : i32
      %dma_wait3A_94 = arith.constant 0 : i32
      %dma_wait3A_95 = tpu.memref_slice %arg9[%dma_wait3A_93, %dma_wait3A_94] : memref<256x128xf32, #tpu.memory_space<vmem>> -> memref<128x128xf32, #tpu.memory_space<vmem>>
      %dma_wait3A_96 = arith.constant 0 : i32
      %dma_wait3A_97 = tpu.memref_slice %arg7[%add3A_58, %dma_wait3A_96] : memref<64x128xi32, #tpu.memory_space<vmem>> -> memref<1x128xi32, #tpu.memory_space<vmem>>
      %dma_wait3A_98 = tpu.memref_squeeze %dma_wait3A_97 : memref<1x128xi32, #tpu.memory_space<vmem>> -> memref<128xi32, #tpu.memory_space<vmem>>
      %dma_wait3A_99 = arith.constant 0 : i32
      %dma_wait3A_100 = arith.constant 0 : i32
      %dma_wait3A_101 = tpu.memref_slice %arg2[%dma_wait3A_99, %dma_wait3A_100] : memref<32768x128xf32, #tpu.memory_space<hbm>> -> memref<32768x128xf32, #tpu.memory_space<hbm>>
      tpu.wait_indirect_dma semaphore(%arg12 : memref<!tpu.dma_semaphore, #tpu.memory_space<semaphore_mem>>) src(%dma_wait3A_101 : memref<32768x128xf32, #tpu.memory_space<hbm>>) dst(%dma_wait3A_95 : memref<128x128xf32, #tpu.memory_space<vmem>>)
      %dma_start3A_102 = arith.constant 128 : i32
      %dma_start3A_103 = arith.constant 0 : i32
      %dma_start3A_104 = tpu.memref_slice %arg9[%dma_start3A_102, %dma_start3A_103] : memref<256x128xf32, #tpu.memory_space<vmem>> -> memref<128x128xf32, #tpu.memory_space<vmem>>
      %dma_start3A_105 = arith.constant 0 : i32
      %dma_start3A_106 = tpu.memref_slice %arg8[%add3A_92, %dma_start3A_105] : memref<64x128xi32, #tpu.memory_space<vmem>> -> memref<1x128xi32, #tpu.memory_space<vmem>>
      %dma_start3A_107 = tpu.memref_squeeze %dma_start3A_106 : memref<1x128xi32, #tpu.memory_space<vmem>> -> memref<128xi32, #tpu.memory_space<vmem>>
      %dma_start3A_108 = arith.constant 0 : i32
      %dma_start3A_109 = arith.constant 0 : i32
      %dma_start3A_110 = tpu.memref_slice %arg10[%dma_start3A_108, %dma_start3A_109] : memref<8320x128xf32, #tpu.memory_space<vmem_shared>> -> memref<8320x128xf32, #tpu.memory_space<vmem_shared>>
      tpu.enqueue_indirect_dma source(%dma_start3A_104 : memref<128x128xf32, #tpu.memory_space<vmem>>) target(%dma_start3A_110 : memref<8320x128xf32, #tpu.memory_space<vmem_shared>>) offsets(%dma_start3A_107 : memref<128xi32, #tpu.memory_space<vmem>>) semaphore(%arg13 : memref<!tpu.dma_semaphore, #tpu.memory_space<semaphore_mem>>) {add = true}
      %dma_wait3A_111 = arith.constant 0 : i32
      %dma_wait3A_112 = arith.constant 0 : i32
      %dma_wait3A_113 = tpu.memref_slice %arg9[%dma_wait3A_111, %dma_wait3A_112] : memref<256x128xf32, #tpu.memory_space<vmem>> -> memref<128x128xf32, #tpu.memory_space<vmem>>
      %dma_wait3A_114 = arith.constant 0 : i32
      %dma_wait3A_115 = tpu.memref_slice %arg8[%add3A_71, %dma_wait3A_114] : memref<64x128xi32, #tpu.memory_space<vmem>> -> memref<1x128xi32, #tpu.memory_space<vmem>>
      %dma_wait3A_116 = tpu.memref_squeeze %dma_wait3A_115 : memref<1x128xi32, #tpu.memory_space<vmem>> -> memref<128xi32, #tpu.memory_space<vmem>>
      %dma_wait3A_117 = arith.constant 0 : i32
      %dma_wait3A_118 = arith.constant 0 : i32
      %dma_wait3A_119 = tpu.memref_slice %arg10[%dma_wait3A_117, %dma_wait3A_118] : memref<8320x128xf32, #tpu.memory_space<vmem_shared>> -> memref<8320x128xf32, #tpu.memory_space<vmem_shared>>
      tpu.wait_indirect_dma semaphore(%arg13 : memref<!tpu.dma_semaphore, #tpu.memory_space<semaphore_mem>>) src(%dma_wait3A_113 : memref<128x128xf32, #tpu.memory_space<vmem>>) dst(%dma_wait3A_119 : memref<8320x128xf32, #tpu.memory_space<vmem_shared>>)
      %dma_wait3A_120 = arith.constant 128 : i32
      %dma_wait3A_121 = arith.constant 0 : i32
      %dma_wait3A_122 = tpu.memref_slice %arg9[%dma_wait3A_120, %dma_wait3A_121] : memref<256x128xf32, #tpu.memory_space<vmem>> -> memref<128x128xf32, #tpu.memory_space<vmem>>
      %dma_wait3A_123 = arith.constant 0 : i32
      %dma_wait3A_124 = tpu.memref_slice %arg8[%add3A_92, %dma_wait3A_123] : memref<64x128xi32, #tpu.memory_space<vmem>> -> memref<1x128xi32, #tpu.memory_space<vmem>>
      %dma_wait3A_125 = tpu.memref_squeeze %dma_wait3A_124 : memref<1x128xi32, #tpu.memory_space<vmem>> -> memref<128xi32, #tpu.memory_space<vmem>>
      %dma_wait3A_126 = arith.constant 0 : i32
      %dma_wait3A_127 = arith.constant 0 : i32
      %dma_wait3A_128 = tpu.memref_slice %arg10[%dma_wait3A_126, %dma_wait3A_127] : memref<8320x128xf32, #tpu.memory_space<vmem_shared>> -> memref<8320x128xf32, #tpu.memory_space<vmem_shared>>
      tpu.wait_indirect_dma semaphore(%arg13 : memref<!tpu.dma_semaphore, #tpu.memory_space<semaphore_mem>>) src(%dma_wait3A_122 : memref<128x128xf32, #tpu.memory_space<vmem>>) dst(%dma_wait3A_128 : memref<8320x128xf32, #tpu.memory_space<vmem_shared>>)
    }
    %scan3A_34 = arith.constant 32 : i32
    %barrier3A_35 = arith.constant 0 : index
    tpu.barrier barrier_id(%barrier3A_35)
    %mul3A_36 = arith.constant 512 : i32
    %mul3A_37 = arith.muli %arg1, %mul3A_36 : i32
    %mul3A_38 = arith.constant 8192 : i32
    %mul3A_39 = arith.muli %add3A_24, %mul3A_38 : i32
    %add3A_40 = arith.addi %mul3A_39, %mul3A_37 : i32
    "tpu.region"() ({
      %run_scoped3A = tpu.sem_alloc : memref<!tpu.dma_semaphore, #tpu.memory_space<semaphore_mem>>
      %dma_start3A = arith.constant 0 : i32
      %dma_start3A_42 = tpu.memref_slice %arg6[%add3A_40, %dma_start3A] : memref<32768x128xf32, #tpu.memory_space<hbm>> -> memref<512x128xf32, #tpu.memory_space<hbm>>
      %dma_start3A_43 = arith.constant 0 : i32
      %dma_start3A_44 = tpu.memref_slice %arg10[%mul3A_37, %dma_start3A_43] : memref<8320x128xf32, #tpu.memory_space<vmem_shared>> -> memref<512x128xf32, #tpu.memory_space<vmem_shared>>
      tpu.enqueue_dma source(%dma_start3A_44 : memref<512x128xf32, #tpu.memory_space<vmem_shared>>) target(%dma_start3A_42 : memref<512x128xf32, #tpu.memory_space<hbm>>) target_semaphore(%run_scoped3A : memref<!tpu.dma_semaphore, #tpu.memory_space<semaphore_mem>>)
      %dma_wait3A = arith.constant 0 : i32
      %dma_wait3A_45 = tpu.memref_slice %arg6[%add3A_40, %dma_wait3A] : memref<32768x128xf32, #tpu.memory_space<hbm>> -> memref<512x128xf32, #tpu.memory_space<hbm>>
      %dma_wait3A_46 = arith.constant 0 : i32
      %dma_wait3A_47 = tpu.memref_slice %arg10[%mul3A_37, %dma_wait3A_46] : memref<8320x128xf32, #tpu.memory_space<vmem_shared>> -> memref<512x128xf32, #tpu.memory_space<vmem_shared>>
      tpu.wait_dma2 semaphore(%run_scoped3A : memref<!tpu.dma_semaphore, #tpu.memory_space<semaphore_mem>>) src(%dma_wait3A_47 : memref<512x128xf32, #tpu.memory_space<vmem_shared>>) dst(%dma_wait3A_45 : memref<512x128xf32, #tpu.memory_space<hbm>>)
      tpu.yield
    }) : () -> ()
    %barrier3A_41 = arith.constant 0 : index
    tpu.barrier barrier_id(%barrier3A_41)
    return
  }
}

#map = affine_map<(d0, d1) -> (0, 0)>
module attributes {stable_mosaic.version = 14 : i64} {
  func.func @body(%arg0: i32, %arg1: i32, %arg2: memref<2048x128xf32, #tpu.memory_space<hbm>>, %arg3: memref<256x128xi32, #tpu.memory_space<hbm>>, %arg4: memref<256x128xi32, #tpu.memory_space<hbm>>, %arg5: memref<2048x128xf32, #tpu.memory_space<hbm>>, %arg6: memref<4096x128xf32, #tpu.memory_space<hbm>>, %arg7: memref<8x128xi32, #tpu.memory_space<vmem>>, %arg8: memref<8x128xi32, #tpu.memory_space<vmem>>, %arg9: memref<512x128xf32, #tpu.memory_space<vmem>>, %arg10: memref<2048x128xf32, #tpu.memory_space<vmem_shared>>, %arg11: memref<!tpu.dma_semaphore, #tpu.memory_space<semaphore_mem>>, %arg12: memref<!tpu.dma_semaphore, #tpu.memory_space<semaphore_mem>>, %arg13: memref<!tpu.dma_semaphore, #tpu.memory_space<semaphore_mem>>, %arg14: memref<!tpu.dma_semaphore, #tpu.memory_space<semaphore_mem>>, %arg15: memref<!tpu.dma_semaphore, #tpu.memory_space<semaphore_mem>>) attributes {dimension_semantics = [#tpu.dimension_semantics<core_parallel>, #tpu.dimension_semantics<subcore_parallel>], iteration_bounds = array<i64: 2, 16>, scalar_prefetch = 0 : i64, scratch_operands = 9 : i64, tpu.core_type = #tpu.core_type<sc_vector_subcore>, window_params = [{transform_indices = #map}, {transform_indices = #map}, {transform_indices = #map}, {transform_indices = #map}, {transform_indices = #map}]} {
    %mul3A = arith.constant 128 : i32
    %mul3A_0 = arith.muli %arg1, %mul3A : i32
    "tpu.region"() ({
      %run_scoped3A = tpu.sem_alloc : memref<!tpu.dma_semaphore, #tpu.memory_space<semaphore_mem>>
      %dma_start3A = arith.constant 0 : i32
      %dma_start3A_14 = tpu.memref_slice %arg10[%mul3A_0, %dma_start3A] : memref<2048x128xf32, #tpu.memory_space<vmem_shared>> -> memref<128x128xf32, #tpu.memory_space<vmem_shared>>
      %dma_start3A_15 = arith.constant 0 : i32
      %dma_start3A_16 = tpu.memref_slice %arg5[%mul3A_0, %dma_start3A_15] : memref<2048x128xf32, #tpu.memory_space<hbm>> -> memref<128x128xf32, #tpu.memory_space<hbm>>
      tpu.enqueue_dma source(%dma_start3A_16 : memref<128x128xf32, #tpu.memory_space<hbm>>) target(%dma_start3A_14 : memref<128x128xf32, #tpu.memory_space<vmem_shared>>) target_semaphore(%run_scoped3A : memref<!tpu.dma_semaphore, #tpu.memory_space<semaphore_mem>>)
      %dma_wait3A = arith.constant 0 : i32
      %dma_wait3A_17 = tpu.memref_slice %arg10[%mul3A_0, %dma_wait3A] : memref<2048x128xf32, #tpu.memory_space<vmem_shared>> -> memref<128x128xf32, #tpu.memory_space<vmem_shared>>
      %dma_wait3A_18 = arith.constant 0 : i32
      %dma_wait3A_19 = tpu.memref_slice %arg5[%mul3A_0, %dma_wait3A_18] : memref<2048x128xf32, #tpu.memory_space<hbm>> -> memref<128x128xf32, #tpu.memory_space<hbm>>
      tpu.wait_dma2 semaphore(%run_scoped3A : memref<!tpu.dma_semaphore, #tpu.memory_space<semaphore_mem>>) src(%dma_wait3A_19 : memref<128x128xf32, #tpu.memory_space<hbm>>) dst(%dma_wait3A_17 : memref<128x128xf32, #tpu.memory_space<vmem_shared>>)
      tpu.yield
    }) : () -> ()
    %mul3A_1 = arith.constant 16 : i32
    %mul3A_2 = arith.muli %arg0, %mul3A_1 : i32
    %add3A = arith.addi %mul3A_2, %arg1 : i32
    %mul3A_3 = arith.constant 8 : i32
    %mul3A_4 = arith.muli %add3A, %mul3A_3 : i32
    "tpu.region"() ({
      %run_scoped3A = tpu.sem_alloc : memref<!tpu.dma_semaphore, #tpu.memory_space<semaphore_mem>>
      %dma_start3A = arith.constant 0 : i32
      %dma_start3A_14 = tpu.memref_slice %arg3[%mul3A_4, %dma_start3A] : memref<256x128xi32, #tpu.memory_space<hbm>> -> memref<8x128xi32, #tpu.memory_space<hbm>>
      %dma_start3A_15 = arith.constant 0 : i32
      %dma_start3A_16 = tpu.memref_slice %arg3[%mul3A_4, %dma_start3A_15] : memref<256x128xi32, #tpu.memory_space<hbm>> -> memref<8x128xi32, #tpu.memory_space<hbm>>
      tpu.enqueue_dma source(%dma_start3A_16 : memref<8x128xi32, #tpu.memory_space<hbm>>) target(%arg7 : memref<8x128xi32, #tpu.memory_space<vmem>>) target_semaphore(%run_scoped3A : memref<!tpu.dma_semaphore, #tpu.memory_space<semaphore_mem>>)
      %dma_wait3A = arith.constant 0 : i32
      %dma_wait3A_17 = tpu.memref_slice %arg3[%mul3A_4, %dma_wait3A] : memref<256x128xi32, #tpu.memory_space<hbm>> -> memref<8x128xi32, #tpu.memory_space<hbm>>
      %dma_wait3A_18 = arith.constant 0 : i32
      %dma_wait3A_19 = tpu.memref_slice %arg3[%mul3A_4, %dma_wait3A_18] : memref<256x128xi32, #tpu.memory_space<hbm>> -> memref<8x128xi32, #tpu.memory_space<hbm>>
      tpu.wait_dma2 semaphore(%run_scoped3A : memref<!tpu.dma_semaphore, #tpu.memory_space<semaphore_mem>>) src(%dma_wait3A_19 : memref<8x128xi32, #tpu.memory_space<hbm>>) dst(%arg7 : memref<8x128xi32, #tpu.memory_space<vmem>>)
      tpu.yield
    }) : () -> ()
    "tpu.region"() ({
      %run_scoped3A = tpu.sem_alloc : memref<!tpu.dma_semaphore, #tpu.memory_space<semaphore_mem>>
      %dma_start3A = arith.constant 0 : i32
      %dma_start3A_14 = tpu.memref_slice %arg4[%mul3A_4, %dma_start3A] : memref<256x128xi32, #tpu.memory_space<hbm>> -> memref<8x128xi32, #tpu.memory_space<hbm>>
      %dma_start3A_15 = arith.constant 0 : i32
      %dma_start3A_16 = tpu.memref_slice %arg4[%mul3A_4, %dma_start3A_15] : memref<256x128xi32, #tpu.memory_space<hbm>> -> memref<8x128xi32, #tpu.memory_space<hbm>>
      tpu.enqueue_dma source(%dma_start3A_16 : memref<8x128xi32, #tpu.memory_space<hbm>>) target(%arg8 : memref<8x128xi32, #tpu.memory_space<vmem>>) target_semaphore(%run_scoped3A : memref<!tpu.dma_semaphore, #tpu.memory_space<semaphore_mem>>)
      %dma_wait3A = arith.constant 0 : i32
      %dma_wait3A_17 = tpu.memref_slice %arg4[%mul3A_4, %dma_wait3A] : memref<256x128xi32, #tpu.memory_space<hbm>> -> memref<8x128xi32, #tpu.memory_space<hbm>>
      %dma_wait3A_18 = arith.constant 0 : i32
      %dma_wait3A_19 = tpu.memref_slice %arg4[%mul3A_4, %dma_wait3A_18] : memref<256x128xi32, #tpu.memory_space<hbm>> -> memref<8x128xi32, #tpu.memory_space<hbm>>
      tpu.wait_dma2 semaphore(%run_scoped3A : memref<!tpu.dma_semaphore, #tpu.memory_space<semaphore_mem>>) src(%dma_wait3A_19 : memref<8x128xi32, #tpu.memory_space<hbm>>) dst(%arg8 : memref<8x128xi32, #tpu.memory_space<vmem>>)
      tpu.yield
    }) : () -> ()
    %barrier3A = arith.constant 0 : index
    tpu.barrier barrier_id(%barrier3A)
    %scan3A = arith.constant 0 : i32
    %scan3A_5 = arith.constant 0 : i32
    %scan3A_6 = arith.constant 2 : i32
    %scan3A_7 = arith.addi %scan3A_5, %scan3A_6 : i32
    %scan3A_8 = arith.constant 1 : i32
    scf.for %scan3A_14 = %scan3A_5 to %scan3A_7 step %scan3A_8  : i32 {
      %mul3A_15 = arith.constant 4 : i32
      %mul3A_16 = arith.muli %scan3A_14, %mul3A_15 : i32
      %add3A_17 = arith.constant 0 : i32
      %add3A_18 = arith.addi %mul3A_16, %add3A_17 : i32
      %dma_start3A = arith.constant 0 : i32
      %dma_start3A_19 = arith.constant 0 : i32
      %dma_start3A_20 = tpu.memref_slice %arg9[%dma_start3A, %dma_start3A_19] : memref<512x128xf32, #tpu.memory_space<vmem>> -> memref<128x128xf32, #tpu.memory_space<vmem>>
      %dma_start3A_21 = arith.constant 0 : i32
      %dma_start3A_22 = tpu.memref_slice %arg7[%add3A_18, %dma_start3A_21] : memref<8x128xi32, #tpu.memory_space<vmem>> -> memref<1x128xi32, #tpu.memory_space<vmem>>
      %dma_start3A_23 = tpu.memref_squeeze %dma_start3A_22 : memref<1x128xi32, #tpu.memory_space<vmem>> -> memref<128xi32, #tpu.memory_space<vmem>>
      %dma_start3A_24 = arith.constant 0 : i32
      %dma_start3A_25 = arith.constant 0 : i32
      %dma_start3A_26 = tpu.memref_slice %arg2[%dma_start3A_24, %dma_start3A_25] : memref<2048x128xf32, #tpu.memory_space<hbm>> -> memref<2048x128xf32, #tpu.memory_space<hbm>>
      tpu.enqueue_indirect_dma source(%dma_start3A_26 : memref<2048x128xf32, #tpu.memory_space<hbm>>) target(%dma_start3A_20 : memref<128x128xf32, #tpu.memory_space<vmem>>) offsets(%dma_start3A_23 : memref<128xi32, #tpu.memory_space<vmem>>) semaphore(%arg11 : memref<!tpu.dma_semaphore, #tpu.memory_space<semaphore_mem>>)
      %mul3A_27 = arith.constant 4 : i32
      %mul3A_28 = arith.muli %scan3A_14, %mul3A_27 : i32
      %add3A_29 = arith.constant 1 : i32
      %add3A_30 = arith.addi %mul3A_28, %add3A_29 : i32
      %dma_start3A_31 = arith.constant 128 : i32
      %dma_start3A_32 = arith.constant 0 : i32
      %dma_start3A_33 = tpu.memref_slice %arg9[%dma_start3A_31, %dma_start3A_32] : memref<512x128xf32, #tpu.memory_space<vmem>> -> memref<128x128xf32, #tpu.memory_space<vmem>>
      %dma_start3A_34 = arith.constant 0 : i32
      %dma_start3A_35 = tpu.memref_slice %arg7[%add3A_30, %dma_start3A_34] : memref<8x128xi32, #tpu.memory_space<vmem>> -> memref<1x128xi32, #tpu.memory_space<vmem>>
      %dma_start3A_36 = tpu.memref_squeeze %dma_start3A_35 : memref<1x128xi32, #tpu.memory_space<vmem>> -> memref<128xi32, #tpu.memory_space<vmem>>
      %dma_start3A_37 = arith.constant 0 : i32
      %dma_start3A_38 = arith.constant 0 : i32
      %dma_start3A_39 = tpu.memref_slice %arg2[%dma_start3A_37, %dma_start3A_38] : memref<2048x128xf32, #tpu.memory_space<hbm>> -> memref<2048x128xf32, #tpu.memory_space<hbm>>
      tpu.enqueue_indirect_dma source(%dma_start3A_39 : memref<2048x128xf32, #tpu.memory_space<hbm>>) target(%dma_start3A_33 : memref<128x128xf32, #tpu.memory_space<vmem>>) offsets(%dma_start3A_36 : memref<128xi32, #tpu.memory_space<vmem>>) semaphore(%arg12 : memref<!tpu.dma_semaphore, #tpu.memory_space<semaphore_mem>>)
      %mul3A_40 = arith.constant 4 : i32
      %mul3A_41 = arith.muli %scan3A_14, %mul3A_40 : i32
      %add3A_42 = arith.constant 2 : i32
      %add3A_43 = arith.addi %mul3A_41, %add3A_42 : i32
      %dma_start3A_44 = arith.constant 256 : i32
      %dma_start3A_45 = arith.constant 0 : i32
      %dma_start3A_46 = tpu.memref_slice %arg9[%dma_start3A_44, %dma_start3A_45] : memref<512x128xf32, #tpu.memory_space<vmem>> -> memref<128x128xf32, #tpu.memory_space<vmem>>
      %dma_start3A_47 = arith.constant 0 : i32
      %dma_start3A_48 = tpu.memref_slice %arg7[%add3A_43, %dma_start3A_47] : memref<8x128xi32, #tpu.memory_space<vmem>> -> memref<1x128xi32, #tpu.memory_space<vmem>>
      %dma_start3A_49 = tpu.memref_squeeze %dma_start3A_48 : memref<1x128xi32, #tpu.memory_space<vmem>> -> memref<128xi32, #tpu.memory_space<vmem>>
      %dma_start3A_50 = arith.constant 0 : i32
      %dma_start3A_51 = arith.constant 0 : i32
      %dma_start3A_52 = tpu.memref_slice %arg2[%dma_start3A_50, %dma_start3A_51] : memref<2048x128xf32, #tpu.memory_space<hbm>> -> memref<2048x128xf32, #tpu.memory_space<hbm>>
      tpu.enqueue_indirect_dma source(%dma_start3A_52 : memref<2048x128xf32, #tpu.memory_space<hbm>>) target(%dma_start3A_46 : memref<128x128xf32, #tpu.memory_space<vmem>>) offsets(%dma_start3A_49 : memref<128xi32, #tpu.memory_space<vmem>>) semaphore(%arg13 : memref<!tpu.dma_semaphore, #tpu.memory_space<semaphore_mem>>)
      %mul3A_53 = arith.constant 4 : i32
      %mul3A_54 = arith.muli %scan3A_14, %mul3A_53 : i32
      %add3A_55 = arith.constant 3 : i32
      %add3A_56 = arith.addi %mul3A_54, %add3A_55 : i32
      %dma_start3A_57 = arith.constant 384 : i32
      %dma_start3A_58 = arith.constant 0 : i32
      %dma_start3A_59 = tpu.memref_slice %arg9[%dma_start3A_57, %dma_start3A_58] : memref<512x128xf32, #tpu.memory_space<vmem>> -> memref<128x128xf32, #tpu.memory_space<vmem>>
      %dma_start3A_60 = arith.constant 0 : i32
      %dma_start3A_61 = tpu.memref_slice %arg7[%add3A_56, %dma_start3A_60] : memref<8x128xi32, #tpu.memory_space<vmem>> -> memref<1x128xi32, #tpu.memory_space<vmem>>
      %dma_start3A_62 = tpu.memref_squeeze %dma_start3A_61 : memref<1x128xi32, #tpu.memory_space<vmem>> -> memref<128xi32, #tpu.memory_space<vmem>>
      %dma_start3A_63 = arith.constant 0 : i32
      %dma_start3A_64 = arith.constant 0 : i32
      %dma_start3A_65 = tpu.memref_slice %arg2[%dma_start3A_63, %dma_start3A_64] : memref<2048x128xf32, #tpu.memory_space<hbm>> -> memref<2048x128xf32, #tpu.memory_space<hbm>>
      tpu.enqueue_indirect_dma source(%dma_start3A_65 : memref<2048x128xf32, #tpu.memory_space<hbm>>) target(%dma_start3A_59 : memref<128x128xf32, #tpu.memory_space<vmem>>) offsets(%dma_start3A_62 : memref<128xi32, #tpu.memory_space<vmem>>) semaphore(%arg14 : memref<!tpu.dma_semaphore, #tpu.memory_space<semaphore_mem>>)
      %mul3A_66 = arith.constant 4 : i32
      %mul3A_67 = arith.muli %scan3A_14, %mul3A_66 : i32
      %add3A_68 = arith.constant 0 : i32
      %add3A_69 = arith.addi %mul3A_67, %add3A_68 : i32
      %dma_wait3A = arith.constant 0 : i32
      %dma_wait3A_70 = arith.constant 0 : i32
      %dma_wait3A_71 = tpu.memref_slice %arg9[%dma_wait3A, %dma_wait3A_70] : memref<512x128xf32, #tpu.memory_space<vmem>> -> memref<128x128xf32, #tpu.memory_space<vmem>>
      %dma_wait3A_72 = arith.constant 0 : i32
      %dma_wait3A_73 = tpu.memref_slice %arg7[%add3A_18, %dma_wait3A_72] : memref<8x128xi32, #tpu.memory_space<vmem>> -> memref<1x128xi32, #tpu.memory_space<vmem>>
      %dma_wait3A_74 = tpu.memref_squeeze %dma_wait3A_73 : memref<1x128xi32, #tpu.memory_space<vmem>> -> memref<128xi32, #tpu.memory_space<vmem>>
      %dma_wait3A_75 = arith.constant 0 : i32
      %dma_wait3A_76 = arith.constant 0 : i32
      %dma_wait3A_77 = tpu.memref_slice %arg2[%dma_wait3A_75, %dma_wait3A_76] : memref<2048x128xf32, #tpu.memory_space<hbm>> -> memref<2048x128xf32, #tpu.memory_space<hbm>>
      tpu.wait_indirect_dma semaphore(%arg11 : memref<!tpu.dma_semaphore, #tpu.memory_space<semaphore_mem>>) src(%dma_wait3A_77 : memref<2048x128xf32, #tpu.memory_space<hbm>>) dst(%dma_wait3A_71 : memref<128x128xf32, #tpu.memory_space<vmem>>)
      %dma_start3A_78 = arith.constant 0 : i32
      %dma_start3A_79 = arith.constant 0 : i32
      %dma_start3A_80 = tpu.memref_slice %arg9[%dma_start3A_78, %dma_start3A_79] : memref<512x128xf32, #tpu.memory_space<vmem>> -> memref<128x128xf32, #tpu.memory_space<vmem>>
      %dma_start3A_81 = arith.constant 0 : i32
      %dma_start3A_82 = tpu.memref_slice %arg8[%add3A_69, %dma_start3A_81] : memref<8x128xi32, #tpu.memory_space<vmem>> -> memref<1x128xi32, #tpu.memory_space<vmem>>
      %dma_start3A_83 = tpu.memref_squeeze %dma_start3A_82 : memref<1x128xi32, #tpu.memory_space<vmem>> -> memref<128xi32, #tpu.memory_space<vmem>>
      %dma_start3A_84 = arith.constant 0 : i32
      %dma_start3A_85 = arith.constant 0 : i32
      %dma_start3A_86 = tpu.memref_slice %arg10[%dma_start3A_84, %dma_start3A_85] : memref<2048x128xf32, #tpu.memory_space<vmem_shared>> -> memref<2048x128xf32, #tpu.memory_space<vmem_shared>>
      tpu.enqueue_indirect_dma source(%dma_start3A_80 : memref<128x128xf32, #tpu.memory_space<vmem>>) target(%dma_start3A_86 : memref<2048x128xf32, #tpu.memory_space<vmem_shared>>) offsets(%dma_start3A_83 : memref<128xi32, #tpu.memory_space<vmem>>) semaphore(%arg15 : memref<!tpu.dma_semaphore, #tpu.memory_space<semaphore_mem>>) {add = true}
      %mul3A_87 = arith.constant 4 : i32
      %mul3A_88 = arith.muli %scan3A_14, %mul3A_87 : i32
      %add3A_89 = arith.constant 1 : i32
      %add3A_90 = arith.addi %mul3A_88, %add3A_89 : i32
      %dma_wait3A_91 = arith.constant 128 : i32
      %dma_wait3A_92 = arith.constant 0 : i32
      %dma_wait3A_93 = tpu.memref_slice %arg9[%dma_wait3A_91, %dma_wait3A_92] : memref<512x128xf32, #tpu.memory_space<vmem>> -> memref<128x128xf32, #tpu.memory_space<vmem>>
      %dma_wait3A_94 = arith.constant 0 : i32
      %dma_wait3A_95 = tpu.memref_slice %arg7[%add3A_30, %dma_wait3A_94] : memref<8x128xi32, #tpu.memory_space<vmem>> -> memref<1x128xi32, #tpu.memory_space<vmem>>
      %dma_wait3A_96 = tpu.memref_squeeze %dma_wait3A_95 : memref<1x128xi32, #tpu.memory_space<vmem>> -> memref<128xi32, #tpu.memory_space<vmem>>
      %dma_wait3A_97 = arith.constant 0 : i32
      %dma_wait3A_98 = arith.constant 0 : i32
      %dma_wait3A_99 = tpu.memref_slice %arg2[%dma_wait3A_97, %dma_wait3A_98] : memref<2048x128xf32, #tpu.memory_space<hbm>> -> memref<2048x128xf32, #tpu.memory_space<hbm>>
      tpu.wait_indirect_dma semaphore(%arg12 : memref<!tpu.dma_semaphore, #tpu.memory_space<semaphore_mem>>) src(%dma_wait3A_99 : memref<2048x128xf32, #tpu.memory_space<hbm>>) dst(%dma_wait3A_93 : memref<128x128xf32, #tpu.memory_space<vmem>>)
      %dma_start3A_100 = arith.constant 128 : i32
      %dma_start3A_101 = arith.constant 0 : i32
      %dma_start3A_102 = tpu.memref_slice %arg9[%dma_start3A_100, %dma_start3A_101] : memref<512x128xf32, #tpu.memory_space<vmem>> -> memref<128x128xf32, #tpu.memory_space<vmem>>
      %dma_start3A_103 = arith.constant 0 : i32
      %dma_start3A_104 = tpu.memref_slice %arg8[%add3A_90, %dma_start3A_103] : memref<8x128xi32, #tpu.memory_space<vmem>> -> memref<1x128xi32, #tpu.memory_space<vmem>>
      %dma_start3A_105 = tpu.memref_squeeze %dma_start3A_104 : memref<1x128xi32, #tpu.memory_space<vmem>> -> memref<128xi32, #tpu.memory_space<vmem>>
      %dma_start3A_106 = arith.constant 0 : i32
      %dma_start3A_107 = arith.constant 0 : i32
      %dma_start3A_108 = tpu.memref_slice %arg10[%dma_start3A_106, %dma_start3A_107] : memref<2048x128xf32, #tpu.memory_space<vmem_shared>> -> memref<2048x128xf32, #tpu.memory_space<vmem_shared>>
      tpu.enqueue_indirect_dma source(%dma_start3A_102 : memref<128x128xf32, #tpu.memory_space<vmem>>) target(%dma_start3A_108 : memref<2048x128xf32, #tpu.memory_space<vmem_shared>>) offsets(%dma_start3A_105 : memref<128xi32, #tpu.memory_space<vmem>>) semaphore(%arg15 : memref<!tpu.dma_semaphore, #tpu.memory_space<semaphore_mem>>) {add = true}
      %mul3A_109 = arith.constant 4 : i32
      %mul3A_110 = arith.muli %scan3A_14, %mul3A_109 : i32
      %add3A_111 = arith.constant 2 : i32
      %add3A_112 = arith.addi %mul3A_110, %add3A_111 : i32
      %dma_wait3A_113 = arith.constant 256 : i32
      %dma_wait3A_114 = arith.constant 0 : i32
      %dma_wait3A_115 = tpu.memref_slice %arg9[%dma_wait3A_113, %dma_wait3A_114] : memref<512x128xf32, #tpu.memory_space<vmem>> -> memref<128x128xf32, #tpu.memory_space<vmem>>
      %dma_wait3A_116 = arith.constant 0 : i32
      %dma_wait3A_117 = tpu.memref_slice %arg7[%add3A_43, %dma_wait3A_116] : memref<8x128xi32, #tpu.memory_space<vmem>> -> memref<1x128xi32, #tpu.memory_space<vmem>>
      %dma_wait3A_118 = tpu.memref_squeeze %dma_wait3A_117 : memref<1x128xi32, #tpu.memory_space<vmem>> -> memref<128xi32, #tpu.memory_space<vmem>>
      %dma_wait3A_119 = arith.constant 0 : i32
      %dma_wait3A_120 = arith.constant 0 : i32
      %dma_wait3A_121 = tpu.memref_slice %arg2[%dma_wait3A_119, %dma_wait3A_120] : memref<2048x128xf32, #tpu.memory_space<hbm>> -> memref<2048x128xf32, #tpu.memory_space<hbm>>
      tpu.wait_indirect_dma semaphore(%arg13 : memref<!tpu.dma_semaphore, #tpu.memory_space<semaphore_mem>>) src(%dma_wait3A_121 : memref<2048x128xf32, #tpu.memory_space<hbm>>) dst(%dma_wait3A_115 : memref<128x128xf32, #tpu.memory_space<vmem>>)
      %dma_start3A_122 = arith.constant 256 : i32
      %dma_start3A_123 = arith.constant 0 : i32
      %dma_start3A_124 = tpu.memref_slice %arg9[%dma_start3A_122, %dma_start3A_123] : memref<512x128xf32, #tpu.memory_space<vmem>> -> memref<128x128xf32, #tpu.memory_space<vmem>>
      %dma_start3A_125 = arith.constant 0 : i32
      %dma_start3A_126 = tpu.memref_slice %arg8[%add3A_112, %dma_start3A_125] : memref<8x128xi32, #tpu.memory_space<vmem>> -> memref<1x128xi32, #tpu.memory_space<vmem>>
      %dma_start3A_127 = tpu.memref_squeeze %dma_start3A_126 : memref<1x128xi32, #tpu.memory_space<vmem>> -> memref<128xi32, #tpu.memory_space<vmem>>
      %dma_start3A_128 = arith.constant 0 : i32
      %dma_start3A_129 = arith.constant 0 : i32
      %dma_start3A_130 = tpu.memref_slice %arg10[%dma_start3A_128, %dma_start3A_129] : memref<2048x128xf32, #tpu.memory_space<vmem_shared>> -> memref<2048x128xf32, #tpu.memory_space<vmem_shared>>
      tpu.enqueue_indirect_dma source(%dma_start3A_124 : memref<128x128xf32, #tpu.memory_space<vmem>>) target(%dma_start3A_130 : memref<2048x128xf32, #tpu.memory_space<vmem_shared>>) offsets(%dma_start3A_127 : memref<128xi32, #tpu.memory_space<vmem>>) semaphore(%arg15 : memref<!tpu.dma_semaphore, #tpu.memory_space<semaphore_mem>>) {add = true}
      %mul3A_131 = arith.constant 4 : i32
      %mul3A_132 = arith.muli %scan3A_14, %mul3A_131 : i32
      %add3A_133 = arith.constant 3 : i32
      %add3A_134 = arith.addi %mul3A_132, %add3A_133 : i32
      %dma_wait3A_135 = arith.constant 384 : i32
      %dma_wait3A_136 = arith.constant 0 : i32
      %dma_wait3A_137 = tpu.memref_slice %arg9[%dma_wait3A_135, %dma_wait3A_136] : memref<512x128xf32, #tpu.memory_space<vmem>> -> memref<128x128xf32, #tpu.memory_space<vmem>>
      %dma_wait3A_138 = arith.constant 0 : i32
      %dma_wait3A_139 = tpu.memref_slice %arg7[%add3A_56, %dma_wait3A_138] : memref<8x128xi32, #tpu.memory_space<vmem>> -> memref<1x128xi32, #tpu.memory_space<vmem>>
      %dma_wait3A_140 = tpu.memref_squeeze %dma_wait3A_139 : memref<1x128xi32, #tpu.memory_space<vmem>> -> memref<128xi32, #tpu.memory_space<vmem>>
      %dma_wait3A_141 = arith.constant 0 : i32
      %dma_wait3A_142 = arith.constant 0 : i32
      %dma_wait3A_143 = tpu.memref_slice %arg2[%dma_wait3A_141, %dma_wait3A_142] : memref<2048x128xf32, #tpu.memory_space<hbm>> -> memref<2048x128xf32, #tpu.memory_space<hbm>>
      tpu.wait_indirect_dma semaphore(%arg14 : memref<!tpu.dma_semaphore, #tpu.memory_space<semaphore_mem>>) src(%dma_wait3A_143 : memref<2048x128xf32, #tpu.memory_space<hbm>>) dst(%dma_wait3A_137 : memref<128x128xf32, #tpu.memory_space<vmem>>)
      %dma_start3A_144 = arith.constant 384 : i32
      %dma_start3A_145 = arith.constant 0 : i32
      %dma_start3A_146 = tpu.memref_slice %arg9[%dma_start3A_144, %dma_start3A_145] : memref<512x128xf32, #tpu.memory_space<vmem>> -> memref<128x128xf32, #tpu.memory_space<vmem>>
      %dma_start3A_147 = arith.constant 0 : i32
      %dma_start3A_148 = tpu.memref_slice %arg8[%add3A_134, %dma_start3A_147] : memref<8x128xi32, #tpu.memory_space<vmem>> -> memref<1x128xi32, #tpu.memory_space<vmem>>
      %dma_start3A_149 = tpu.memref_squeeze %dma_start3A_148 : memref<1x128xi32, #tpu.memory_space<vmem>> -> memref<128xi32, #tpu.memory_space<vmem>>
      %dma_start3A_150 = arith.constant 0 : i32
      %dma_start3A_151 = arith.constant 0 : i32
      %dma_start3A_152 = tpu.memref_slice %arg10[%dma_start3A_150, %dma_start3A_151] : memref<2048x128xf32, #tpu.memory_space<vmem_shared>> -> memref<2048x128xf32, #tpu.memory_space<vmem_shared>>
      tpu.enqueue_indirect_dma source(%dma_start3A_146 : memref<128x128xf32, #tpu.memory_space<vmem>>) target(%dma_start3A_152 : memref<2048x128xf32, #tpu.memory_space<vmem_shared>>) offsets(%dma_start3A_149 : memref<128xi32, #tpu.memory_space<vmem>>) semaphore(%arg15 : memref<!tpu.dma_semaphore, #tpu.memory_space<semaphore_mem>>) {add = true}
      %dma_wait3A_153 = arith.constant 0 : i32
      %dma_wait3A_154 = arith.constant 0 : i32
      %dma_wait3A_155 = tpu.memref_slice %arg9[%dma_wait3A_153, %dma_wait3A_154] : memref<512x128xf32, #tpu.memory_space<vmem>> -> memref<128x128xf32, #tpu.memory_space<vmem>>
      %dma_wait3A_156 = arith.constant 0 : i32
      %dma_wait3A_157 = tpu.memref_slice %arg8[%add3A_69, %dma_wait3A_156] : memref<8x128xi32, #tpu.memory_space<vmem>> -> memref<1x128xi32, #tpu.memory_space<vmem>>
      %dma_wait3A_158 = tpu.memref_squeeze %dma_wait3A_157 : memref<1x128xi32, #tpu.memory_space<vmem>> -> memref<128xi32, #tpu.memory_space<vmem>>
      %dma_wait3A_159 = arith.constant 0 : i32
      %dma_wait3A_160 = arith.constant 0 : i32
      %dma_wait3A_161 = tpu.memref_slice %arg10[%dma_wait3A_159, %dma_wait3A_160] : memref<2048x128xf32, #tpu.memory_space<vmem_shared>> -> memref<2048x128xf32, #tpu.memory_space<vmem_shared>>
      tpu.wait_indirect_dma semaphore(%arg15 : memref<!tpu.dma_semaphore, #tpu.memory_space<semaphore_mem>>) src(%dma_wait3A_155 : memref<128x128xf32, #tpu.memory_space<vmem>>) dst(%dma_wait3A_161 : memref<2048x128xf32, #tpu.memory_space<vmem_shared>>)
      %dma_wait3A_162 = arith.constant 128 : i32
      %dma_wait3A_163 = arith.constant 0 : i32
      %dma_wait3A_164 = tpu.memref_slice %arg9[%dma_wait3A_162, %dma_wait3A_163] : memref<512x128xf32, #tpu.memory_space<vmem>> -> memref<128x128xf32, #tpu.memory_space<vmem>>
      %dma_wait3A_165 = arith.constant 0 : i32
      %dma_wait3A_166 = tpu.memref_slice %arg8[%add3A_90, %dma_wait3A_165] : memref<8x128xi32, #tpu.memory_space<vmem>> -> memref<1x128xi32, #tpu.memory_space<vmem>>
      %dma_wait3A_167 = tpu.memref_squeeze %dma_wait3A_166 : memref<1x128xi32, #tpu.memory_space<vmem>> -> memref<128xi32, #tpu.memory_space<vmem>>
      %dma_wait3A_168 = arith.constant 0 : i32
      %dma_wait3A_169 = arith.constant 0 : i32
      %dma_wait3A_170 = tpu.memref_slice %arg10[%dma_wait3A_168, %dma_wait3A_169] : memref<2048x128xf32, #tpu.memory_space<vmem_shared>> -> memref<2048x128xf32, #tpu.memory_space<vmem_shared>>
      tpu.wait_indirect_dma semaphore(%arg15 : memref<!tpu.dma_semaphore, #tpu.memory_space<semaphore_mem>>) src(%dma_wait3A_164 : memref<128x128xf32, #tpu.memory_space<vmem>>) dst(%dma_wait3A_170 : memref<2048x128xf32, #tpu.memory_space<vmem_shared>>)
      %dma_wait3A_171 = arith.constant 256 : i32
      %dma_wait3A_172 = arith.constant 0 : i32
      %dma_wait3A_173 = tpu.memref_slice %arg9[%dma_wait3A_171, %dma_wait3A_172] : memref<512x128xf32, #tpu.memory_space<vmem>> -> memref<128x128xf32, #tpu.memory_space<vmem>>
      %dma_wait3A_174 = arith.constant 0 : i32
      %dma_wait3A_175 = tpu.memref_slice %arg8[%add3A_112, %dma_wait3A_174] : memref<8x128xi32, #tpu.memory_space<vmem>> -> memref<1x128xi32, #tpu.memory_space<vmem>>
      %dma_wait3A_176 = tpu.memref_squeeze %dma_wait3A_175 : memref<1x128xi32, #tpu.memory_space<vmem>> -> memref<128xi32, #tpu.memory_space<vmem>>
      %dma_wait3A_177 = arith.constant 0 : i32
      %dma_wait3A_178 = arith.constant 0 : i32
      %dma_wait3A_179 = tpu.memref_slice %arg10[%dma_wait3A_177, %dma_wait3A_178] : memref<2048x128xf32, #tpu.memory_space<vmem_shared>> -> memref<2048x128xf32, #tpu.memory_space<vmem_shared>>
      tpu.wait_indirect_dma semaphore(%arg15 : memref<!tpu.dma_semaphore, #tpu.memory_space<semaphore_mem>>) src(%dma_wait3A_173 : memref<128x128xf32, #tpu.memory_space<vmem>>) dst(%dma_wait3A_179 : memref<2048x128xf32, #tpu.memory_space<vmem_shared>>)
      %dma_wait3A_180 = arith.constant 384 : i32
      %dma_wait3A_181 = arith.constant 0 : i32
      %dma_wait3A_182 = tpu.memref_slice %arg9[%dma_wait3A_180, %dma_wait3A_181] : memref<512x128xf32, #tpu.memory_space<vmem>> -> memref<128x128xf32, #tpu.memory_space<vmem>>
      %dma_wait3A_183 = arith.constant 0 : i32
      %dma_wait3A_184 = tpu.memref_slice %arg8[%add3A_134, %dma_wait3A_183] : memref<8x128xi32, #tpu.memory_space<vmem>> -> memref<1x128xi32, #tpu.memory_space<vmem>>
      %dma_wait3A_185 = tpu.memref_squeeze %dma_wait3A_184 : memref<1x128xi32, #tpu.memory_space<vmem>> -> memref<128xi32, #tpu.memory_space<vmem>>
      %dma_wait3A_186 = arith.constant 0 : i32
      %dma_wait3A_187 = arith.constant 0 : i32
      %dma_wait3A_188 = tpu.memref_slice %arg10[%dma_wait3A_186, %dma_wait3A_187] : memref<2048x128xf32, #tpu.memory_space<vmem_shared>> -> memref<2048x128xf32, #tpu.memory_space<vmem_shared>>
      tpu.wait_indirect_dma semaphore(%arg15 : memref<!tpu.dma_semaphore, #tpu.memory_space<semaphore_mem>>) src(%dma_wait3A_182 : memref<128x128xf32, #tpu.memory_space<vmem>>) dst(%dma_wait3A_188 : memref<2048x128xf32, #tpu.memory_space<vmem_shared>>)
    }
    %scan3A_9 = arith.constant 2 : i32
    %barrier3A_10 = arith.constant 0 : index
    tpu.barrier barrier_id(%barrier3A_10)
    %mul3A_11 = arith.constant 2048 : i32
    %mul3A_12 = arith.muli %arg0, %mul3A_11 : i32
    %add3A_13 = arith.addi %mul3A_12, %mul3A_0 : i32
    "tpu.region"() ({
      %run_scoped3A = tpu.sem_alloc : memref<!tpu.dma_semaphore, #tpu.memory_space<semaphore_mem>>
      %dma_start3A = arith.constant 0 : i32
      %dma_start3A_14 = tpu.memref_slice %arg6[%add3A_13, %dma_start3A] : memref<4096x128xf32, #tpu.memory_space<hbm>> -> memref<128x128xf32, #tpu.memory_space<hbm>>
      %dma_start3A_15 = arith.constant 0 : i32
      %dma_start3A_16 = tpu.memref_slice %arg10[%mul3A_0, %dma_start3A_15] : memref<2048x128xf32, #tpu.memory_space<vmem_shared>> -> memref<128x128xf32, #tpu.memory_space<vmem_shared>>
      tpu.enqueue_dma source(%dma_start3A_16 : memref<128x128xf32, #tpu.memory_space<vmem_shared>>) target(%dma_start3A_14 : memref<128x128xf32, #tpu.memory_space<hbm>>) target_semaphore(%run_scoped3A : memref<!tpu.dma_semaphore, #tpu.memory_space<semaphore_mem>>)
      %dma_wait3A = arith.constant 0 : i32
      %dma_wait3A_17 = tpu.memref_slice %arg6[%add3A_13, %dma_wait3A] : memref<4096x128xf32, #tpu.memory_space<hbm>> -> memref<128x128xf32, #tpu.memory_space<hbm>>
      %dma_wait3A_18 = arith.constant 0 : i32
      %dma_wait3A_19 = tpu.memref_slice %arg10[%mul3A_0, %dma_wait3A_18] : memref<2048x128xf32, #tpu.memory_space<vmem_shared>> -> memref<128x128xf32, #tpu.memory_space<vmem_shared>>
      tpu.wait_dma2 semaphore(%run_scoped3A : memref<!tpu.dma_semaphore, #tpu.memory_space<semaphore_mem>>) src(%dma_wait3A_19 : memref<128x128xf32, #tpu.memory_space<vmem_shared>>) dst(%dma_wait3A_17 : memref<128x128xf32, #tpu.memory_space<hbm>>)
      tpu.yield
    }) : () -> ()
    return
  }
}

module attributes {stable_mosaic.version = 14 : i64} {
  func.func @_dual_mm_body(%arg0: i32, %arg1: memref<2048x512xf32, #tpu.memory_space<vmem>>, %arg2: memref<512x128xf32, #tpu.memory_space<vmem>>, %arg3: memref<2048x128xf32, #tpu.memory_space<vmem>>, %arg4: memref<2048x128xf32, #tpu.memory_space<vmem>>, %arg5: memref<512x128xf32, #tpu.memory_space<vmem>>) attributes {dimension_semantics = [#tpu.dimension_semantics<arbitrary>], iteration_bounds = array<i64: 64>, scalar_prefetch = 0 : i64, scratch_operands = 0 : i64, tpu.core_type = #tpu.core_type<tc>, window_params = [{transform_indices = @transform_0, window_bounds = array<i64: 2048, 512>}, {transform_indices = @transform_1, window_bounds = array<i64: 512, 128>}, {pipeline_mode = #tpu.pipeline_mode<synchronous>, transform_indices = @transform_2, window_bounds = array<i64: 2048, 128>}, {pipeline_mode = #tpu.pipeline_mode<synchronous>, transform_indices = @transform_3, window_bounds = array<i64: 2048, 128>}, {transform_indices = @transform_4, window_bounds = array<i64: 512, 128>}]} {
    %get3A = arith.constant 0 : index
    %get3A_0 = arith.constant 0 : index
    %get3A_1 = vector.load %arg1[%get3A, %get3A_0] : memref<2048x512xf32, #tpu.memory_space<vmem>>, vector<2048x512xf32>
    %get3A_2 = arith.constant 0 : index
    %get3A_3 = arith.constant 0 : index
    %get3A_4 = vector.load %arg2[%get3A_2, %get3A_3] : memref<512x128xf32, #tpu.memory_space<vmem>>, vector<512x128xf32>
    %dot_general3A = arith.constant dense<0.000000e+00> : vector<2048x128xf32>
    %dot_general3A_5 = tpu.matmul %get3A_1, %get3A_4, %dot_general3A {dimension_numbers = #tpu.dot_dimension_numbers<[1], [0], [0], [1], [0, 0, 1, 1], [], []>, transpose_lhs_hint = false} : vector<2048x512xf32>, vector<512x128xf32>, vector<2048x128xf32> -> vector<2048x128xf32>
    %eq3A = arith.constant 0 : i32
    %eq3A_6 = arith.cmpi eq, %arg0, %eq3A : i32
    %convert_element_type3A = arith.extui %eq3A_6 : i1 to i32
    %cond3A = arith.constant 0 : i32
    %cond3A_7 = arith.cmpi ne, %convert_element_type3A, %cond3A : i32
    scf.if %cond3A_7 {
      %broadcast_in_dim3A = arith.constant 0.000000e+00 : f32
      %broadcast_in_dim3A_21 = vector.broadcast %broadcast_in_dim3A : f32 to vector<2048x128xf32>
      %swap3A_22 = arith.constant 0 : index
      %swap3A_23 = arith.constant 0 : index
      %swap3A_24 = vector.load %arg4[%swap3A_22, %swap3A_23] : memref<2048x128xf32, #tpu.memory_space<vmem>>, vector<2048x128xf32>
      tpu.vector_store %arg4[%swap3A_22, %swap3A_23], %broadcast_in_dim3A_21 {strides = array<i32>} : memref<2048x128xf32, #tpu.memory_space<vmem>>, vector<2048x128xf32>,
    } else {
    }
    %get3A_8 = arith.constant 0 : index
    %get3A_9 = arith.constant 0 : index
    %get3A_10 = vector.load %arg4[%get3A_8, %get3A_9] : memref<2048x128xf32, #tpu.memory_space<vmem>>, vector<2048x128xf32>
    %add3A = arith.addf %get3A_10, %dot_general3A_5 : vector<2048x128xf32>
    %swap3A = arith.constant 0 : index
    %swap3A_11 = arith.constant 0 : index
    %swap3A_12 = vector.load %arg4[%swap3A, %swap3A_11] : memref<2048x128xf32, #tpu.memory_space<vmem>>, vector<2048x128xf32>
    tpu.vector_store %arg4[%swap3A, %swap3A_11], %add3A {strides = array<i32>} : memref<2048x128xf32, #tpu.memory_space<vmem>>, vector<2048x128xf32>,
    %get3A_13 = arith.constant 0 : index
    %get3A_14 = arith.constant 0 : index
    %get3A_15 = vector.load %arg3[%get3A_13, %get3A_14] : memref<2048x128xf32, #tpu.memory_space<vmem>>, vector<2048x128xf32>
    %dot_general3A_16 = arith.constant dense<0.000000e+00> : vector<512x128xf32>
    %dot_general3A_17 = tpu.matmul %get3A_1, %get3A_15, %dot_general3A_16 {dimension_numbers = #tpu.dot_dimension_numbers<[0], [0], [1], [1], [0, 1, 1, 1], [], []>, transpose_lhs_hint = false} : vector<2048x512xf32>, vector<2048x128xf32>, vector<512x128xf32> -> vector<512x128xf32>
    %swap3A_18 = arith.constant 0 : index
    %swap3A_19 = arith.constant 0 : index
    %swap3A_20 = vector.load %arg5[%swap3A_18, %swap3A_19] : memref<512x128xf32, #tpu.memory_space<vmem>>, vector<512x128xf32>
    tpu.vector_store %arg5[%swap3A_18, %swap3A_19], %dot_general3A_17 {strides = array<i32>} : memref<512x128xf32, #tpu.memory_space<vmem>>, vector<512x128xf32>,
    return
  }
  func.func @transform_0(%arg0: i32) -> (i32, i32) {
    %c0_i32 = arith.constant 0 : i32
    %c0_i32_0 = arith.constant 0 : i32
    return %c0_i32, %arg0 : i32, i32
  }
  func.func @transform_1(%arg0: i32) -> (i32, i32) {
    %c0_i32 = arith.constant 0 : i32
    %c0_i32_0 = arith.constant 0 : i32
    return %arg0, %c0_i32 : i32, i32
  }
  func.func @transform_2(%arg0: i32) -> (i32, i32) {
    %c0_i32 = arith.constant 0 : i32
    %c0_i32_0 = arith.constant 0 : i32
    %c0_i32_1 = arith.constant 0 : i32
    return %c0_i32, %c0_i32_0 : i32, i32
  }
  func.func @transform_3(%arg0: i32) -> (i32, i32) {
    %c0_i32 = arith.constant 0 : i32
    %c0_i32_0 = arith.constant 0 : i32
    %c0_i32_1 = arith.constant 0 : i32
    return %c0_i32, %c0_i32_0 : i32, i32
  }
  func.func @transform_4(%arg0: i32) -> (i32, i32) {
    %c0_i32 = arith.constant 0 : i32
    %c0_i32_0 = arith.constant 0 : i32
    return %arg0, %c0_i32 : i32, i32
  }
}

module attributes {stable_mosaic.version = 14 : i64} {
  func.func @body(%arg0: i32, %arg1: memref<512x128xf32, #tpu.memory_space<vmem>>, %arg2: memref<512x1xf32, #tpu.memory_space<vmem>>, %arg3: memref<512x128xf32, #tpu.memory_space<vmem>>, %arg4: memref<512x128xf32, #tpu.memory_space<vmem>>, %arg5: memref<512x128xf32, #tpu.memory_space<vmem>>, %arg6: memref<128x128xf32, #tpu.memory_space<vmem>>, %arg7: memref<128x128xf32, #tpu.memory_space<vmem>>, %arg8: memref<128x128xf32, #tpu.memory_space<vmem>>, %arg9: memref<128x128xf32, #tpu.memory_space<vmem>>, %arg10: memref<128x128xf32, #tpu.memory_space<vmem>>, %arg11: memref<1x128xf32, #tpu.memory_space<vmem>>, %arg12: memref<1x128xf32, #tpu.memory_space<vmem>>, %arg13: memref<1x128xf32, #tpu.memory_space<vmem>>, %arg14: memref<512x128xf32, #tpu.memory_space<vmem>>, %arg15: memref<32768x128xf32, #tpu.memory_space<vmem>>, %arg16: memref<2x128xf32, #tpu.memory_space<vmem>>) attributes {dimension_semantics = [#tpu.dimension_semantics<arbitrary>], iteration_bounds = array<i64: 128>, scalar_prefetch = 0 : i64, scratch_operands = 2 : i64, tpu.core_type = #tpu.core_type<tc>, window_params = [{transform_indices = @transform_0, window_bounds = array<i64: 512, 128>}, {transform_indices = @transform_1, window_bounds = array<i64: 512, 1>}, {transform_indices = @transform_2, window_bounds = array<i64: 512, 128>}, {transform_indices = @transform_3, window_bounds = array<i64: 512, 128>}, {transform_indices = @transform_4, window_bounds = array<i64: 512, 128>}, {pipeline_mode = #tpu.pipeline_mode<synchronous>, transform_indices = @transform_5, window_bounds = array<i64: 128, 128>}, {pipeline_mode = #tpu.pipeline_mode<synchronous>, transform_indices = @transform_6, window_bounds = array<i64: 128, 128>}, {pipeline_mode = #tpu.pipeline_mode<synchronous>, transform_indices = @transform_7, window_bounds = array<i64: 128, 128>}, {pipeline_mode = #tpu.pipeline_mode<synchronous>, transform_indices = @transform_8, window_bounds = array<i64: 128, 128>}, {pipeline_mode = #tpu.pipeline_mode<synchronous>, transform_indices = @transform_9, window_bounds = array<i64: 128, 128>}, {pipeline_mode = #tpu.pipeline_mode<synchronous>, transform_indices = @transform_10, window_bounds = array<i64: 1, 128>}, {pipeline_mode = #tpu.pipeline_mode<synchronous>, transform_indices = @transform_11, window_bounds = array<i64: 1, 128>}, {pipeline_mode = #tpu.pipeline_mode<synchronous>, transform_indices = @transform_12, window_bounds = array<i64: 1, 128>}, {transform_indices = @transform_13, window_bounds = array<i64: 512, 128>}]} {
    %lt3A = arith.constant 64 : i32
    %lt3A_0 = arith.cmpi slt, %arg0, %lt3A : i32
    %convert_element_type3A = arith.extui %lt3A_0 : i1 to i32
    %cond3A = arith.constant 0 : i32
    %cond3A_1 = arith.cmpi ne, %convert_element_type3A, %cond3A : i32
    scf.if %cond3A_1 {
      %get3A = arith.constant 0 : index
      %get3A_6 = arith.constant 0 : index
      %get3A_7 = vector.load %arg3[%get3A, %get3A_6] : memref<512x128xf32, #tpu.memory_space<vmem>>, vector<512x128xf32>
      %get3A_8 = arith.constant 0 : index
      %get3A_9 = arith.constant 0 : index
      %get3A_10 = vector.load %arg4[%get3A_8, %get3A_9] : memref<512x128xf32, #tpu.memory_space<vmem>>, vector<512x128xf32>
      %get3A_11 = arith.constant 0 : index
      %get3A_12 = arith.constant 0 : index
      %get3A_13 = vector.load %arg1[%get3A_11, %get3A_12] : memref<512x128xf32, #tpu.memory_space<vmem>>, vector<512x128xf32>
      %get3A_14 = arith.constant 0 : index
      %get3A_15 = arith.constant 0 : index
      %get3A_16 = vector.load %arg6[%get3A_14, %get3A_15] : memref<128x128xf32, #tpu.memory_space<vmem>>, vector<128x128xf32>
      %dot_general3A = arith.constant dense<0.000000e+00> : vector<512x128xf32>
      %dot_general3A_17 = tpu.matmul %get3A_13, %get3A_16, %dot_general3A {dimension_numbers = #tpu.dot_dimension_numbers<[1], [0], [0], [1], [0, 0, 1, 1], [], []>, transpose_lhs_hint = false} : vector<512x128xf32>, vector<128x128xf32>, vector<512x128xf32> -> vector<512x128xf32>
      %get3A_18 = arith.constant 0 : index
      %get3A_19 = arith.constant 0 : index
      %get3A_20 = vector.load %arg2[%get3A_18, %get3A_19] : memref<512x1xf32, #tpu.memory_space<vmem>>, vector<512x1xf32>
      %mul3A = vector.broadcast %get3A_20 : vector<512x1xf32> to vector<512x128xf32>
      %mul3A_21 = arith.mulf %get3A_13, %mul3A : vector<512x128xf32>
      %get3A_22 = arith.constant 0 : index
      %get3A_23 = arith.constant 0 : index
      %get3A_24 = vector.load %arg7[%get3A_22, %get3A_23] : memref<128x128xf32, #tpu.memory_space<vmem>>, vector<128x128xf32>
      %dot_general3A_25 = arith.constant dense<0.000000e+00> : vector<512x128xf32>
      %dot_general3A_26 = tpu.matmul %mul3A_21, %get3A_24, %dot_general3A_25 {dimension_numbers = #tpu.dot_dimension_numbers<[1], [0], [0], [1], [0, 0, 1, 1], [], []>, transpose_lhs_hint = false} : vector<512x128xf32>, vector<128x128xf32>, vector<512x128xf32> -> vector<512x128xf32>
      %add3A = arith.addf %dot_general3A_17, %dot_general3A_26 : vector<512x128xf32>
      %get3A_27 = arith.constant 0 : index
      %get3A_28 = arith.constant 0 : index
      %get3A_29 = vector.load %arg8[%get3A_27, %get3A_28] : memref<128x128xf32, #tpu.memory_space<vmem>>, vector<128x128xf32>
      %dot_general3A_30 = arith.constant dense<0.000000e+00> : vector<512x128xf32>
      %dot_general3A_31 = tpu.matmul %get3A_7, %get3A_29, %dot_general3A_30 {dimension_numbers = #tpu.dot_dimension_numbers<[1], [0], [0], [1], [0, 0, 1, 1], [], []>, transpose_lhs_hint = false} : vector<512x128xf32>, vector<128x128xf32>, vector<512x128xf32> -> vector<512x128xf32>
      %add3A_32 = arith.addf %add3A, %dot_general3A_31 : vector<512x128xf32>
      %get3A_33 = arith.constant 0 : index
      %get3A_34 = arith.constant 0 : index
      %get3A_35 = vector.load %arg9[%get3A_33, %get3A_34] : memref<128x128xf32, #tpu.memory_space<vmem>>, vector<128x128xf32>
      %dot_general3A_36 = arith.constant dense<0.000000e+00> : vector<512x128xf32>
      %dot_general3A_37 = tpu.matmul %get3A_10, %get3A_35, %dot_general3A_36 {dimension_numbers = #tpu.dot_dimension_numbers<[1], [0], [0], [1], [0, 0, 1, 1], [], []>, transpose_lhs_hint = false} : vector<512x128xf32>, vector<128x128xf32>, vector<512x128xf32> -> vector<512x128xf32>
      %add3A_38 = arith.addf %add3A_32, %dot_general3A_37 : vector<512x128xf32>
      %get3A_39 = arith.constant 0 : index
      %get3A_40 = arith.constant 0 : index
      %get3A_41 = vector.load %arg5[%get3A_39, %get3A_40] : memref<512x128xf32, #tpu.memory_space<vmem>>, vector<512x128xf32>
      %get3A_42 = arith.constant 0 : index
      %get3A_43 = arith.constant 0 : index
      %get3A_44 = vector.load %arg10[%get3A_42, %get3A_43] : memref<128x128xf32, #tpu.memory_space<vmem>>, vector<128x128xf32>
      %dot_general3A_45 = arith.constant dense<0.000000e+00> : vector<512x128xf32>
      %dot_general3A_46 = tpu.matmul %get3A_41, %get3A_44, %dot_general3A_45 {dimension_numbers = #tpu.dot_dimension_numbers<[1], [0], [0], [1], [0, 0, 1, 1], [], []>, transpose_lhs_hint = false} : vector<512x128xf32>, vector<128x128xf32>, vector<512x128xf32> -> vector<512x128xf32>
      %add3A_47 = arith.addf %add3A_38, %dot_general3A_46 : vector<512x128xf32>
      %get3A_48 = arith.constant 0 : index
      %get3A_49 = arith.constant 0 : index
      %get3A_50 = vector.load %arg11[%get3A_48, %get3A_49] : memref<1x128xf32, #tpu.memory_space<vmem>>, vector<1x128xf32>
      %add3A_51 = vector.broadcast %get3A_50 : vector<1x128xf32> to vector<512x128xf32>
      %add3A_52 = arith.addf %add3A_47, %add3A_51 : vector<512x128xf32>
      %iota3A = tpu.iota {dimensions = array<i32: 1>} : vector<512x128xi32>
      %lt3A_53 = arith.constant 64 : i32
      %lt3A_54 = vector.broadcast %lt3A_53 : i32 to vector<512x128xi32>
      %lt3A_55 = arith.cmpi slt, %iota3A, %lt3A_54 : vector<512x128xi32>
      %max3A = arith.constant 0.000000e+00 : f32
      %max3A_56 = vector.broadcast %max3A : f32 to vector<512x128xf32>
      %max3A_57 = arith.maximumf %add3A_52, %max3A_56 : vector<512x128xf32>
      %select_n3A = arith.select %lt3A_55, %add3A_52, %max3A_57 : vector<512x128xi1>, vector<512x128xf32>
      %mul3A_58 = arith.constant 512 : i32
      %mul3A_59 = arith.muli %arg0, %mul3A_58 : i32
      %swap3A = arith.index_cast %mul3A_59 : i32 to index
      %swap3A_60 = arith.constant 0 : index
      %swap3A_61 = vector.load %arg15[%swap3A, %swap3A_60] : memref<32768x128xf32, #tpu.memory_space<vmem>>, vector<512x128xf32>
      tpu.vector_store %arg15[%swap3A, %swap3A_60], %select_n3A {strides = array<i32>} : memref<32768x128xf32, #tpu.memory_space<vmem>>, vector<512x128xf32>,
      %eq3A = arith.constant 0 : i32
      %eq3A_62 = arith.cmpi eq, %arg0, %eq3A : i32
      %convert_element_type3A_63 = arith.extui %eq3A_62 : i1 to i32
      %cond3A_64 = arith.constant 0 : i32
      %cond3A_65 = arith.cmpi ne, %convert_element_type3A_63, %cond3A_64 : i32
      scf.if %cond3A_65 {
        %broadcast_in_dim3A_85 = arith.constant 0.000000e+00 : f32
        %broadcast_in_dim3A_86 = vector.broadcast %broadcast_in_dim3A_85 : f32 to vector<2x128xf32>
        %swap3A_87 = arith.constant 0 : index
        %swap3A_88 = arith.constant 0 : index
        %swap3A_89 = vector.load %arg16[%swap3A_87, %swap3A_88] : memref<2x128xf32, #tpu.memory_space<vmem>>, vector<2x128xf32>
        tpu.vector_store %arg16[%swap3A_87, %swap3A_88], %broadcast_in_dim3A_86 {strides = array<i32>} : memref<2x128xf32, #tpu.memory_space<vmem>>, vector<2x128xf32>,
      } else {
      }
      %get3A_66 = arith.constant 0 : index
      %get3A_67 = arith.constant 0 : index
      %get3A_68 = vector.load %arg16[%get3A_66, %get3A_67] : memref<2x128xf32, #tpu.memory_space<vmem>>, vector<1x128xf32>
      %reduce_sum3A = arith.constant dense<0.000000e+00> : vector<128xf32>
      %reduce_sum3A_69 = vector.multi_reduction <add>, %select_n3A, %reduce_sum3A [0] : vector<512x128xf32> to vector<128xf32>
      %broadcast_in_dim3A = vector.shape_cast %reduce_sum3A_69 : vector<128xf32> to vector<1x128xf32>
      %add3A_70 = arith.addf %get3A_68, %broadcast_in_dim3A : vector<1x128xf32>
      %swap3A_71 = arith.constant 0 : index
      %swap3A_72 = arith.constant 0 : index
      %swap3A_73 = vector.load %arg16[%swap3A_71, %swap3A_72] : memref<2x128xf32, #tpu.memory_space<vmem>>, vector<1x128xf32>
      tpu.vector_store %arg16[%swap3A_71, %swap3A_72], %add3A_70 {strides = array<i32>} : memref<2x128xf32, #tpu.memory_space<vmem>>, vector<1x128xf32>,
      %get3A_74 = arith.constant 1 : index
      %get3A_75 = arith.constant 0 : index
      %get3A_76 = vector.load %arg16[%get3A_74, %get3A_75] : memref<2x128xf32, #tpu.memory_space<vmem>>, vector<1x128xf32>
      %mul3A_77 = arith.mulf %select_n3A, %select_n3A : vector<512x128xf32>
      %reduce_sum3A_78 = arith.constant dense<0.000000e+00> : vector<128xf32>
      %reduce_sum3A_79 = vector.multi_reduction <add>, %mul3A_77, %reduce_sum3A_78 [0] : vector<512x128xf32> to vector<128xf32>
      %broadcast_in_dim3A_80 = vector.shape_cast %reduce_sum3A_79 : vector<128xf32> to vector<1x128xf32>
      %add3A_81 = arith.addf %get3A_76, %broadcast_in_dim3A_80 : vector<1x128xf32>
      %swap3A_82 = arith.constant 1 : index
      %swap3A_83 = arith.constant 0 : index
      %swap3A_84 = vector.load %arg16[%swap3A_82, %swap3A_83] : memref<2x128xf32, #tpu.memory_space<vmem>>, vector<1x128xf32>
      tpu.vector_store %arg16[%swap3A_82, %swap3A_83], %add3A_81 {strides = array<i32>} : memref<2x128xf32, #tpu.memory_space<vmem>>, vector<1x128xf32>,
    } else {
    }
    %ge3A = arith.constant 64 : i32
    %ge3A_2 = arith.cmpi sge, %arg0, %ge3A : i32
    %convert_element_type3A_3 = arith.extui %ge3A_2 : i1 to i32
    %cond3A_4 = arith.constant 0 : i32
    %cond3A_5 = arith.cmpi ne, %convert_element_type3A_3, %cond3A_4 : i32
    scf.if %cond3A_5 {
      %sub3A = arith.constant 64 : i32
      %sub3A_6 = arith.subi %arg0, %sub3A : i32
      %get3A = arith.constant 0 : index
      %get3A_7 = arith.constant 0 : index
      %get3A_8 = vector.load %arg16[%get3A, %get3A_7] : memref<2x128xf32, #tpu.memory_space<vmem>>, vector<1x128xf32>
      %mul3A = arith.constant 3.05175781E-5 : f32
      %mul3A_9 = vector.broadcast %mul3A : f32 to vector<1x128xf32>
      %mul3A_10 = arith.mulf %get3A_8, %mul3A_9 : vector<1x128xf32>
      %get3A_11 = arith.constant 1 : index
      %get3A_12 = arith.constant 0 : index
      %get3A_13 = vector.load %arg16[%get3A_11, %get3A_12] : memref<2x128xf32, #tpu.memory_space<vmem>>, vector<1x128xf32>
      %mul3A_14 = arith.constant 3.05175781E-5 : f32
      %mul3A_15 = vector.broadcast %mul3A_14 : f32 to vector<1x128xf32>
      %mul3A_16 = arith.mulf %get3A_13, %mul3A_15 : vector<1x128xf32>
      %mul3A_17 = arith.mulf %mul3A_10, %mul3A_10 : vector<1x128xf32>
      %sub3A_18 = arith.subf %mul3A_16, %mul3A_17 : vector<1x128xf32>
      %add3A = arith.constant 9.99999974E-6 : f32
      %add3A_19 = vector.broadcast %add3A : f32 to vector<1x128xf32>
      %add3A_20 = arith.addf %sub3A_18, %add3A_19 : vector<1x128xf32>
      %rsqrt3A = math.rsqrt %add3A_20 : vector<1x128xf32>
      %mul3A_21 = arith.constant 512 : i32
      %mul3A_22 = arith.muli %sub3A_6, %mul3A_21 : i32
      %get3A_23 = arith.index_cast %mul3A_22 : i32 to index
      %get3A_24 = arith.constant 0 : index
      %get3A_25 = vector.load %arg15[%get3A_23, %get3A_24] : memref<32768x128xf32, #tpu.memory_space<vmem>>, vector<512x128xf32>
      %sub3A_26 = vector.broadcast %mul3A_10 : vector<1x128xf32> to vector<512x128xf32>
      %sub3A_27 = arith.subf %get3A_25, %sub3A_26 : vector<512x128xf32>
      %mul3A_28 = vector.broadcast %rsqrt3A : vector<1x128xf32> to vector<512x128xf32>
      %mul3A_29 = arith.mulf %sub3A_27, %mul3A_28 : vector<512x128xf32>
      %get3A_30 = arith.constant 0 : index
      %get3A_31 = arith.constant 0 : index
      %get3A_32 = vector.load %arg12[%get3A_30, %get3A_31] : memref<1x128xf32, #tpu.memory_space<vmem>>, vector<1x128xf32>
      %mul3A_33 = vector.broadcast %get3A_32 : vector<1x128xf32> to vector<512x128xf32>
      %mul3A_34 = arith.mulf %mul3A_29, %mul3A_33 : vector<512x128xf32>
      %get3A_35 = arith.constant 0 : index
      %get3A_36 = arith.constant 0 : index
      %get3A_37 = vector.load %arg13[%get3A_35, %get3A_36] : memref<1x128xf32, #tpu.memory_space<vmem>>, vector<1x128xf32>
      %add3A_38 = vector.broadcast %get3A_37 : vector<1x128xf32> to vector<512x128xf32>
      %add3A_39 = arith.addf %mul3A_34, %add3A_38 : vector<512x128xf32>
      %swap3A = arith.constant 0 : index
      %swap3A_40 = arith.constant 0 : index
      %swap3A_41 = vector.load %arg14[%swap3A, %swap3A_40] : memref<512x128xf32, #tpu.memory_space<vmem>>, vector<512x128xf32>
      tpu.vector_store %arg14[%swap3A, %swap3A_40], %add3A_39 {strides = array<i32>} : memref<512x128xf32, #tpu.memory_space<vmem>>, vector<512x128xf32>,
    } else {
    }
    return
  }
  func.func @transform_0(%arg0: i32) -> (i32, i32) {
    %min3A = arith.constant 63 : i32
    %min3A_0 = arith.minsi %arg0, %min3A : i32
    %c0_i32 = arith.constant 0 : i32
    %c0_i32_1 = arith.constant 0 : i32
    return %min3A_0, %c0_i32 : i32, i32
  }
  func.func @transform_1(%arg0: i32) -> (i32, i32) {
    %min3A = arith.constant 63 : i32
    %min3A_0 = arith.minsi %arg0, %min3A : i32
    %c0_i32 = arith.constant 0 : i32
    %c0_i32_1 = arith.constant 0 : i32
    return %min3A_0, %c0_i32 : i32, i32
  }
  func.func @transform_2(%arg0: i32) -> (i32, i32) {
    %min3A = arith.constant 63 : i32
    %min3A_0 = arith.minsi %arg0, %min3A : i32
    %c0_i32 = arith.constant 0 : i32
    %c0_i32_1 = arith.constant 0 : i32
    return %min3A_0, %c0_i32 : i32, i32
  }
  func.func @transform_3(%arg0: i32) -> (i32, i32) {
    %min3A = arith.constant 63 : i32
    %min3A_0 = arith.minsi %arg0, %min3A : i32
    %c0_i32 = arith.constant 0 : i32
    %c0_i32_1 = arith.constant 0 : i32
    return %min3A_0, %c0_i32 : i32, i32
  }
  func.func @transform_4(%arg0: i32) -> (i32, i32) {
    %min3A = arith.constant 63 : i32
    %min3A_0 = arith.minsi %arg0, %min3A : i32
    %c0_i32 = arith.constant 0 : i32
    %c0_i32_1 = arith.constant 0 : i32
    return %min3A_0, %c0_i32 : i32, i32
  }
  func.func @transform_5(%arg0: i32) -> (i32, i32) {
    %c0_i32 = arith.constant 0 : i32
    %c0_i32_0 = arith.constant 0 : i32
    %c0_i32_1 = arith.constant 0 : i32
    return %c0_i32, %c0_i32_0 : i32, i32
  }
  func.func @transform_6(%arg0: i32) -> (i32, i32) {
    %c0_i32 = arith.constant 0 : i32
    %c0_i32_0 = arith.constant 0 : i32
    %c0_i32_1 = arith.constant 0 : i32
    return %c0_i32, %c0_i32_0 : i32, i32
  }
  func.func @transform_7(%arg0: i32) -> (i32, i32) {
    %c0_i32 = arith.constant 0 : i32
    %c0_i32_0 = arith.constant 0 : i32
    %c0_i32_1 = arith.constant 0 : i32
    return %c0_i32, %c0_i32_0 : i32, i32
  }
  func.func @transform_8(%arg0: i32) -> (i32, i32) {
    %c0_i32 = arith.constant 0 : i32
    %c0_i32_0 = arith.constant 0 : i32
    %c0_i32_1 = arith.constant 0 : i32
    return %c0_i32, %c0_i32_0 : i32, i32
  }
  func.func @transform_9(%arg0: i32) -> (i32, i32) {
    %c0_i32 = arith.constant 0 : i32
    %c0_i32_0 = arith.constant 0 : i32
    %c0_i32_1 = arith.constant 0 : i32
    return %c0_i32, %c0_i32_0 : i32, i32
  }
  func.func @transform_10(%arg0: i32) -> (i32, i32) {
    %c0_i32 = arith.constant 0 : i32
    %c0_i32_0 = arith.constant 0 : i32
    %c0_i32_1 = arith.constant 0 : i32
    return %c0_i32, %c0_i32_0 : i32, i32
  }
  func.func @transform_11(%arg0: i32) -> (i32, i32) {
    %c0_i32 = arith.constant 0 : i32
    %c0_i32_0 = arith.constant 0 : i32
    %c0_i32_1 = arith.constant 0 : i32
    return %c0_i32, %c0_i32_0 : i32, i32
  }
  func.func @transform_12(%arg0: i32) -> (i32, i32) {
    %c0_i32 = arith.constant 0 : i32
    %c0_i32_0 = arith.constant 0 : i32
    %c0_i32_1 = arith.constant 0 : i32
    return %c0_i32, %c0_i32_0 : i32, i32
  }
  func.func @transform_13(%arg0: i32) -> (i32, i32) {
    %sub3A = arith.constant 64 : i32
    %sub3A_0 = arith.subi %arg0, %sub3A : i32
    %max3A = arith.constant 0 : i32
    %max3A_1 = arith.maxsi %sub3A_0, %max3A : i32
    %c0_i32 = arith.constant 0 : i32
    %c0_i32_2 = arith.constant 0 : i32
    return %max3A_1, %c0_i32 : i32, i32
  }
}

module attributes {stable_mosaic.version = 14 : i64} {
  func.func @body(%arg0: i32, %arg1: memref<512x128xf32, #tpu.memory_space<vmem>>, %arg2: memref<512x1xf32, #tpu.memory_space<vmem>>, %arg3: memref<512x128xf32, #tpu.memory_space<vmem>>, %arg4: memref<512x128xf32, #tpu.memory_space<vmem>>, %arg5: memref<512x128xf32, #tpu.memory_space<vmem>>, %arg6: memref<512x128xf32, #tpu.memory_space<vmem>>, %arg7: memref<512x128xf32, #tpu.memory_space<vmem>>, %arg8: memref<128x128xf32, #tpu.memory_space<vmem>>, %arg9: memref<128x128xf32, #tpu.memory_space<vmem>>, %arg10: memref<128x128xf32, #tpu.memory_space<vmem>>, %arg11: memref<128x128xf32, #tpu.memory_space<vmem>>, %arg12: memref<128x128xf32, #tpu.memory_space<vmem>>, %arg13: memref<1x128xf32, #tpu.memory_space<vmem>>, %arg14: memref<1x128xf32, #tpu.memory_space<vmem>>, %arg15: memref<1x128xf32, #tpu.memory_space<vmem>>, %arg16: memref<512x128xf32, #tpu.memory_space<vmem>>, %arg17: memref<2048x128xf32, #tpu.memory_space<vmem>>, %arg18: memref<2x128xf32, #tpu.memory_space<vmem>>) attributes {dimension_semantics = [#tpu.dimension_semantics<arbitrary>], iteration_bounds = array<i64: 8>, scalar_prefetch = 0 : i64, scratch_operands = 2 : i64, tpu.core_type = #tpu.core_type<tc>, window_params = [{transform_indices = @transform_0, window_bounds = array<i64: 512, 128>}, {transform_indices = @transform_1, window_bounds = array<i64: 512, 1>}, {transform_indices = @transform_2, window_bounds = array<i64: 512, 128>}, {transform_indices = @transform_3, window_bounds = array<i64: 512, 128>}, {transform_indices = @transform_4, window_bounds = array<i64: 512, 128>}, {transform_indices = @transform_5, window_bounds = array<i64: 512, 128>}, {transform_indices = @transform_6, window_bounds = array<i64: 512, 128>}, {pipeline_mode = #tpu.pipeline_mode<synchronous>, transform_indices = @transform_7, window_bounds = array<i64: 128, 128>}, {pipeline_mode = #tpu.pipeline_mode<synchronous>, transform_indices = @transform_8, window_bounds = array<i64: 128, 128>}, {pipeline_mode = #tpu.pipeline_mode<synchronous>, transform_indices = @transform_9, window_bounds = array<i64: 128, 128>}, {pipeline_mode = #tpu.pipeline_mode<synchronous>, transform_indices = @transform_10, window_bounds = array<i64: 128, 128>}, {pipeline_mode = #tpu.pipeline_mode<synchronous>, transform_indices = @transform_11, window_bounds = array<i64: 128, 128>}, {pipeline_mode = #tpu.pipeline_mode<synchronous>, transform_indices = @transform_12, window_bounds = array<i64: 1, 128>}, {pipeline_mode = #tpu.pipeline_mode<synchronous>, transform_indices = @transform_13, window_bounds = array<i64: 1, 128>}, {pipeline_mode = #tpu.pipeline_mode<synchronous>, transform_indices = @transform_14, window_bounds = array<i64: 1, 128>}, {transform_indices = @transform_15, window_bounds = array<i64: 512, 128>}]} {
    %lt3A = arith.constant 4 : i32
    %lt3A_0 = arith.cmpi slt, %arg0, %lt3A : i32
    %convert_element_type3A = arith.extui %lt3A_0 : i1 to i32
    %cond3A = arith.constant 0 : i32
    %cond3A_1 = arith.cmpi ne, %convert_element_type3A, %cond3A : i32
    scf.if %cond3A_1 {
      %get3A = arith.constant 0 : index
      %get3A_6 = arith.constant 0 : index
      %get3A_7 = vector.load %arg3[%get3A, %get3A_6] : memref<512x128xf32, #tpu.memory_space<vmem>>, vector<512x128xf32>
      %get3A_8 = arith.constant 0 : index
      %get3A_9 = arith.constant 0 : index
      %get3A_10 = vector.load %arg4[%get3A_8, %get3A_9] : memref<512x128xf32, #tpu.memory_space<vmem>>, vector<512x128xf32>
      %add3A = arith.addf %get3A_7, %get3A_10 : vector<512x128xf32>
      %get3A_11 = arith.constant 0 : index
      %get3A_12 = arith.constant 0 : index
      %get3A_13 = vector.load %arg5[%get3A_11, %get3A_12] : memref<512x128xf32, #tpu.memory_space<vmem>>, vector<512x128xf32>
      %get3A_14 = arith.constant 0 : index
      %get3A_15 = arith.constant 0 : index
      %get3A_16 = vector.load %arg6[%get3A_14, %get3A_15] : memref<512x128xf32, #tpu.memory_space<vmem>>, vector<512x128xf32>
      %add3A_17 = arith.addf %get3A_13, %get3A_16 : vector<512x128xf32>
      %get3A_18 = arith.constant 0 : index
      %get3A_19 = arith.constant 0 : index
      %get3A_20 = vector.load %arg1[%get3A_18, %get3A_19] : memref<512x128xf32, #tpu.memory_space<vmem>>, vector<512x128xf32>
      %get3A_21 = arith.constant 0 : index
      %get3A_22 = arith.constant 0 : index
      %get3A_23 = vector.load %arg8[%get3A_21, %get3A_22] : memref<128x128xf32, #tpu.memory_space<vmem>>, vector<128x128xf32>
      %dot_general3A = arith.constant dense<0.000000e+00> : vector<512x128xf32>
      %dot_general3A_24 = tpu.matmul %get3A_20, %get3A_23, %dot_general3A {dimension_numbers = #tpu.dot_dimension_numbers<[1], [0], [0], [1], [0, 0, 1, 1], [], []>, transpose_lhs_hint = false} : vector<512x128xf32>, vector<128x128xf32>, vector<512x128xf32> -> vector<512x128xf32>
      %get3A_25 = arith.constant 0 : index
      %get3A_26 = arith.constant 0 : index
      %get3A_27 = vector.load %arg2[%get3A_25, %get3A_26] : memref<512x1xf32, #tpu.memory_space<vmem>>, vector<512x1xf32>
      %mul3A = vector.broadcast %get3A_27 : vector<512x1xf32> to vector<512x128xf32>
      %mul3A_28 = arith.mulf %get3A_20, %mul3A : vector<512x128xf32>
      %get3A_29 = arith.constant 0 : index
      %get3A_30 = arith.constant 0 : index
      %get3A_31 = vector.load %arg9[%get3A_29, %get3A_30] : memref<128x128xf32, #tpu.memory_space<vmem>>, vector<128x128xf32>
      %dot_general3A_32 = arith.constant dense<0.000000e+00> : vector<512x128xf32>
      %dot_general3A_33 = tpu.matmul %mul3A_28, %get3A_31, %dot_general3A_32 {dimension_numbers = #tpu.dot_dimension_numbers<[1], [0], [0], [1], [0, 0, 1, 1], [], []>, transpose_lhs_hint = false} : vector<512x128xf32>, vector<128x128xf32>, vector<512x128xf32> -> vector<512x128xf32>
      %add3A_34 = arith.addf %dot_general3A_24, %dot_general3A_33 : vector<512x128xf32>
      %get3A_35 = arith.constant 0 : index
      %get3A_36 = arith.constant 0 : index
      %get3A_37 = vector.load %arg10[%get3A_35, %get3A_36] : memref<128x128xf32, #tpu.memory_space<vmem>>, vector<128x128xf32>
      %dot_general3A_38 = arith.constant dense<0.000000e+00> : vector<512x128xf32>
      %dot_general3A_39 = tpu.matmul %add3A, %get3A_37, %dot_general3A_38 {dimension_numbers = #tpu.dot_dimension_numbers<[1], [0], [0], [1], [0, 0, 1, 1], [], []>, transpose_lhs_hint = false} : vector<512x128xf32>, vector<128x128xf32>, vector<512x128xf32> -> vector<512x128xf32>
      %add3A_40 = arith.addf %add3A_34, %dot_general3A_39 : vector<512x128xf32>
      %get3A_41 = arith.constant 0 : index
      %get3A_42 = arith.constant 0 : index
      %get3A_43 = vector.load %arg11[%get3A_41, %get3A_42] : memref<128x128xf32, #tpu.memory_space<vmem>>, vector<128x128xf32>
      %dot_general3A_44 = arith.constant dense<0.000000e+00> : vector<512x128xf32>
      %dot_general3A_45 = tpu.matmul %add3A_17, %get3A_43, %dot_general3A_44 {dimension_numbers = #tpu.dot_dimension_numbers<[1], [0], [0], [1], [0, 0, 1, 1], [], []>, transpose_lhs_hint = false} : vector<512x128xf32>, vector<128x128xf32>, vector<512x128xf32> -> vector<512x128xf32>
      %add3A_46 = arith.addf %add3A_40, %dot_general3A_45 : vector<512x128xf32>
      %get3A_47 = arith.constant 0 : index
      %get3A_48 = arith.constant 0 : index
      %get3A_49 = vector.load %arg7[%get3A_47, %get3A_48] : memref<512x128xf32, #tpu.memory_space<vmem>>, vector<512x128xf32>
      %get3A_50 = arith.constant 0 : index
      %get3A_51 = arith.constant 0 : index
      %get3A_52 = vector.load %arg12[%get3A_50, %get3A_51] : memref<128x128xf32, #tpu.memory_space<vmem>>, vector<128x128xf32>
      %dot_general3A_53 = arith.constant dense<0.000000e+00> : vector<512x128xf32>
      %dot_general3A_54 = tpu.matmul %get3A_49, %get3A_52, %dot_general3A_53 {dimension_numbers = #tpu.dot_dimension_numbers<[1], [0], [0], [1], [0, 0, 1, 1], [], []>, transpose_lhs_hint = false} : vector<512x128xf32>, vector<128x128xf32>, vector<512x128xf32> -> vector<512x128xf32>
      %add3A_55 = arith.addf %add3A_46, %dot_general3A_54 : vector<512x128xf32>
      %get3A_56 = arith.constant 0 : index
      %get3A_57 = arith.constant 0 : index
      %get3A_58 = vector.load %arg13[%get3A_56, %get3A_57] : memref<1x128xf32, #tpu.memory_space<vmem>>, vector<1x128xf32>
      %add3A_59 = vector.broadcast %get3A_58 : vector<1x128xf32> to vector<512x128xf32>
      %add3A_60 = arith.addf %add3A_55, %add3A_59 : vector<512x128xf32>
      %iota3A = tpu.iota {dimensions = array<i32: 1>} : vector<512x128xi32>
      %lt3A_61 = arith.constant 64 : i32
      %lt3A_62 = vector.broadcast %lt3A_61 : i32 to vector<512x128xi32>
      %lt3A_63 = arith.cmpi slt, %iota3A, %lt3A_62 : vector<512x128xi32>
      %max3A = arith.constant 0.000000e+00 : f32
      %max3A_64 = vector.broadcast %max3A : f32 to vector<512x128xf32>
      %max3A_65 = arith.maximumf %add3A_60, %max3A_64 : vector<512x128xf32>
      %select_n3A = arith.select %lt3A_63, %add3A_60, %max3A_65 : vector<512x128xi1>, vector<512x128xf32>
      %mul3A_66 = arith.constant 512 : i32
      %mul3A_67 = arith.muli %arg0, %mul3A_66 : i32
      %swap3A = arith.index_cast %mul3A_67 : i32 to index
      %swap3A_68 = arith.constant 0 : index
      %swap3A_69 = vector.load %arg17[%swap3A, %swap3A_68] : memref<2048x128xf32, #tpu.memory_space<vmem>>, vector<512x128xf32>
      tpu.vector_store %arg17[%swap3A, %swap3A_68], %select_n3A {strides = array<i32>} : memref<2048x128xf32, #tpu.memory_space<vmem>>, vector<512x128xf32>,
      %eq3A = arith.constant 0 : i32
      %eq3A_70 = arith.cmpi eq, %arg0, %eq3A : i32
      %convert_element_type3A_71 = arith.extui %eq3A_70 : i1 to i32
      %cond3A_72 = arith.constant 0 : i32
      %cond3A_73 = arith.cmpi ne, %convert_element_type3A_71, %cond3A_72 : i32
      scf.if %cond3A_73 {
        %broadcast_in_dim3A_93 = arith.constant 0.000000e+00 : f32
        %broadcast_in_dim3A_94 = vector.broadcast %broadcast_in_dim3A_93 : f32 to vector<2x128xf32>
        %swap3A_95 = arith.constant 0 : index
        %swap3A_96 = arith.constant 0 : index
        %swap3A_97 = vector.load %arg18[%swap3A_95, %swap3A_96] : memref<2x128xf32, #tpu.memory_space<vmem>>, vector<2x128xf32>
        tpu.vector_store %arg18[%swap3A_95, %swap3A_96], %broadcast_in_dim3A_94 {strides = array<i32>} : memref<2x128xf32, #tpu.memory_space<vmem>>, vector<2x128xf32>,
      } else {
      }
      %get3A_74 = arith.constant 0 : index
      %get3A_75 = arith.constant 0 : index
      %get3A_76 = vector.load %arg18[%get3A_74, %get3A_75] : memref<2x128xf32, #tpu.memory_space<vmem>>, vector<1x128xf32>
      %reduce_sum3A = arith.constant dense<0.000000e+00> : vector<128xf32>
      %reduce_sum3A_77 = vector.multi_reduction <add>, %select_n3A, %reduce_sum3A [0] : vector<512x128xf32> to vector<128xf32>
      %broadcast_in_dim3A = vector.shape_cast %reduce_sum3A_77 : vector<128xf32> to vector<1x128xf32>
      %add3A_78 = arith.addf %get3A_76, %broadcast_in_dim3A : vector<1x128xf32>
      %swap3A_79 = arith.constant 0 : index
      %swap3A_80 = arith.constant 0 : index
      %swap3A_81 = vector.load %arg18[%swap3A_79, %swap3A_80] : memref<2x128xf32, #tpu.memory_space<vmem>>, vector<1x128xf32>
      tpu.vector_store %arg18[%swap3A_79, %swap3A_80], %add3A_78 {strides = array<i32>} : memref<2x128xf32, #tpu.memory_space<vmem>>, vector<1x128xf32>,
      %get3A_82 = arith.constant 1 : index
      %get3A_83 = arith.constant 0 : index
      %get3A_84 = vector.load %arg18[%get3A_82, %get3A_83] : memref<2x128xf32, #tpu.memory_space<vmem>>, vector<1x128xf32>
      %mul3A_85 = arith.mulf %select_n3A, %select_n3A : vector<512x128xf32>
      %reduce_sum3A_86 = arith.constant dense<0.000000e+00> : vector<128xf32>
      %reduce_sum3A_87 = vector.multi_reduction <add>, %mul3A_85, %reduce_sum3A_86 [0] : vector<512x128xf32> to vector<128xf32>
      %broadcast_in_dim3A_88 = vector.shape_cast %reduce_sum3A_87 : vector<128xf32> to vector<1x128xf32>
      %add3A_89 = arith.addf %get3A_84, %broadcast_in_dim3A_88 : vector<1x128xf32>
      %swap3A_90 = arith.constant 1 : index
      %swap3A_91 = arith.constant 0 : index
      %swap3A_92 = vector.load %arg18[%swap3A_90, %swap3A_91] : memref<2x128xf32, #tpu.memory_space<vmem>>, vector<1x128xf32>
      tpu.vector_store %arg18[%swap3A_90, %swap3A_91], %add3A_89 {strides = array<i32>} : memref<2x128xf32, #tpu.memory_space<vmem>>, vector<1x128xf32>,
    } else {
    }
    %ge3A = arith.constant 4 : i32
    %ge3A_2 = arith.cmpi sge, %arg0, %ge3A : i32
    %convert_element_type3A_3 = arith.extui %ge3A_2 : i1 to i32
    %cond3A_4 = arith.constant 0 : i32
    %cond3A_5 = arith.cmpi ne, %convert_element_type3A_3, %cond3A_4 : i32
    scf.if %cond3A_5 {
      %sub3A = arith.constant 4 : i32
      %sub3A_6 = arith.subi %arg0, %sub3A : i32
      %get3A = arith.constant 0 : index
      %get3A_7 = arith.constant 0 : index
      %get3A_8 = vector.load %arg18[%get3A, %get3A_7] : memref<2x128xf32, #tpu.memory_space<vmem>>, vector<1x128xf32>
      %mul3A = arith.constant 4.8828125E-4 : f32
      %mul3A_9 = vector.broadcast %mul3A : f32 to vector<1x128xf32>
      %mul3A_10 = arith.mulf %get3A_8, %mul3A_9 : vector<1x128xf32>
      %get3A_11 = arith.constant 1 : index
      %get3A_12 = arith.constant 0 : index
      %get3A_13 = vector.load %arg18[%get3A_11, %get3A_12] : memref<2x128xf32, #tpu.memory_space<vmem>>, vector<1x128xf32>
      %mul3A_14 = arith.constant 4.8828125E-4 : f32
      %mul3A_15 = vector.broadcast %mul3A_14 : f32 to vector<1x128xf32>
      %mul3A_16 = arith.mulf %get3A_13, %mul3A_15 : vector<1x128xf32>
      %mul3A_17 = arith.mulf %mul3A_10, %mul3A_10 : vector<1x128xf32>
      %sub3A_18 = arith.subf %mul3A_16, %mul3A_17 : vector<1x128xf32>
      %add3A = arith.constant 9.99999974E-6 : f32
      %add3A_19 = vector.broadcast %add3A : f32 to vector<1x128xf32>
      %add3A_20 = arith.addf %sub3A_18, %add3A_19 : vector<1x128xf32>
      %rsqrt3A = math.rsqrt %add3A_20 : vector<1x128xf32>
      %mul3A_21 = arith.constant 512 : i32
      %mul3A_22 = arith.muli %sub3A_6, %mul3A_21 : i32
      %get3A_23 = arith.index_cast %mul3A_22 : i32 to index
      %get3A_24 = arith.constant 0 : index
      %get3A_25 = vector.load %arg17[%get3A_23, %get3A_24] : memref<2048x128xf32, #tpu.memory_space<vmem>>, vector<512x128xf32>
      %sub3A_26 = vector.broadcast %mul3A_10 : vector<1x128xf32> to vector<512x128xf32>
      %sub3A_27 = arith.subf %get3A_25, %sub3A_26 : vector<512x128xf32>
      %mul3A_28 = vector.broadcast %rsqrt3A : vector<1x128xf32> to vector<512x128xf32>
      %mul3A_29 = arith.mulf %sub3A_27, %mul3A_28 : vector<512x128xf32>
      %get3A_30 = arith.constant 0 : index
      %get3A_31 = arith.constant 0 : index
      %get3A_32 = vector.load %arg14[%get3A_30, %get3A_31] : memref<1x128xf32, #tpu.memory_space<vmem>>, vector<1x128xf32>
      %mul3A_33 = vector.broadcast %get3A_32 : vector<1x128xf32> to vector<512x128xf32>
      %mul3A_34 = arith.mulf %mul3A_29, %mul3A_33 : vector<512x128xf32>
      %get3A_35 = arith.constant 0 : index
      %get3A_36 = arith.constant 0 : index
      %get3A_37 = vector.load %arg15[%get3A_35, %get3A_36] : memref<1x128xf32, #tpu.memory_space<vmem>>, vector<1x128xf32>
      %add3A_38 = vector.broadcast %get3A_37 : vector<1x128xf32> to vector<512x128xf32>
      %add3A_39 = arith.addf %mul3A_34, %add3A_38 : vector<512x128xf32>
      %swap3A = arith.constant 0 : index
      %swap3A_40 = arith.constant 0 : index
      %swap3A_41 = vector.load %arg16[%swap3A, %swap3A_40] : memref<512x128xf32, #tpu.memory_space<vmem>>, vector<512x128xf32>
      tpu.vector_store %arg16[%swap3A, %swap3A_40], %add3A_39 {strides = array<i32>} : memref<512x128xf32, #tpu.memory_space<vmem>>, vector<512x128xf32>,
    } else {
    }
    return
  }
  func.func @transform_0(%arg0: i32) -> (i32, i32) {
    %min3A = arith.constant 3 : i32
    %min3A_0 = arith.minsi %arg0, %min3A : i32
    %c0_i32 = arith.constant 0 : i32
    %c0_i32_1 = arith.constant 0 : i32
    return %min3A_0, %c0_i32 : i32, i32
  }
  func.func @transform_1(%arg0: i32) -> (i32, i32) {
    %min3A = arith.constant 3 : i32
    %min3A_0 = arith.minsi %arg0, %min3A : i32
    %c0_i32 = arith.constant 0 : i32
    %c0_i32_1 = arith.constant 0 : i32
    return %min3A_0, %c0_i32 : i32, i32
  }
  func.func @transform_2(%arg0: i32) -> (i32, i32) {
    %min3A = arith.constant 3 : i32
    %min3A_0 = arith.minsi %arg0, %min3A : i32
    %c0_i32 = arith.constant 0 : i32
    %c0_i32_1 = arith.constant 0 : i32
    return %min3A_0, %c0_i32 : i32, i32
  }
  func.func @transform_3(%arg0: i32) -> (i32, i32) {
    %min3A = arith.constant 3 : i32
    %min3A_0 = arith.minsi %arg0, %min3A : i32
    %c0_i32 = arith.constant 0 : i32
    %c0_i32_1 = arith.constant 0 : i32
    return %min3A_0, %c0_i32 : i32, i32
  }
  func.func @transform_4(%arg0: i32) -> (i32, i32) {
    %min3A = arith.constant 3 : i32
    %min3A_0 = arith.minsi %arg0, %min3A : i32
    %c0_i32 = arith.constant 0 : i32
    %c0_i32_1 = arith.constant 0 : i32
    return %min3A_0, %c0_i32 : i32, i32
  }
  func.func @transform_5(%arg0: i32) -> (i32, i32) {
    %min3A = arith.constant 3 : i32
    %min3A_0 = arith.minsi %arg0, %min3A : i32
    %c0_i32 = arith.constant 0 : i32
    %c0_i32_1 = arith.constant 0 : i32
    return %min3A_0, %c0_i32 : i32, i32
  }
  func.func @transform_6(%arg0: i32) -> (i32, i32) {
    %min3A = arith.constant 3 : i32
    %min3A_0 = arith.minsi %arg0, %min3A : i32
    %c0_i32 = arith.constant 0 : i32
    %c0_i32_1 = arith.constant 0 : i32
    return %min3A_0, %c0_i32 : i32, i32
  }
  func.func @transform_7(%arg0: i32) -> (i32, i32) {
    %c0_i32 = arith.constant 0 : i32
    %c0_i32_0 = arith.constant 0 : i32
    %c0_i32_1 = arith.constant 0 : i32
    return %c0_i32, %c0_i32_0 : i32, i32
  }
  func.func @transform_8(%arg0: i32) -> (i32, i32) {
    %c0_i32 = arith.constant 0 : i32
    %c0_i32_0 = arith.constant 0 : i32
    %c0_i32_1 = arith.constant 0 : i32
    return %c0_i32, %c0_i32_0 : i32, i32
  }
  func.func @transform_9(%arg0: i32) -> (i32, i32) {
    %c0_i32 = arith.constant 0 : i32
    %c0_i32_0 = arith.constant 0 : i32
    %c0_i32_1 = arith.constant 0 : i32
    return %c0_i32, %c0_i32_0 : i32, i32
  }
  func.func @transform_10(%arg0: i32) -> (i32, i32) {
    %c0_i32 = arith.constant 0 : i32
    %c0_i32_0 = arith.constant 0 : i32
    %c0_i32_1 = arith.constant 0 : i32
    return %c0_i32, %c0_i32_0 : i32, i32
  }
  func.func @transform_11(%arg0: i32) -> (i32, i32) {
    %c0_i32 = arith.constant 0 : i32
    %c0_i32_0 = arith.constant 0 : i32
    %c0_i32_1 = arith.constant 0 : i32
    return %c0_i32, %c0_i32_0 : i32, i32
  }
  func.func @transform_12(%arg0: i32) -> (i32, i32) {
    %c0_i32 = arith.constant 0 : i32
    %c0_i32_0 = arith.constant 0 : i32
    %c0_i32_1 = arith.constant 0 : i32
    return %c0_i32, %c0_i32_0 : i32, i32
  }
  func.func @transform_13(%arg0: i32) -> (i32, i32) {
    %c0_i32 = arith.constant 0 : i32
    %c0_i32_0 = arith.constant 0 : i32
    %c0_i32_1 = arith.constant 0 : i32
    return %c0_i32, %c0_i32_0 : i32, i32
  }
  func.func @transform_14(%arg0: i32) -> (i32, i32) {
    %c0_i32 = arith.constant 0 : i32
    %c0_i32_0 = arith.constant 0 : i32
    %c0_i32_1 = arith.constant 0 : i32
    return %c0_i32, %c0_i32_0 : i32, i32
  }
  func.func @transform_15(%arg0: i32) -> (i32, i32) {
    %sub3A = arith.constant 4 : i32
    %sub3A_0 = arith.subi %arg0, %sub3A : i32
    %max3A = arith.constant 0 : i32
    %max3A_1 = arith.maxsi %sub3A_0, %max3A : i32
    %c0_i32 = arith.constant 0 : i32
    %c0_i32_2 = arith.constant 0 : i32
    return %max3A_1, %c0_i32 : i32, i32
  }
}

</mosaic_0001>

<sc_bundles>
// kernel: closed_call.8.cloned.1.call-start
scs
__scs_entry_jumppad:
0x0: {  	(pc) =	sbr.rel $0x88, $3  }
0x1: {  	(tag) =	ssettag $0x0;
	lr =	simm.s32 $0x1  }
0x2: {  	[smem:$0x3F82] =	sst lr;
	_ =	strace $0xD0000000  }
0x3: {  	_ = 	snop  }
0x4: {  	_ = 	snop  }
0x5: {  	_ = 	snop  }
0x6: {  	_ = 	snop  }
0x7: {  	_ = 	snop  }
__scs_overlays_trampoline_lowered:
0x8: {  	[smem:$0x3F91] =	sst s0  }
0x9: {  	[smem:$0x3F92] =	sst s1  }
0xa: {  	[smem:$0x3F93] =	sst s2  }
0xb: {  	[smem:$0x3F94] =	sst s3  }
0xc: {  	[smem:$0x3F95] =	sst s4  }
0xd: {  	[smem:$0x3F96] =	sst s5  }
0xe: {  	[smem:$0x3F97] =	sst s6  }
0xf: {  	[smem:$0x3F98] =	sst s7  }
0x10: {  	[smem:$0x3F99] =	sst s8  }
0x11: {  	[smem:$0x3F9A] =	sst s9;
	s0 =	simm.s32 @!p0 $0x0  }
0x12: {  	s1 =	sld [smem:$0x3F80];
	s0 =	simm.s32 @p0 $0x1  }
0x13: {  	[smem:$0x3F9B] =	sst s0;
	s0 =	simm.s32 @!p1 $0x0  }
0x14: {  	s2 =	sld [smem:$0x3F7F];
	s0 =	simm.s32 @p1 $0x1  }
0x15: {  	[smem:$0x3F9C] =	sst s0;
	s0 =	simm.s32 @!p2 $0x0  }
0x16: {  	s3 =	sld [smem:$0x3FDB];
	s0 =	simm.s32 @p2 $0x1  }
0x17: {  	s4 =	simm.s32 $0x1BF5;
	[smem:$0x3F9E] =	sst s0  }
0x18: {  	s0 =	sld [smem:$0x3F81];
	_ =	swait.ge [sflag:s4], $0x0  }
0x19: {  	s7 =	sld [smem:$0x3F82]  }
0x1a: {  	s8 =	sadd.s32 $0xFFFFE003, lr  }
0x1b: {  	s9 =	sadd.s32 $0xFFFFFEF7, lr;
	s5 =	simm.s32 $0xFFFFFFFF;
	p2 =	slt.u32 s8, $0xFFFFF086  }
0x1c: {  	p1 =	slt.u32 s9, $0xF7A;
	s5 =	simm.s32 @!p2 $0x0  }
0x1d: {  	s5 =	simm.s32 @p1 $0x1;
	p0 =	seq.s32 s7, s2  }
0x1e: {  	s7 =	smul.u32 @!p0 $0xF7A, s2;
	p2 =	seq.s32 @!p0 s5, $0x0  }
0x1f: {  	s9 =	smul.u32 $0xF7A, s1;
	s8 =	simm.s32 @!p0 $0x1BF5;
	p2 =	por !p2, p0  }
0x20: {  	[sflag:s8] =	ssyncset.s32 @!p0 $0xFFFFF086;
	s6 =	sadd.s32 @!p0 s3, s7;
	s7 =	simm.s32 @!p0 $0x108  }
0x21: {  	s3 =	sadd.s32 s3, s9;
	s6 =	sadd.s32 @!p0 $0x88, s6;
	s7 =	simm.s32 @p2 $0x1082  }
0x22: {  	[simem:s7], [sflag:s8] =	dma.local @!p0 [hbm:s6], $0xF7A  }
0x23: {  	s9 =	sor.u32 $0xD0000000, s2;
	s6 =	simm.s32 $0x108;
	_ =	swait.ge @!p0 [sflag:s8], $0x0  }
0x24: {  	s3 =	sadd.s32 $0x88, s3;
	s6 =	simm.s32 @!p1 $0x1082;
	[sflag:s4] =	ssyncset.s32 $0xFFFFF086  }
0x25: {  	[simem:s6], [sflag:s4] =	dma.local [hbm:s3], $0xF7A  }
0x26: {  	[smem:$0x3F82] =	sst s1;
	(tag) =	ssettag s2;
	_ =	strace s9  }
0x27: {  	s1 =	sld [smem:$0x3F92]  }
0x28: {  	s2 =	sld [smem:$0x3F93]  }
0x29: {  	s4 =	sld [smem:$0x3F95]  }
0x2a: {  	p0 =	seq.s32 s5, $0x0;
	s5 =	sld [smem:$0x3F96]  }
0x2b: {  	s6 =	sld [smem:$0x3F97]  }
0x2c: {  	s7 =	sld [smem:$0x3F98]  }
0x2d: {  	s3 =	simm.s32 $0x108;
	s8 =	sld [smem:$0x3F99]  }
0x2e: {  	s3 =	simm.s32 @!p0 $0x1082;
	s9 =	sld [smem:$0x3F9A]  }
0x2f: {  	lr =	sadd.s32 s0, s3;
	s0 =	sld [smem:$0x3F91]  }
0x30: {  	s3 =	sld [smem:$0x3F94]  }
0x31: {  	[smem:$0x3F9D] =	sst s10  }
0x32: {  	s10 =	sld [smem:$0x3F9B];
	_ =	sdelay $0x3  }
0x33: {  	p0 =	seq.s32 s10, $0x1;
	s10 =	sld [smem:$0x3F9D];
	_ =	sdelay $0x3  }
0x34: {  	[smem:$0x3F9D] =	sst s10  }
0x35: {  	s10 =	sld [smem:$0x3F9C];
	_ =	sdelay $0x3  }
0x36: {  	p1 =	seq.s32 s10, $0x1;
	s10 =	sld [smem:$0x3F9D];
	_ =	sdelay $0x3  }
0x37: {  	[smem:$0x3F9D] =	sst s10  }
0x38: {  	s10 =	sld [smem:$0x3F9E]  }
0x39: {  	_ = 	snop;
	(pc) =	sbr.ind lr, $3  }
0x3a: {  	_ = 	snop  }
0x3b: {  	_ = 	snop  }
0x3c: {  	p2 =	seq.s32 s10, $0x1;
	s10 =	sld [smem:$0x3F9D]  }
0x3d: {  	_ =	shalt  }
0x3e: {  	_ =	shalt  }
0x3f: {  	_ =	shalt  }
0x40: {  	_ =	shalt  }
0x41: {  	_ =	shalt  }
0x42: {  	_ =	shalt  }
0x43: {  	_ =	shalt  }
0x44: {  	_ =	shalt  }
0x45: {  	_ =	shalt  }
0x46: {  	_ =	shalt  }
0x47: {  	_ =	shalt  }
0x48: {  	_ =	shalt  }
0x49: {  	_ =	shalt  }
0x4a: {  	_ =	shalt  }
0x4b: {  	_ =	shalt  }
0x4c: {  	_ =	shalt  }
0x4d: {  	_ =	shalt  }
0x4e: {  	_ =	shalt  }
0x4f: {  	_ =	shalt  }
0x50: {  	_ =	shalt  }
0x51: {  	_ =	shalt  }
0x52: {  	_ =	shalt  }
0x53: {  	_ =	shalt  }
0x54: {  	_ =	shalt  }
0x55: {  	_ =	shalt  }
0x56: {  	_ =	shalt  }
0x57: {  	_ =	shalt  }
0x58: {  	_ =	shalt  }
0x59: {  	_ =	shalt  }
0x5a: {  	_ =	shalt  }
0x5b: {  	_ =	shalt  }
0x5c: {  	_ =	shalt  }
0x5d: {  	_ =	shalt  }
0x5e: {  	_ =	shalt  }
0x5f: {  	_ =	shalt  }
0x60: {  	_ =	shalt  }
0x61: {  	_ =	shalt  }
0x62: {  	_ =	shalt  }
0x63: {  	_ =	shalt  }
0x64: {  	_ =	shalt  }
0x65: {  	_ =	shalt  }
0x66: {  	_ =	shalt  }
0x67: {  	_ =	shalt  }
0x68: {  	_ =	shalt  }
0x69: {  	_ =	shalt  }
0x6a: {  	_ =	shalt  }
0x6b: {  	_ =	shalt  }
0x6c: {  	_ =	shalt  }
0x6d: {  	_ =	shalt  }
0x6e: {  	_ =	shalt  }
0x6f: {  	_ =	shalt  }
0x70: {  	_ =	shalt  }
0x71: {  	_ =	shalt  }
0x72: {  	_ =	shalt  }
0x73: {  	_ =	shalt  }
0x74: {  	_ =	shalt  }
0x75: {  	_ =	shalt  }
0x76: {  	_ =	shalt  }
0x77: {  	_ =	shalt  }
0x78: {  	_ =	shalt  }
0x79: {  	_ =	shalt  }
0x7a: {  	_ =	shalt  }
0x7b: {  	_ =	shalt  }
0x7c: {  	_ =	shalt  }
0x7d: {  	_ =	shalt  }
0x7e: {  	_ =	shalt  }
0x7f: {  	_ =	shalt  }
0x80: {  	_ =	shalt  }
0x81: {  	_ =	shalt  }
0x82: {  	_ =	shalt  }
0x83: {  	_ =	shalt  }
0x84: {  	_ =	shalt  }
0x85: {  	_ =	shalt  }
0x86: {  	_ =	shalt  }
0x87: {  	_ =	shalt  }
.Lfunc_end0:
.L_simem_size_0:
called_computation_lowered:
.L_overlay_start_0:
0x88: {  	s2 =	sld [smem:$0x3FD9]  }
0x89: {  	s3 =	sld [smem:$0x3FFE];
	_ =	sdelay $0x1  }
0x8a: {  	s1 =	srdreg.scid  }
0x8b: {  	s0 =	sand.u32 $0x1, s1  }
0x8c: {  	s14 =	sshll.u32 s0, $0xA;
	s2 =	sadd.s32 s3, s2  }
0x8d: {  	s2 =	sadd.s32 s2, s14  }
0x8e: {  	[smem:$0x3FA9] =	sst s2  }
0x8f: {  	_ = 	snop  }
0x90: {  	s2 =	sld [smem:$0x3FD0];
	_ =	sdelay $0x2  }
0x91: {  	s15 =	simm.s32 $0xA;
	s4 =	simm.s32 $0x10  }
0x92: {  	[smem:s4], [sflag:s15] =	dma.local [hbm:s2], $0x1  }
0x93: {  	_ =	swait.eq [sflag:s15], $0x1  }
0x94: {  	[sflag:s15] =	ssyncset.done $0x0  }
0x95: {  	[sflag:s15] =	ssyncadd.s32 $0xFFFFFFFF  }
0x96: {  	s16 =	sld [smem:$0x11];
	(tm) =	ssettm $0x1  }
0x97: {  	s17 =	sld [smem:$0x3FFB];
	_ =	sdelay $0x3  }
0x98: {  	_ =	strace s17  }
0x99: {  	s3 =	sld [smem:$0x3FFC];
	_ =	sdelay $0x3  }
0x9a: {  	_ =	strace s3  }
0x9b: {  	s3 =	sld [smem:$0x3FFD];
	_ =	sdelay $0x3  }
0x9c: {  	_ =	strace s3  }
0x9d: {  	_ =	strace $0x8FFFFFFF  }
0x9e: {  	s18 =	sld [smem:$0x3FDB];
	_ =	sdelay $0x1  }
0x9f: {  	s19 =	simm.s32 $_scs_section_size  }
0xa0: {  	s5 =	simm.s32 $_size__tile_overlayer_lowered;
	s6 =	simm.s32 $_tile_overlayer_lowered  }
0xa1: {  	s22 =	simm.s32 $0x1BFF;
	s21 =	sshll.u32 s6, $0x1;
	s3 =	sadd.s32 s19, s18  }
0xa2: {  	s7 =	simm.s32 $0x0;
	s20 =	sshll.u32 s5, $0x1;
	s5 =	sadd.s32 s21, s3  }
0xa3: {  	[timem:s7], [sflag:s22] =	dma.local [hbm:s5], s20  }
0xa4: {  	_ =	swait.ge [sflag:s22], s20  }
0xa5: {  	s4 =	ssub.s32 $0x0, s20;
	[sflag:s22] =	ssyncset.done $0x0  }
0xa6: {  	[sflag:s22] =	ssyncadd.s32 s4;
	_ =	sdelay $0x1  }
0xa7: {  	s23 =	simm.s32 $0x1B8B  }
0xa8: {  	_ =	swait.ge [sflag:s23], $0x1  }
0xa9: {  	[sflag:s23] =	ssyncset.done $0x0  }
0xaa: {  	s25 =	simm.s32 $0x1B8E;
	s24 =	sld [smem:$0x3FFE];
	[sflag:s23] =	ssyncadd.s32 $0xFFFFFFFF  }
0xab: {  	s26 =	simm.s32 $execute0_lowered;
	[smem:$0x3FD2] =	sst s25  }
0xac: {  	s5 =	sshll.u32 s26, $0x1;
	_ =	strace $0x8000004C;
	[dreg:$0x1] =	wrdreg $0xFFFFFFFF  }
0xad: {  	s28 =	simm.s32 $_size_execute0_lowered;
	s3 =	sadd.s32 s3, s5;
	[dreg:$0x0] =	wrdreg $0x0  }
0xae: {  	s5 =	sshll.u32 s28, $0x1;
	[dreg:$0x2] =	wrdreg s3  }
0xaf: {  	[dreg:$0x3] =	wrdreg s5  }
0xb0: {  	[dreg:$0x4] =	wrdreg $0xC0  }
0xb1: {  	_ =	task [dreg:s7], $0x5FFFF  }
0xb2: {  	[dreg:$0x1] =	wrdreg $0xFFFFFFFF  }
0xb3: {  	[dreg:$0x0] =	wrdreg $0x60  }
0xb4: {  	[dreg:$0x2] =	wrdreg s24  }
0xb5: {  	[dreg:$0x3] =	wrdreg s16  }
0xb6: {  	[dreg:$0x4] =	wrdreg $0xC0000  }
0xb7: {  	[dreg:$0x5] =	wrdreg $0x9  }
0xb8: {  	_ =	task.clear_ibuf [dreg:s7], $0x6FFFF;
	_ =	strace $0x9000004C  }
0xb9: {  	s29 =	simm.s32 $0x9;
	_ =	strace $0x8000004E  }
0xba: {  	_ =	swait.ge [sflag:s29], $0x1  }
0xbb: {  	[sflag:s29] =	ssyncadd.s32 $0xFFFFFFFF  }
0xbc: {  	_ =	strace $0x9000004E  }
0xbd: {  	_ =	sfence  }
0xbe: {  	s30 =	sld [smem:$0x0];
	_ =	sdelay $0x2  }
0xbf: {  	s31 =	sshll.u32 s1, $0xD;
	s1 =	sshrl.u32 s1, $0x2  }
0xc0: {  	s3 =	sand.u32 $0x4000, s31;
	s1 =	sadd.s32 s1, s30  }
0xc1: {  	s0 =	sor.u32 s3, s0;
	s1 =	sshll.u32 s1, $0x11  }
0xc2: {  	s0 =	sor.u32 s1, s0  }
0xc3: {  	s0 =	sadd.s32 $0x8F2B, s0  }
0xc4: {  	[sflag:s0] =	ssyncadd.remote.s32 $0x1  }
0xc5: {  	_ =	sfence.sel $0xFFFF  }
0xc6: {  	[dreg:$0x0] =	wrdreg $0xFFFFFFFF;
	(pc) =	sbr.abs _section_cstart, $3  }
0xc7: {  	[dreg:$0x1] =	wrdreg $0xFFFFFFFF  }
0xc8: {  	_ =	task.clear_ibuf [dreg:s7], $0x2FFFF;
	_ =	strace $0x9FFFFFFF  }
0xc9: {  	(tm) =	ssettm $0x7FFFFFFF  }
tec
execute0_lowered:
.L_overlay_start_1:
0x0: {  	(tag) =	ssettag $0x1  }
0x1: {  	s5 =	rddreg [dreg:$0x0]  }
0x2: {  	s11 =	rddreg [dreg:$0x1]  }
0x3: {  	s1 =	rddreg [dreg:$0x2]  }
0x4: {  	s0 =	rddreg [dreg:$0x3];
	s3 =	simm.s32 $0x0;
	s2 =	stileid.u32  }
0x5: {  	s8 =	srdreg.scid;
	s18 =	simm.s32 $0x4000;
	s19 =	simm.s32 $0x8000  }
0x6: {  	s20 =	simm.s32 $0x1;
	s21 =	simm.s32 $0x2;
	s22 =	simm.s32 $0x3  }
0x7: {  	s23 =	simm.s32 $0x0;
	[smem:$0x7FF] =	sst s3;
	s4 =	sadd.s32 $0x24A400, s5  }
0x8: {  	s6 =	sshll.u32 s2, $0xA;
	s7 =	smul.u32 $0x2080, s2;
	s10 =	sadd.s32 $0x23A400, s5  }
0x9: {  	s9 =	sand.u32 $0x1, s8;
	s28 =	smul.u32 $0x41000, s2;
	s13 =	sshll.u32 s2, $0xD  }
0xa: {  	s30 =	sshll.u32 s2, $0x10;
	s31 =	sshll.u32 s2, $0x6;
	_ =	strace $0x8000004D  }
0xb: {  	s6 =	sadd.s32 s6, s5;
	s26 =	ssub.s32 $0x2, s9;
	s14 =	sshll.u32 s9, $0x12  }
0xc: {  	s16 =	sshll.u32 s9, $0x15;
	s9 =	sshllo.u32 s9, $0x1;
	s7 =	sadd.s32 s7, s5  }
0xd: {  	s12 =	sshrl.u32 s26, $0x1;
	s8 =	sshrl.u32 s28, $0x2;
	s14 =	sor.u32 s13, s14  }
0xe: {  	s5 =	sadd.s32 $0x8000, s6;
	s16 =	sor.u32 s30, s16;
	s17 =	sshll.u32 s9, $0x11  }
0xf: {  	s9 =	sshll.u32 s9, $0x14;
	s12 =	ssub.s32 s26, s12;
	s15 =	sadd.s32 s8, s1  }
0x10: {  	s29 =	sshrl.u32 s14, $0x3;
	s6 =	sadd.s32 $0x2CA400, s7;
	s8 =	sadd.s32 s30, s1  }
0x11: {  	s16 =	sshrl.u32 s16, $0x3;
	s13 =	sor.u32 s13, s17;
	s14 =	sor.u32 s30, s9  }
0x12: {  	s17 =	simm.s32 $0x80;
	s7 =	sadd.s32 s10, s29;
	s9 =	sadd.s32 s11, s16  }
0x13: {  	s13 =	sshrl.u32 s13, $0x3;
	s14 =	sshrl.u32 s14, $0x3;
	s12 =	smax.u32 s12, $0x1  }
0x14: {  	s15 =	sshrl.u32 s15, $0x3;
	s16 =	simm.s32 $0x2000;
	s10 =	sadd.s32 s10, s13  }
0x15: {  	s11 =	sadd.s32 s11, s14;
	s13 =	simm.s32 $0x4;
	s14 =	sor.u32 $0x1C04, s31  }
.LBB2_1:
0x16: {  	[tilespmem:s3], [sflag:$0x4] =	stream.linear.gather [hbm4b:s5+s3], $0x2000, $0x38;
	[tilespmem:$0x1C400] =	vst v63  }
0x17: {  	_ =	swait.ge [sflag:s13], $0x2000  }
0x18: {  	[sflag:s13] =	ssyncset.done $0x0  }
0x19: {  	[sflag:s13] =	ssyncadd.s32 $0xFFFFE000  }
0x1a: {  	[spmem:s15], [sflag:s14] =	dma.local [hbm:s6], $0x2080  }
0x1b: {  	_ =	swait.ge [sflag:s13], $0x2080  }
0x1c: {  	[sflag:s13] =	ssyncset.done $0x0  }
0x1d: {  	[sflag:s13] =	ssyncadd.s32 $0xFFFFDF80  }
0x1e: {  	[tilespmem:s16], [sflag:$0x4] =	stream.linear.gather [hbm4b:s7+s3], $0x2000, $0x38;
	[tilespmem:$0x1C400] =	vst v63  }
0x1f: {  	_ =	swait.ge [sflag:s13], $0x2000  }
0x20: {  	[sflag:s13] =	ssyncset.done $0x0  }
0x21: {  	[sflag:s13] =	ssyncadd.s32 $0xFFFFE000  }
0x22: {  	s24 =	simm.s32 $0x0;
	[bflag:$0x0] =	sbarrier.arrive $0xFFFF  }
0x23: {  	[tilespmem:s18], [sflag:$0x1] =	stream.indirect.gather [hbm4b:s4+s17], $0x80, s24, s17, $0xb8;
	[tilespmem:$0x1C400] =	vst v63  }
0x24: {  	s29 =	simm.s32 $0x80  }
0x25: {  	[tilespmem:s19], [sflag:$0x2] =	stream.indirect.gather [hbm4b:s4+s17], $0x80, s29, s17, $0xb8;
	[tilespmem:$0x1C400] =	vst v63  }
0x26: {  	_ =	swait.ge [sflag:s20], $0x4000  }
0x27: {  	[sflag:s20] =	ssyncset.done $0x0  }
0x28: {  	s30 =	simm.s32 $0x2000;
	[sflag:s20] =	ssyncadd.s32 $0xFFFFC000  }
0x29: {  	[spmem:s1] =	stream.indirect.scatter.add.f32 [tilespmem:s18], [sflag:$0x3], $0x80, s30, s17, $0xb8;
	[tilespmem:$0x1C400] =	vst v63  }
0x2a: {  	_ =	swait.ge [sflag:s21], $0x4000  }
0x2b: {  	[sflag:s21] =	ssyncset.done $0x0  }
0x2c: {  	s31 =	simm.s32 $0x2080;
	[sflag:s21] =	ssyncadd.s32 $0xFFFFC000  }
0x2d: {  	[spmem:s1] =	stream.indirect.scatter.add.f32 [tilespmem:s19], [sflag:$0x3], $0x80, s31, s17, $0xb8;
	[tilespmem:$0x1C400] =	vst v63  }
0x2e: {  	_ =	swait.ge [sflag:s22], $0x4000  }
0x2f: {  	[sflag:s22] =	ssyncset.done $0x0  }
0x30: {  	[sflag:s22] =	ssyncadd.s32 $0xFFFFC000  }
0x31: {  	_ =	swait.ge [sflag:s22], $0x4000  }
0x32: {  	s25 =	simm.s32 $0x800;
	s24 =	simm.s32 $0x400;
	[sflag:s22] =	ssyncset.done $0x0  }
.LBB2_2:
0x33: {  	s26 =	sshra.s32 s24, $0x2  }
0x34: {  	[sflag:s22] =	ssyncadd.s32 $0xFFFFC000;
	s24 =	smov.u32 s25;
	s28 =	sadd.s32 $0x400, s25  }
0x35: {  	[tilespmem:s18], [sflag:$0x1] =	stream.indirect.gather [hbm4b:s4+s17], $0x80, s26, s17, $0xb8;
	[tilespmem:$0x1C400] =	vst v63  }
0x36: {  	p0 =	sne.s32 s25, $0x7C00;
	s25 =	sadd.s32 $0x80, s26  }
0x37: {  	[tilespmem:s19], [sflag:$0x2] =	stream.indirect.gather [hbm4b:s4+s17], $0x80, s25, s17, $0xb8;
	[tilespmem:$0x1C400] =	vst v63  }
0x38: {  	_ =	swait.ge [sflag:s20], $0x4000  }
0x39: {  	[sflag:s20] =	ssyncset.done $0x0  }
0x3a: {  	s25 =	sadd.s32 $0x2000, s26;
	[sflag:s20] =	ssyncadd.s32 $0xFFFFC000  }
0x3b: {  	[spmem:s1] =	stream.indirect.scatter.add.f32 [tilespmem:s18], [sflag:$0x3], $0x80, s25, s17, $0xb8;
	[tilespmem:$0x1C400] =	vst v63  }
0x3c: {  	_ =	swait.ge [sflag:s21], $0x4000  }
0x3d: {  	[sflag:s21] =	ssyncset.done $0x0  }
0x3e: {  	s25 =	sadd.s32 $0x2080, s26;
	[sflag:s21] =	ssyncadd.s32 $0xFFFFC000  }
0x3f: {  	[spmem:s1] =	stream.indirect.scatter.add.f32 [tilespmem:s19], [sflag:$0x3], $0x80, s25, s17, $0xb8;
	[tilespmem:$0x1C400] =	vst v63  }
.Ltmp0:
0x40: {  	_ =	swait.ge [sflag:s22], $0x4000;
	(pc) =	sbr.rel @p0 .LBB2_2-.Ltmp0, $4  }
0x41: {  	[sflag:s22] =	ssyncset.done $0x0  }
0x42: {  	[sflag:s22] =	ssyncadd.s32 $0xFFFFC000  }
0x43: {  	_ =	swait.ge [sflag:s22], $0x4000  }
0x44: {  	s25 =	smov.u32 s28;
	[sflag:s22] =	ssyncset.done $0x0  }
0x45: {  	s24 =	sshra.s32 s24, $0x2;
	[sflag:s22] =	ssyncadd.s32 $0xFFFFC000  }
0x46: {  	[tilespmem:s18], [sflag:$0x1] =	stream.indirect.gather [hbm4b:s4+s17], $0x80, s24, s17, $0xb8;
	[tilespmem:$0x1C400] =	vst v63  }
0x47: {  	s25 =	sadd.s32 $0x80, s24  }
0x48: {  	[tilespmem:s19], [sflag:$0x2] =	stream.indirect.gather [hbm4b:s4+s17], $0x80, s25, s17, $0xb8;
	[tilespmem:$0x1C400] =	vst v63  }
0x49: {  	_ =	swait.ge [sflag:s20], $0x4000  }
0x4a: {  	[sflag:s20] =	ssyncset.done $0x0  }
0x4b: {  	s31 =	sadd.s32 $0x2000, s24;
	[sflag:s20] =	ssyncadd.s32 $0xFFFFC000  }
0x4c: {  	[spmem:s1] =	stream.indirect.scatter.add.f32 [tilespmem:s18], [sflag:$0x3], $0x80, s31, s17, $0xb8;
	[tilespmem:$0x1C400] =	vst v63  }
0x4d: {  	_ =	swait.ge [sflag:s21], $0x4000  }
0x4e: {  	[sflag:s21] =	ssyncset.done $0x0  }
0x4f: {  	s24 =	sadd.s32 $0x2080, s24;
	[sflag:s21] =	ssyncadd.s32 $0xFFFFC000  }
0x50: {  	[spmem:s1] =	stream.indirect.scatter.add.f32 [tilespmem:s19], [sflag:$0x3], $0x80, s24, s17, $0xb8;
	[tilespmem:$0x1C400] =	vst v63  }
0x51: {  	_ =	swait.ge [sflag:s22], $0x4000  }
0x52: {  	[sflag:s22] =	ssyncset.done $0x0  }
0x53: {  	[sflag:s22] =	ssyncadd.s32 $0xFFFFC000  }
0x54: {  	_ =	swait.ge [sflag:s22], $0x4000  }
0x55: {  	[sflag:s22] =	ssyncset.done $0x0  }
0x56: {  	[sflag:s22] =	ssyncadd.s32 $0xFFFFC000  }
0x57: {  	s24 =	sshrl.u32 s8, $0x3;
	[bflag:$0x0] =	sbarrier.arrive $0xFFFF  }
0x58: {  	[hbm:s9], [sflag:s14] =	dma.local [spmem:s24], $0x2000  }
0x59: {  	_ =	swait.ge [sflag:s13], $0x2000  }
0x5a: {  	[sflag:s13] =	ssyncset.done $0x0  }
0x5b: {  	[sflag:s13] =	ssyncadd.s32 $0xFFFFE000  }
0x5c: {  	[bflag:$0x0] =	sbarrier.arrive $0xFFFF  }
0x5d: {  	[spmem:s15], [sflag:s14] =	dma.local [hbm:s6], $0x2080  }
0x5e: {  	_ =	swait.ge [sflag:s13], $0x2080  }
0x5f: {  	[sflag:s13] =	ssyncset.done $0x0  }
0x60: {  	s26 =	simm.s32 $0x0;
	[sflag:s13] =	ssyncadd.s32 $0xFFFFDF80  }
0x61: {  	[tilespmem:s16], [sflag:$0x4] =	stream.linear.gather [hbm4b:s10+s26], $0x2000, $0x38;
	[tilespmem:$0x1C400] =	vst v63  }
0x62: {  	_ =	swait.ge [sflag:s13], $0x2000  }
0x63: {  	[sflag:s13] =	ssyncset.done $0x0  }
0x64: {  	[sflag:s13] =	ssyncadd.s32 $0xFFFFE000  }
0x65: {  	s28 =	simm.s32 $0x0;
	[bflag:$0x0] =	sbarrier.arrive $0xFFFF  }
0x66: {  	[tilespmem:s18], [sflag:$0x1] =	stream.indirect.gather [hbm4b:s4+s17], $0x80, s28, s17, $0xb8;
	[tilespmem:$0x1C400] =	vst v63  }
0x67: {  	s29 =	simm.s32 $0x80  }
0x68: {  	[tilespmem:s19], [sflag:$0x2] =	stream.indirect.gather [hbm4b:s4+s17], $0x80, s29, s17, $0xb8;
	[tilespmem:$0x1C400] =	vst v63  }
0x69: {  	_ =	swait.ge [sflag:s20], $0x4000  }
0x6a: {  	[sflag:s20] =	ssyncset.done $0x0  }
0x6b: {  	s30 =	simm.s32 $0x2000;
	[sflag:s20] =	ssyncadd.s32 $0xFFFFC000  }
0x6c: {  	[spmem:s1] =	stream.indirect.scatter.add.f32 [tilespmem:s18], [sflag:$0x3], $0x80, s30, s17, $0xb8;
	[tilespmem:$0x1C400] =	vst v63  }
0x6d: {  	_ =	swait.ge [sflag:s21], $0x4000  }
0x6e: {  	[sflag:s21] =	ssyncset.done $0x0  }
0x6f: {  	s31 =	simm.s32 $0x2080;
	[sflag:s21] =	ssyncadd.s32 $0xFFFFC000  }
0x70: {  	[spmem:s1] =	stream.indirect.scatter.add.f32 [tilespmem:s19], [sflag:$0x3], $0x80, s31, s17, $0xb8;
	[tilespmem:$0x1C400] =	vst v63  }
0x71: {  	_ =	swait.ge [sflag:s22], $0x4000  }
0x72: {  	[sflag:s22] =	ssyncset.done $0x0  }
0x73: {  	[sflag:s22] =	ssyncadd.s32 $0xFFFFC000  }
0x74: {  	_ =	swait.ge [sflag:s22], $0x4000  }
0x75: {  	s25 =	simm.s32 $0x400;
	s26 =	simm.s32 $0x800;
	[sflag:s22] =	ssyncset.done $0x0  }
.LBB2_4:
0x76: {  	s28 =	sshra.s32 s25, $0x2  }
0x77: {  	[sflag:s22] =	ssyncadd.s32 $0xFFFFC000;
	s25 =	smov.u32 s26;
	s29 =	sadd.s32 $0x400, s26  }
0x78: {  	[tilespmem:s18], [sflag:$0x1] =	stream.indirect.gather [hbm4b:s4+s17], $0x80, s28, s17, $0xb8;
	[tilespmem:$0x1C400] =	vst v63  }
0x79: {  	p0 =	sne.s32 s26, $0x7C00;
	s26 =	sadd.s32 $0x80, s28  }
0x7a: {  	[tilespmem:s19], [sflag:$0x2] =	stream.indirect.gather [hbm4b:s4+s17], $0x80, s26, s17, $0xb8;
	[tilespmem:$0x1C400] =	vst v63  }
0x7b: {  	_ =	swait.ge [sflag:s20], $0x4000  }
0x7c: {  	[sflag:s20] =	ssyncset.done $0x0  }
0x7d: {  	s26 =	sadd.s32 $0x2000, s28;
	[sflag:s20] =	ssyncadd.s32 $0xFFFFC000  }
0x7e: {  	[spmem:s1] =	stream.indirect.scatter.add.f32 [tilespmem:s18], [sflag:$0x3], $0x80, s26, s17, $0xb8;
	[tilespmem:$0x1C400] =	vst v63  }
0x7f: {  	_ =	swait.ge [sflag:s21], $0x4000  }
0x80: {  	[sflag:s21] =	ssyncset.done $0x0  }
0x81: {  	s26 =	sadd.s32 $0x2080, s28;
	[sflag:s21] =	ssyncadd.s32 $0xFFFFC000  }
0x82: {  	[spmem:s1] =	stream.indirect.scatter.add.f32 [tilespmem:s19], [sflag:$0x3], $0x80, s26, s17, $0xb8;
	[tilespmem:$0x1C400] =	vst v63  }
.Ltmp1:
0x83: {  	_ =	swait.ge [sflag:s22], $0x4000;
	(pc) =	sbr.rel @p0 .LBB2_4-.Ltmp1, $4  }
0x84: {  	[sflag:s22] =	ssyncset.done $0x0  }
0x85: {  	[sflag:s22] =	ssyncadd.s32 $0xFFFFC000  }
0x86: {  	_ =	swait.ge [sflag:s22], $0x4000  }
0x87: {  	s26 =	smov.u32 s29;
	[sflag:s22] =	ssyncset.done $0x0  }
0x88: {  	s25 =	sshra.s32 s25, $0x2;
	[sflag:s22] =	ssyncadd.s32 $0xFFFFC000  }
0x89: {  	[tilespmem:s18], [sflag:$0x1] =	stream.indirect.gather [hbm4b:s4+s17], $0x80, s25, s17, $0xb8;
	[tilespmem:$0x1C400] =	vst v63  }
0x8a: {  	s26 =	sadd.s32 $0x80, s25  }
0x8b: {  	[tilespmem:s19], [sflag:$0x2] =	stream.indirect.gather [hbm4b:s4+s17], $0x80, s26, s17, $0xb8;
	[tilespmem:$0x1C400] =	vst v63  }
0x8c: {  	_ =	swait.ge [sflag:s20], $0x4000  }
0x8d: {  	[sflag:s20] =	ssyncset.done $0x0  }
0x8e: {  	s31 =	sadd.s32 $0x2000, s25;
	[sflag:s20] =	ssyncadd.s32 $0xFFFFC000  }
0x8f: {  	[spmem:s1] =	stream.indirect.scatter.add.f32 [tilespmem:s18], [sflag:$0x3], $0x80, s31, s17, $0xb8;
	[tilespmem:$0x1C400] =	vst v63  }
0x90: {  	_ =	swait.ge [sflag:s21], $0x4000  }
0x91: {  	[sflag:s21] =	ssyncset.done $0x0  }
0x92: {  	s25 =	sadd.s32 $0x2080, s25;
	[sflag:s21] =	ssyncadd.s32 $0xFFFFC000  }
0x93: {  	[spmem:s1] =	stream.indirect.scatter.add.f32 [tilespmem:s19], [sflag:$0x3], $0x80, s25, s17, $0xb8;
	[tilespmem:$0x1C400] =	vst v63  }
0x94: {  	_ =	swait.ge [sflag:s22], $0x4000  }
0x95: {  	[sflag:s22] =	ssyncset.done $0x0  }
0x96: {  	[sflag:s22] =	ssyncadd.s32 $0xFFFFC000  }
0x97: {  	_ =	swait.ge [sflag:s22], $0x4000  }
0x98: {  	[sflag:s22] =	ssyncset.done $0x0  }
0x99: {  	s23 =	sadd.s32 $0x1, s23;
	[sflag:s22] =	ssyncadd.s32 $0xFFFFC000  }
0x9a: {  	p0 =	sne.s32 s23, s12;
	[bflag:$0x0] =	sbarrier.arrive $0xFFFF  }
0x9b: {  	[hbm:s11], [sflag:s14] =	dma.local [spmem:s24], $0x2000  }
.Ltmp2:
0x9c: {  	_ =	swait.ge [sflag:s13], $0x2000;
	(pc) =	sbr.rel @p0 .LBB2_1-.Ltmp2, $3  }
0x9d: {  	[sflag:s13] =	ssyncset.done $0x0  }
0x9e: {  	[sflag:s13] =	ssyncadd.s32 $0xFFFFE000  }
0x9f: {  	[bflag:$0x0] =	sbarrier.arrive $0xFFFF;
	_ =	sdelay $0x1  }
0xa0: {  	_ =	sfence.sel $0x180000  }
0xa1: {  	[bflag:$0x0] =	sbarrier.arrive $0xFFFF  }
0xa2: {  	p0 =	sne.s32 s2, $0x0;
	_ =	strace $0x9000004D  }
0xa3: {  	s0 =	sadd.s32 @!p0 $0x100000, s0;
	[bflag:$0x2] =	sbarrier.arrive $0xFFFF  }
0xa4: {  	[sflag:s0] =	ssyncadd.tile.s32 @!p0 $0x1;
	_ =	shalt  }
.Lfunc_end2:
_tile_overlayer_lowered:
.L_overlay_start_2:
0xa5: {  	(tag) =	ssettag $0x2  }
0xa6: {  	s0 =	rddreg [dreg:$0x0];
	s2 =	stileid.u32  }
0xa7: {  	s1 =	rddreg [dreg:$0x1];
	p0 =	sne.s32 s2, $0x0  }
0xa8: {  	s3 =	rddreg [dreg:$0x2];
	[bflag:$0x3] =	sbarrier.arrive $0xFFFF;
	s2 =	simm.s32 @!p0 $0x1C04  }
0xa9: {  	[timem:s3], [sflag:s2] =	dma.local @!p0 [hbm:s0], s1  }
0xaa: {  	s0 =	simm.s32 @!p0 $0x4  }
0xab: {  	_ =	swait.ge @!p0 [sflag:s0], s1  }
0xac: {  	s1 =	ssub.s32 @!p0 $0x0, s1;
	[sflag:s0] =	ssyncset.done @!p0 $0x0  }
0xad: {  	[sflag:s0] =	ssyncadd.s32 @!p0 s1  }
0xae: {  	[bflag:$0x3] =	sbarrier.arrive $0xFFFF  }
0xaf: {  	_ =	shalt  }

// kernel: kernel.10.cloned.1.call-start
scs
__scs_entry_jumppad:
0x0: {  	(pc) =	sbr.rel $0x88, $3  }
0x1: {  	(tag) =	ssettag $0x0;
	lr =	simm.s32 $0x1  }
0x2: {  	[smem:$0x3F82] =	sst lr;
	_ =	strace $0xD0000000  }
0x3: {  	_ = 	snop  }
0x4: {  	_ = 	snop  }
0x5: {  	_ = 	snop  }
0x6: {  	_ = 	snop  }
0x7: {  	_ = 	snop  }
__scs_overlays_trampoline_lowered:
0x8: {  	[smem:$0x3F91] =	sst s0  }
0x9: {  	[smem:$0x3F92] =	sst s1  }
0xa: {  	[smem:$0x3F93] =	sst s2  }
0xb: {  	[smem:$0x3F94] =	sst s3  }
0xc: {  	[smem:$0x3F95] =	sst s4  }
0xd: {  	[smem:$0x3F96] =	sst s5  }
0xe: {  	[smem:$0x3F97] =	sst s6  }
0xf: {  	[smem:$0x3F98] =	sst s7  }
0x10: {  	[smem:$0x3F99] =	sst s8  }
0x11: {  	[smem:$0x3F9A] =	sst s9;
	s0 =	simm.s32 @!p0 $0x0  }
0x12: {  	s1 =	sld [smem:$0x3F80];
	s0 =	simm.s32 @p0 $0x1  }
0x13: {  	[smem:$0x3F9B] =	sst s0;
	s0 =	simm.s32 @!p1 $0x0  }
0x14: {  	s2 =	sld [smem:$0x3F7F];
	s0 =	simm.s32 @p1 $0x1  }
0x15: {  	[smem:$0x3F9C] =	sst s0;
	s0 =	simm.s32 @!p2 $0x0  }
0x16: {  	s3 =	sld [smem:$0x3FDB];
	s0 =	simm.s32 @p2 $0x1  }
0x17: {  	s4 =	simm.s32 $0x1BF5;
	[smem:$0x3F9E] =	sst s0  }
0x18: {  	s0 =	sld [smem:$0x3F81];
	_ =	swait.ge [sflag:s4], $0x0  }
0x19: {  	s7 =	sld [smem:$0x3F82]  }
0x1a: {  	s8 =	sadd.s32 $0xFFFFE003, lr  }
0x1b: {  	s9 =	sadd.s32 $0xFFFFFEF7, lr;
	s5 =	simm.s32 $0xFFFFFFFF;
	p2 =	slt.u32 s8, $0xFFFFF086  }
0x1c: {  	p1 =	slt.u32 s9, $0xF7A;
	s5 =	simm.s32 @!p2 $0x0  }
0x1d: {  	s5 =	simm.s32 @p1 $0x1;
	p0 =	seq.s32 s7, s2  }
0x1e: {  	s7 =	smul.u32 @!p0 $0xF7A, s2;
	p2 =	seq.s32 @!p0 s5, $0x0  }
0x1f: {  	s9 =	smul.u32 $0xF7A, s1;
	s8 =	simm.s32 @!p0 $0x1BF5;
	p2 =	por !p2, p0  }
0x20: {  	[sflag:s8] =	ssyncset.s32 @!p0 $0xFFFFF086;
	s6 =	sadd.s32 @!p0 s3, s7;
	s7 =	simm.s32 @!p0 $0x108  }
0x21: {  	s3 =	sadd.s32 s3, s9;
	s6 =	sadd.s32 @!p0 $0x88, s6;
	s7 =	simm.s32 @p2 $0x1082  }
0x22: {  	[simem:s7], [sflag:s8] =	dma.local @!p0 [hbm:s6], $0xF7A  }
0x23: {  	s9 =	sor.u32 $0xD0000000, s2;
	s6 =	simm.s32 $0x108;
	_ =	swait.ge @!p0 [sflag:s8], $0x0  }
0x24: {  	s3 =	sadd.s32 $0x88, s3;
	s6 =	simm.s32 @!p1 $0x1082;
	[sflag:s4] =	ssyncset.s32 $0xFFFFF086  }
0x25: {  	[simem:s6], [sflag:s4] =	dma.local [hbm:s3], $0xF7A  }
0x26: {  	[smem:$0x3F82] =	sst s1;
	(tag) =	ssettag s2;
	_ =	strace s9  }
0x27: {  	s1 =	sld [smem:$0x3F92]  }
0x28: {  	s2 =	sld [smem:$0x3F93]  }
0x29: {  	s4 =	sld [smem:$0x3F95]  }
0x2a: {  	p0 =	seq.s32 s5, $0x0;
	s5 =	sld [smem:$0x3F96]  }
0x2b: {  	s6 =	sld [smem:$0x3F97]  }
0x2c: {  	s7 =	sld [smem:$0x3F98]  }
0x2d: {  	s3 =	simm.s32 $0x108;
	s8 =	sld [smem:$0x3F99]  }
0x2e: {  	s3 =	simm.s32 @!p0 $0x1082;
	s9 =	sld [smem:$0x3F9A]  }
0x2f: {  	lr =	sadd.s32 s0, s3;
	s0 =	sld [smem:$0x3F91]  }
0x30: {  	s3 =	sld [smem:$0x3F94]  }
0x31: {  	[smem:$0x3F9D] =	sst s10  }
0x32: {  	s10 =	sld [smem:$0x3F9B];
	_ =	sdelay $0x3  }
0x33: {  	p0 =	seq.s32 s10, $0x1;
	s10 =	sld [smem:$0x3F9D];
	_ =	sdelay $0x3  }
0x34: {  	[smem:$0x3F9D] =	sst s10  }
0x35: {  	s10 =	sld [smem:$0x3F9C];
	_ =	sdelay $0x3  }
0x36: {  	p1 =	seq.s32 s10, $0x1;
	s10 =	sld [smem:$0x3F9D];
	_ =	sdelay $0x3  }
0x37: {  	[smem:$0x3F9D] =	sst s10  }
0x38: {  	s10 =	sld [smem:$0x3F9E]  }
0x39: {  	_ = 	snop;
	(pc) =	sbr.ind lr, $3  }
0x3a: {  	_ = 	snop  }
0x3b: {  	_ = 	snop  }
0x3c: {  	p2 =	seq.s32 s10, $0x1;
	s10 =	sld [smem:$0x3F9D]  }
0x3d: {  	_ =	shalt  }
0x3e: {  	_ =	shalt  }
0x3f: {  	_ =	shalt  }
0x40: {  	_ =	shalt  }
0x41: {  	_ =	shalt  }
0x42: {  	_ =	shalt  }
0x43: {  	_ =	shalt  }
0x44: {  	_ =	shalt  }
0x45: {  	_ =	shalt  }
0x46: {  	_ =	shalt  }
0x47: {  	_ =	shalt  }
0x48: {  	_ =	shalt  }
0x49: {  	_ =	shalt  }
0x4a: {  	_ =	shalt  }
0x4b: {  	_ =	shalt  }
0x4c: {  	_ =	shalt  }
0x4d: {  	_ =	shalt  }
0x4e: {  	_ =	shalt  }
0x4f: {  	_ =	shalt  }
0x50: {  	_ =	shalt  }
0x51: {  	_ =	shalt  }
0x52: {  	_ =	shalt  }
0x53: {  	_ =	shalt  }
0x54: {  	_ =	shalt  }
0x55: {  	_ =	shalt  }
0x56: {  	_ =	shalt  }
0x57: {  	_ =	shalt  }
0x58: {  	_ =	shalt  }
0x59: {  	_ =	shalt  }
0x5a: {  	_ =	shalt  }
0x5b: {  	_ =	shalt  }
0x5c: {  	_ =	shalt  }
0x5d: {  	_ =	shalt  }
0x5e: {  	_ =	shalt  }
0x5f: {  	_ =	shalt  }
0x60: {  	_ =	shalt  }
0x61: {  	_ =	shalt  }
0x62: {  	_ =	shalt  }
0x63: {  	_ =	shalt  }
0x64: {  	_ =	shalt  }
0x65: {  	_ =	shalt  }
0x66: {  	_ =	shalt  }
0x67: {  	_ =	shalt  }
0x68: {  	_ =	shalt  }
0x69: {  	_ =	shalt  }
0x6a: {  	_ =	shalt  }
0x6b: {  	_ =	shalt  }
0x6c: {  	_ =	shalt  }
0x6d: {  	_ =	shalt  }
0x6e: {  	_ =	shalt  }
0x6f: {  	_ =	shalt  }
0x70: {  	_ =	shalt  }
0x71: {  	_ =	shalt  }
0x72: {  	_ =	shalt  }
0x73: {  	_ =	shalt  }
0x74: {  	_ =	shalt  }
0x75: {  	_ =	shalt  }
0x76: {  	_ =	shalt  }
0x77: {  	_ =	shalt  }
0x78: {  	_ =	shalt  }
0x79: {  	_ =	shalt  }
0x7a: {  	_ =	shalt  }
0x7b: {  	_ =	shalt  }
0x7c: {  	_ =	shalt  }
0x7d: {  	_ =	shalt  }
0x7e: {  	_ =	shalt  }
0x7f: {  	_ =	shalt  }
0x80: {  	_ =	shalt  }
0x81: {  	_ =	shalt  }
0x82: {  	_ =	shalt  }
0x83: {  	_ =	shalt  }
0x84: {  	_ =	shalt  }
0x85: {  	_ =	shalt  }
0x86: {  	_ =	shalt  }
0x87: {  	_ =	shalt  }
.Lfunc_end0:
.L_simem_size_0:
called_computation.2_lowered:
.L_overlay_start_0:
0x88: {  	s2 =	sld [smem:$0x3FD9]  }
0x89: {  	s3 =	sld [smem:$0x3FFE];
	_ =	sdelay $0x1  }
0x8a: {  	s1 =	srdreg.scid  }
0x8b: {  	s0 =	sand.u32 $0x1, s1  }
0x8c: {  	s16 =	sshll.u32 s0, $0xA;
	s2 =	sadd.s32 s3, s2  }
0x8d: {  	s2 =	sadd.s32 s2, s16  }
0x8e: {  	[smem:$0x3FA9] =	sst s2  }
0x8f: {  	_ = 	snop  }
0x90: {  	(tm) =	ssettm $0x1  }
0x91: {  	s17 =	sld [smem:$0x3FFB];
	_ =	sdelay $0x3  }
0x92: {  	_ =	strace s17  }
0x93: {  	s2 =	sld [smem:$0x3FFC];
	_ =	sdelay $0x3  }
0x94: {  	_ =	strace s2  }
0x95: {  	s2 =	sld [smem:$0x3FFD];
	_ =	sdelay $0x3  }
0x96: {  	_ =	strace s2  }
0x97: {  	_ =	strace $0x8FFFFFFF  }
0x98: {  	s18 =	sld [smem:$0x3FDB];
	_ =	sdelay $0x1  }
0x99: {  	s19 =	simm.s32 $_scs_section_size  }
0x9a: {  	s4 =	simm.s32 $_size__tile_overlayer_lowered;
	s5 =	simm.s32 $_tile_overlayer_lowered  }
0x9b: {  	s22 =	simm.s32 $0x1BFF;
	s21 =	sshll.u32 s5, $0x1;
	s2 =	sadd.s32 s19, s18  }
0x9c: {  	s6 =	simm.s32 $0x0;
	s20 =	sshll.u32 s4, $0x1;
	s4 =	sadd.s32 s21, s2  }
0x9d: {  	[timem:s6], [sflag:s22] =	dma.local [hbm:s4], s20  }
0x9e: {  	_ =	swait.ge [sflag:s22], s20  }
0x9f: {  	s3 =	ssub.s32 $0x0, s20;
	[sflag:s22] =	ssyncset.done $0x0  }
0xa0: {  	[sflag:s22] =	ssyncadd.s32 s3;
	_ =	sdelay $0x1  }
0xa1: {  	s23 =	simm.s32 $0x1B8B  }
0xa2: {  	_ =	swait.ge [sflag:s23], $0x1  }
0xa3: {  	[sflag:s23] =	ssyncset.done $0x0  }
0xa4: {  	s25 =	simm.s32 $0x1B8E;
	s24 =	sld [smem:$0x3FFE];
	[sflag:s23] =	ssyncadd.s32 $0xFFFFFFFF  }
0xa5: {  	s26 =	simm.s32 $execute0_lowered;
	[smem:$0x3FD2] =	sst s25  }
0xa6: {  	s4 =	sshll.u32 s26, $0x1;
	_ =	strace $0x80000049;
	[dreg:$0x1] =	wrdreg $0xFFFFFFFF  }
0xa7: {  	s28 =	simm.s32 $_size_execute0_lowered;
	s2 =	sadd.s32 s2, s4;
	[dreg:$0x0] =	wrdreg $0x0  }
0xa8: {  	s4 =	sshll.u32 s28, $0x1;
	[dreg:$0x2] =	wrdreg s2  }
0xa9: {  	[dreg:$0x3] =	wrdreg s4  }
0xaa: {  	[dreg:$0x4] =	wrdreg $0xC0  }
0xab: {  	_ =	task [dreg:s6], $0x5FFFF  }
0xac: {  	[dreg:$0x1] =	wrdreg $0xFFFFFFFF  }
0xad: {  	[dreg:$0x0] =	wrdreg $0x60  }
0xae: {  	[dreg:$0x2] =	wrdreg s24  }
0xaf: {  	[dreg:$0x3] =	wrdreg $0x108000  }
0xb0: {  	[dreg:$0x4] =	wrdreg $0x9  }
0xb1: {  	_ =	task.clear_ibuf [dreg:s6], $0x5FFFF;
	_ =	strace $0x90000049  }
0xb2: {  	s29 =	simm.s32 $0x9;
	_ =	strace $0x8000004B  }
0xb3: {  	_ =	swait.ge [sflag:s29], $0x1  }
0xb4: {  	[sflag:s29] =	ssyncadd.s32 $0xFFFFFFFF  }
0xb5: {  	_ =	strace $0x9000004B  }
0xb6: {  	_ =	sfence  }
0xb7: {  	s30 =	sld [smem:$0x0];
	_ =	sdelay $0x2  }
0xb8: {  	s31 =	sshll.u32 s1, $0xD;
	s1 =	sshrl.u32 s1, $0x2  }
0xb9: {  	s3 =	sand.u32 $0x4000, s31;
	s1 =	sadd.s32 s1, s30  }
0xba: {  	s0 =	sor.u32 s3, s0;
	s1 =	sshll.u32 s1, $0x11  }
0xbb: {  	s0 =	sor.u32 s1, s0  }
0xbc: {  	s0 =	sadd.s32 $0x8F2B, s0  }
0xbd: {  	[sflag:s0] =	ssyncadd.remote.s32 $0x1  }
0xbe: {  	_ =	sfence.sel $0xFFFF  }
0xbf: {  	[dreg:$0x0] =	wrdreg $0xFFFFFFFF;
	(pc) =	sbr.abs _section_cstart, $3  }
0xc0: {  	[dreg:$0x1] =	wrdreg $0xFFFFFFFF  }
0xc1: {  	_ =	task.clear_ibuf [dreg:s6], $0x2FFFF;
	_ =	strace $0x9FFFFFFF  }
0xc2: {  	(tm) =	ssettm $0x7FFFFFFF  }
0xc3: {  	_ =	shalt  }
tec
execute0_lowered:
.L_overlay_start_1:
0x0: {  	(tag) =	ssettag $0x1  }
0x1: {  	s0 =	rddreg [dreg:$0x0]  }
0x2: {  	s2 =	rddreg [dreg:$0x1];
	s28 =	simm.s32 $0x0  }
0x3: {  	s1 =	srdreg.scid;
	s9 =	stileid.u32;
	s15 =	simm.s32 $0x800  }
0x4: {  	s12 =	simm.s32 $0x4800;
	s11 =	simm.s32 $0x8800;
	s10 =	simm.s32 $0xC800  }
0x5: {  	s17 =	simm.s32 $0x1;
	s16 =	simm.s32 $0x2;
	s14 =	simm.s32 $0x3  }
0x6: {  	s13 =	simm.s32 $0x4;
	s31 =	simm.s32 $0x500;
	s30 =	simm.s32 $0x580  }
0x7: {  	p0 =	por $0x0, $0x0;
	s29 =	simm.s32 $0x200;
	s20 =	simm.s32 $0x780  }
0x8: {  	[smem:$0x7FF] =	sst s28;
	s1 =	sand.u32 $0x1, s1;
	s4 =	sshll.u32 s9, $0x7  }
0x9: {  	s6 =	sadd.s32 $0x12000, s0;
	s7 =	sadd.s32 $0x1A000, s0;
	s21 =	sshll.u32 s9, $0xB  }
0xa: {  	s8 =	sshll.u32 s9, $0xE;
	s26 =	sshll.u32 s9, $0x6;
	s9 =	simm.s32 $0x80  }
0xb: {  	_ =	strace $0x8000004A;
	s3 =	sshll.u32 s1, $0xB;
	s5 =	ssub.s32 $0x2, s1  }
0xc: {  	s23 =	sadd.s32 s8, s2;
	s1 =	sshll.u32 s1, $0xF;
	s3 =	sor.u32 s4, s3  }
0xd: {  	s8 =	simm.s32 $0x5;
	s22 =	sshrl.u32 s5, $0x1;
	s3 =	sadd.s32 s3, s0  }
0xe: {  	s0 =	sadd.s32 s21, s0;
	s4 =	ssub.s32 s5, s22;
	s5 =	sshrl.u32 s23, $0x3  }
0xf: {  	s23 =	simm.s32 $0x300;
	s22 =	simm.s32 $0x380;
	s21 =	simm.s32 $0x700  }
0x10: {  	s24 =	sadd.s32 $0xA000, s0;
	s25 =	sadd.s32 $0x9000, s3;
	s18 =	smax.u32 s4, $0x1  }
0x11: {  	s3 =	sadd.s32 $0x8000, s3;
	[dreg:$0x3] =	wrdreg s24;
	p1 =	sne.s32 s18, $0x1  }
.Ltmp0:
0x12: {  	s0 =	sadd.s32 s1, s0;
	[dreg:$0x4] =	wrdreg s25;
	(pc) =	sbr.rel @!p1 .LBB2_3-.Ltmp0, $4  }
0x13: {  	s4 =	simm.s32 $0x6;
	s1 =	simm.s32 $0x180;
	[dreg:$0x5] =	wrdreg s3  }
0x14: {  	s0 =	sadd.s32 $0x22000, s0;
	s3 =	sor.u32 $0x1C06, s26;
	s18 =	sadd.s32 $0xFFFFFFFF, s18  }
0x15: {  	s26 =	simm.s32 $0x280;
	s25 =	simm.s32 $0x600;
	[dreg:$0x6] =	wrdreg s0  }
0x16: {  	s24 =	simm.s32 $0x680;
	s0 =	simm.s32 $0x400;
	s19 =	rddreg [dreg:$0x3]  }
0x17: {  	[spmem:s5], [sflag:s3] =	dma.local [hbm:s19], $0x800  }
0x18: {  	_ =	swait.ge [sflag:s4], $0x800  }
0x19: {  	[sflag:s4] =	ssyncset.done $0x0  }
0x1a: {  	s19 =	rddreg [dreg:$0x4];
	[sflag:s4] =	ssyncadd.s32 $0xFFFFF800  }
0x1b: {  	[tilespmem:s28], [sflag:$0x6] =	stream.linear.gather [hbm4b:s19+s28], $0x400, $0x38;
	[tilespmem:$0x14800] =	vst v63  }
0x1c: {  	_ =	swait.ge [sflag:s4], $0x400  }
0x1d: {  	[sflag:s4] =	ssyncset.done $0x0  }
0x1e: {  	s19 =	rddreg [dreg:$0x5];
	[sflag:s4] =	ssyncadd.s32 $0xFFFFFC00  }
0x1f: {  	[tilespmem:s0], [sflag:$0x6] =	stream.linear.gather [hbm4b:s19+s28], $0x400, $0x38;
	[tilespmem:$0x14800] =	vst v63  }
0x20: {  	_ =	swait.ge [sflag:s4], $0x400  }
0x21: {  	[sflag:s4] =	ssyncset.done $0x0  }
0x22: {  	[sflag:s4] =	ssyncadd.s32 $0xFFFFFC00  }
0x23: {  	[bflag:$0x0] =	sbarrier.arrive $0xFFFF  }
0x24: {  	[tilespmem:s15], [sflag:$0x1] =	stream.indirect.gather [hbm4b:s6+s9], $0x80, s28, s9, $0xb8;
	[tilespmem:$0x14800] =	vst v63  }
0x25: {  	_ = 	snop  }
0x26: {  	[tilespmem:s12], [sflag:$0x2] =	stream.indirect.gather [hbm4b:s7+s9], $0x80, s28, s9, $0xb8;
	[tilespmem:$0x14800] =	vst v63  }
0x27: {  	_ = 	snop  }
0x28: {  	[tilespmem:s11], [sflag:$0x3] =	stream.indirect.gather [hbm4b:s6+s9], $0x80, s9, s9, $0xb8;
	[tilespmem:$0x14800] =	vst v63  }
0x29: {  	_ = 	snop  }
0x2a: {  	[tilespmem:s10], [sflag:$0x4] =	stream.indirect.gather [hbm4b:s7+s9], $0x80, s9, s9, $0xb8;
	[tilespmem:$0x14800] =	vst v63  }
0x2b: {  	_ =	swait.ge [sflag:s17], $0x4000  }
0x2c: {  	[sflag:s17] =	ssyncset.done $0x0  }
0x2d: {  	[sflag:s17] =	ssyncadd.s32 $0xFFFFC000  }
0x2e: {  	[spmem:s2] =	stream.indirect.scatter.add.f32 [tilespmem:s15], [sflag:$0x5], $0x80, s0, s9, $0xb8;
	[tilespmem:$0x14800] =	vst v63  }
0x2f: {  	_ =	swait.ge [sflag:s16], $0x4000  }
0x30: {  	[sflag:s16] =	ssyncset.done $0x0  }
0x31: {  	[sflag:s16] =	ssyncadd.s32 $0xFFFFC000  }
0x32: {  	[spmem:s2] =	stream.indirect.scatter.add.f32 [tilespmem:s12], [sflag:$0x5], $0x80, s0, s9, $0xb8;
	[tilespmem:$0x14800] =	vst v63  }
0x33: {  	_ =	swait.ge [sflag:s14], $0x4000  }
0x34: {  	[sflag:s14] =	ssyncset.done $0x0  }
0x35: {  	s19 =	simm.s32 $0x480;
	[sflag:s14] =	ssyncadd.s32 $0xFFFFC000  }
0x36: {  	[spmem:s2] =	stream.indirect.scatter.add.f32 [tilespmem:s11], [sflag:$0x5], $0x80, s19, s9, $0xb8;
	[tilespmem:$0x14800] =	vst v63  }
0x37: {  	_ =	swait.ge [sflag:s13], $0x4000  }
0x38: {  	[sflag:s13] =	ssyncset.done $0x0  }
0x39: {  	[sflag:s13] =	ssyncadd.s32 $0xFFFFC000  }
0x3a: {  	[spmem:s2] =	stream.indirect.scatter.add.f32 [tilespmem:s10], [sflag:$0x5], $0x80, s19, s9, $0xb8;
	[tilespmem:$0x14800] =	vst v63  }
0x3b: {  	_ =	swait.ge [sflag:s8], $0x4000  }
0x3c: {  	[sflag:s8] =	ssyncset.done $0x0  }
0x3d: {  	[sflag:s8] =	ssyncadd.s32 $0xFFFFC000  }
0x3e: {  	_ =	swait.ge [sflag:s8], $0x4000  }
0x3f: {  	[sflag:s8] =	ssyncset.done $0x0  }
0x40: {  	[sflag:s8] =	ssyncadd.s32 $0xFFFFC000  }
0x41: {  	_ =	swait.ge [sflag:s8], $0x4000  }
0x42: {  	[sflag:s8] =	ssyncset.done $0x0  }
0x43: {  	[sflag:s8] =	ssyncadd.s32 $0xFFFFC000  }
0x44: {  	_ =	swait.ge [sflag:s8], $0x4000  }
0x45: {  	[sflag:s8] =	ssyncset.done $0x0  }
0x46: {  	s19 =	simm.s32 $0x100;
	[sflag:s8] =	ssyncadd.s32 $0xFFFFC000  }
0x47: {  	[tilespmem:s15], [sflag:$0x1] =	stream.indirect.gather [hbm4b:s6+s9], $0x80, s19, s9, $0xb8;
	[tilespmem:$0x14800] =	vst v63  }
0x48: {  	_ = 	snop  }
0x49: {  	[tilespmem:s12], [sflag:$0x2] =	stream.indirect.gather [hbm4b:s7+s9], $0x80, s19, s9, $0xb8;
	[tilespmem:$0x14800] =	vst v63  }
0x4a: {  	_ = 	snop  }
0x4b: {  	[tilespmem:s11], [sflag:$0x3] =	stream.indirect.gather [hbm4b:s6+s9], $0x80, s1, s9, $0xb8;
	[tilespmem:$0x14800] =	vst v63  }
0x4c: {  	_ = 	snop  }
0x4d: {  	[tilespmem:s10], [sflag:$0x4] =	stream.indirect.gather [hbm4b:s7+s9], $0x80, s1, s9, $0xb8;
	[tilespmem:$0x14800] =	vst v63  }
0x4e: {  	_ =	swait.ge [sflag:s17], $0x4000  }
0x4f: {  	[sflag:s17] =	ssyncset.done $0x0  }
0x50: {  	[sflag:s17] =	ssyncadd.s32 $0xFFFFC000  }
0x51: {  	[spmem:s2] =	stream.indirect.scatter.add.f32 [tilespmem:s15], [sflag:$0x5], $0x80, s31, s9, $0xb8;
	[tilespmem:$0x14800] =	vst v63  }
0x52: {  	_ =	swait.ge [sflag:s16], $0x4000  }
0x53: {  	[sflag:s16] =	ssyncset.done $0x0  }
0x54: {  	[sflag:s16] =	ssyncadd.s32 $0xFFFFC000  }
0x55: {  	[spmem:s2] =	stream.indirect.scatter.add.f32 [tilespmem:s12], [sflag:$0x5], $0x80, s31, s9, $0xb8;
	[tilespmem:$0x14800] =	vst v63  }
0x56: {  	_ =	swait.ge [sflag:s14], $0x4000  }
0x57: {  	[sflag:s14] =	ssyncset.done $0x0  }
0x58: {  	[sflag:s14] =	ssyncadd.s32 $0xFFFFC000  }
0x59: {  	[spmem:s2] =	stream.indirect.scatter.add.f32 [tilespmem:s11], [sflag:$0x5], $0x80, s30, s9, $0xb8;
	[tilespmem:$0x14800] =	vst v63  }
0x5a: {  	_ =	swait.ge [sflag:s13], $0x4000  }
0x5b: {  	[sflag:s13] =	ssyncset.done $0x0  }
0x5c: {  	[sflag:s13] =	ssyncadd.s32 $0xFFFFC000  }
0x5d: {  	[spmem:s2] =	stream.indirect.scatter.add.f32 [tilespmem:s10], [sflag:$0x5], $0x80, s30, s9, $0xb8;
	[tilespmem:$0x14800] =	vst v63  }
0x5e: {  	_ =	swait.ge [sflag:s8], $0x4000  }
0x5f: {  	[sflag:s8] =	ssyncset.done $0x0  }
0x60: {  	[sflag:s8] =	ssyncadd.s32 $0xFFFFC000  }
0x61: {  	_ =	swait.ge [sflag:s8], $0x4000  }
0x62: {  	[sflag:s8] =	ssyncset.done $0x0  }
0x63: {  	[sflag:s8] =	ssyncadd.s32 $0xFFFFC000  }
0x64: {  	_ =	swait.ge [sflag:s8], $0x4000  }
0x65: {  	[sflag:s8] =	ssyncset.done $0x0  }
0x66: {  	[sflag:s8] =	ssyncadd.s32 $0xFFFFC000  }
0x67: {  	_ =	swait.ge [sflag:s8], $0x4000  }
0x68: {  	[sflag:s8] =	ssyncset.done $0x0  }
0x69: {  	[sflag:s8] =	ssyncadd.s32 $0xFFFFC000  }
0x6a: {  	[tilespmem:s15], [sflag:$0x1] =	stream.indirect.gather [hbm4b:s6+s9], $0x80, s29, s9, $0xb8;
	[tilespmem:$0x14800] =	vst v63  }
0x6b: {  	_ = 	snop  }
0x6c: {  	[tilespmem:s12], [sflag:$0x2] =	stream.indirect.gather [hbm4b:s7+s9], $0x80, s29, s9, $0xb8;
	[tilespmem:$0x14800] =	vst v63  }
0x6d: {  	_ = 	snop  }
0x6e: {  	[tilespmem:s11], [sflag:$0x3] =	stream.indirect.gather [hbm4b:s6+s9], $0x80, s26, s9, $0xb8;
	[tilespmem:$0x14800] =	vst v63  }
0x6f: {  	_ = 	snop  }
0x70: {  	[tilespmem:s10], [sflag:$0x4] =	stream.indirect.gather [hbm4b:s7+s9], $0x80, s26, s9, $0xb8;
	[tilespmem:$0x14800] =	vst v63  }
0x71: {  	_ =	swait.ge [sflag:s17], $0x4000  }
0x72: {  	[sflag:s17] =	ssyncset.done $0x0  }
0x73: {  	[sflag:s17] =	ssyncadd.s32 $0xFFFFC000  }
0x74: {  	[spmem:s2] =	stream.indirect.scatter.add.f32 [tilespmem:s15], [sflag:$0x5], $0x80, s25, s9, $0xb8;
	[tilespmem:$0x14800] =	vst v63  }
0x75: {  	_ =	swait.ge [sflag:s16], $0x4000  }
0x76: {  	[sflag:s16] =	ssyncset.done $0x0  }
0x77: {  	[sflag:s16] =	ssyncadd.s32 $0xFFFFC000  }
0x78: {  	[spmem:s2] =	stream.indirect.scatter.add.f32 [tilespmem:s12], [sflag:$0x5], $0x80, s25, s9, $0xb8;
	[tilespmem:$0x14800] =	vst v63  }
0x79: {  	_ =	swait.ge [sflag:s14], $0x4000  }
0x7a: {  	[sflag:s14] =	ssyncset.done $0x0  }
0x7b: {  	[sflag:s14] =	ssyncadd.s32 $0xFFFFC000  }
0x7c: {  	[spmem:s2] =	stream.indirect.scatter.add.f32 [tilespmem:s11], [sflag:$0x5], $0x80, s24, s9, $0xb8;
	[tilespmem:$0x14800] =	vst v63  }
0x7d: {  	_ =	swait.ge [sflag:s13], $0x4000  }
0x7e: {  	[sflag:s13] =	ssyncset.done $0x0  }
0x7f: {  	[sflag:s13] =	ssyncadd.s32 $0xFFFFC000  }
0x80: {  	[spmem:s2] =	stream.indirect.scatter.add.f32 [tilespmem:s10], [sflag:$0x5], $0x80, s24, s9, $0xb8;
	[tilespmem:$0x14800] =	vst v63  }
0x81: {  	_ =	swait.ge [sflag:s8], $0x4000  }
0x82: {  	[sflag:s8] =	ssyncset.done $0x0  }
0x83: {  	[sflag:s8] =	ssyncadd.s32 $0xFFFFC000  }
0x84: {  	_ =	swait.ge [sflag:s8], $0x4000  }
0x85: {  	[sflag:s8] =	ssyncset.done $0x0  }
0x86: {  	[sflag:s8] =	ssyncadd.s32 $0xFFFFC000  }
0x87: {  	_ =	swait.ge [sflag:s8], $0x4000  }
0x88: {  	[sflag:s8] =	ssyncset.done $0x0  }
0x89: {  	[sflag:s8] =	ssyncadd.s32 $0xFFFFC000  }
0x8a: {  	_ =	swait.ge [sflag:s8], $0x4000  }
0x8b: {  	[sflag:s8] =	ssyncset.done $0x0  }
0x8c: {  	[sflag:s8] =	ssyncadd.s32 $0xFFFFC000  }
0x8d: {  	[tilespmem:s15], [sflag:$0x1] =	stream.indirect.gather [hbm4b:s6+s9], $0x80, s23, s9, $0xb8;
	[tilespmem:$0x14800] =	vst v63  }
0x8e: {  	_ = 	snop  }
0x8f: {  	[tilespmem:s12], [sflag:$0x2] =	stream.indirect.gather [hbm4b:s7+s9], $0x80, s23, s9, $0xb8;
	[tilespmem:$0x14800] =	vst v63  }
0x90: {  	_ = 	snop  }
0x91: {  	[tilespmem:s11], [sflag:$0x3] =	stream.indirect.gather [hbm4b:s6+s9], $0x80, s22, s9, $0xb8;
	[tilespmem:$0x14800] =	vst v63  }
0x92: {  	_ = 	snop  }
0x93: {  	[tilespmem:s10], [sflag:$0x4] =	stream.indirect.gather [hbm4b:s7+s9], $0x80, s22, s9, $0xb8;
	[tilespmem:$0x14800] =	vst v63  }
0x94: {  	_ =	swait.ge [sflag:s17], $0x4000  }
0x95: {  	[sflag:s17] =	ssyncset.done $0x0  }
0x96: {  	[sflag:s17] =	ssyncadd.s32 $0xFFFFC000  }
0x97: {  	[spmem:s2] =	stream.indirect.scatter.add.f32 [tilespmem:s15], [sflag:$0x5], $0x80, s21, s9, $0xb8;
	[tilespmem:$0x14800] =	vst v63  }
0x98: {  	_ =	swait.ge [sflag:s16], $0x4000  }
0x99: {  	[sflag:s16] =	ssyncset.done $0x0  }
0x9a: {  	[sflag:s16] =	ssyncadd.s32 $0xFFFFC000  }
0x9b: {  	[spmem:s2] =	stream.indirect.scatter.add.f32 [tilespmem:s12], [sflag:$0x5], $0x80, s21, s9, $0xb8;
	[tilespmem:$0x14800] =	vst v63  }
0x9c: {  	_ =	swait.ge [sflag:s14], $0x4000  }
0x9d: {  	[sflag:s14] =	ssyncset.done $0x0  }
0x9e: {  	[sflag:s14] =	ssyncadd.s32 $0xFFFFC000  }
0x9f: {  	[spmem:s2] =	stream.indirect.scatter.add.f32 [tilespmem:s11], [sflag:$0x5], $0x80, s20, s9, $0xb8;
	[tilespmem:$0x14800] =	vst v63  }
0xa0: {  	_ =	swait.ge [sflag:s13], $0x4000  }
0xa1: {  	[sflag:s13] =	ssyncset.done $0x0  }
0xa2: {  	[sflag:s13] =	ssyncadd.s32 $0xFFFFC000  }
0xa3: {  	[spmem:s2] =	stream.indirect.scatter.add.f32 [tilespmem:s10], [sflag:$0x5], $0x80, s20, s9, $0xb8;
	[tilespmem:$0x14800] =	vst v63  }
0xa4: {  	_ =	swait.ge [sflag:s8], $0x4000  }
0xa5: {  	[sflag:s8] =	ssyncset.done $0x0  }
0xa6: {  	[sflag:s8] =	ssyncadd.s32 $0xFFFFC000  }
0xa7: {  	_ =	swait.ge [sflag:s8], $0x4000  }
0xa8: {  	[sflag:s8] =	ssyncset.done $0x0  }
0xa9: {  	[sflag:s8] =	ssyncadd.s32 $0xFFFFC000  }
0xaa: {  	_ =	swait.ge [sflag:s8], $0x4000  }
0xab: {  	[sflag:s8] =	ssyncset.done $0x0  }
0xac: {  	[sflag:s8] =	ssyncadd.s32 $0xFFFFC000  }
0xad: {  	_ =	swait.ge [sflag:s8], $0x4000  }
0xae: {  	[sflag:s8] =	ssyncset.done $0x0  }
0xaf: {  	p1 =	sne.s32 s18, $0x1;
	[sflag:s8] =	ssyncadd.s32 $0xFFFFC000  }
.Ltmp1:
0xb0: {  	[bflag:$0x0] =	sbarrier.arrive $0xFFFF;
	(pc) =	sbr.rel @!p1 .LBB2_3-.Ltmp1, $4  }
0xb1: {  	s19 =	rddreg [dreg:$0x6]  }
0xb2: {  	[hbm:s19], [sflag:s3] =	dma.local [spmem:s5], $0x800  }
0xb3: {  	s18 =	sadd.s32 $0xFFFFFFFF, s18;
	_ =	swait.ge [sflag:s4], $0x800  }
0xb4: {  	p0 =	por $0x1, $0x1;
	s19 =	rddreg [dreg:$0x3];
	[sflag:s4] =	ssyncset.done $0x0  }
.LBB2_2:
0xb5: {  	[sflag:s4] =	ssyncadd.s32 $0xFFFFF800  }
0xb6: {  	[spmem:s5], [sflag:s3] =	dma.local [hbm:s19], $0x800  }
0xb7: {  	_ =	swait.ge [sflag:s4], $0x800  }
0xb8: {  	[sflag:s4] =	ssyncset.done $0x0  }
0xb9: {  	s19 =	rddreg [dreg:$0x4];
	[sflag:s4] =	ssyncadd.s32 $0xFFFFF800  }
0xba: {  	[tilespmem:s28], [sflag:$0x6] =	stream.linear.gather [hbm4b:s19+s28], $0x400, $0x38;
	[tilespmem:$0x14800] =	vst v63  }
0xbb: {  	_ =	swait.ge [sflag:s4], $0x400  }
0xbc: {  	[sflag:s4] =	ssyncset.done $0x0  }
0xbd: {  	s19 =	rddreg [dreg:$0x5];
	[sflag:s4] =	ssyncadd.s32 $0xFFFFFC00  }
0xbe: {  	[tilespmem:s0], [sflag:$0x6] =	stream.linear.gather [hbm4b:s19+s28], $0x400, $0x38;
	[tilespmem:$0x14800] =	vst v63  }
0xbf: {  	_ =	swait.ge [sflag:s4], $0x400  }
0xc0: {  	[sflag:s4] =	ssyncset.done $0x0  }
0xc1: {  	[sflag:s4] =	ssyncadd.s32 $0xFFFFFC00  }
0xc2: {  	[bflag:$0x0] =	sbarrier.arrive $0xFFFF  }
0xc3: {  	[tilespmem:s15], [sflag:$0x1] =	stream.indirect.gather [hbm4b:s6+s9], $0x80, s28, s9, $0xb8;
	[tilespmem:$0x14800] =	vst v63  }
0xc4: {  	_ = 	snop  }
0xc5: {  	[tilespmem:s12], [sflag:$0x2] =	stream.indirect.gather [hbm4b:s7+s9], $0x80, s28, s9, $0xb8;
	[tilespmem:$0x14800] =	vst v63  }
0xc6: {  	_ = 	snop  }
0xc7: {  	[tilespmem:s11], [sflag:$0x3] =	stream.indirect.gather [hbm4b:s6+s9], $0x80, s9, s9, $0xb8;
	[tilespmem:$0x14800] =	vst v63  }
0xc8: {  	_ = 	snop  }
0xc9: {  	[tilespmem:s10], [sflag:$0x4] =	stream.indirect.gather [hbm4b:s7+s9], $0x80, s9, s9, $0xb8;
	[tilespmem:$0x14800] =	vst v63  }
0xca: {  	_ =	swait.ge [sflag:s17], $0x4000  }
0xcb: {  	[sflag:s17] =	ssyncset.done $0x0  }
0xcc: {  	[sflag:s17] =	ssyncadd.s32 $0xFFFFC000  }
0xcd: {  	[spmem:s2] =	stream.indirect.scatter.add.f32 [tilespmem:s15], [sflag:$0x5], $0x80, s0, s9, $0xb8;
	[tilespmem:$0x14800] =	vst v63  }
0xce: {  	_ =	swait.ge [sflag:s16], $0x4000  }
0xcf: {  	[sflag:s16] =	ssyncset.done $0x0  }
0xd0: {  	[sflag:s16] =	ssyncadd.s32 $0xFFFFC000  }
0xd1: {  	[spmem:s2] =	stream.indirect.scatter.add.f32 [tilespmem:s12], [sflag:$0x5], $0x80, s0, s9, $0xb8;
	[tilespmem:$0x14800] =	vst v63  }
0xd2: {  	_ =	swait.ge [sflag:s14], $0x4000  }
0xd3: {  	[sflag:s14] =	ssyncset.done $0x0  }
0xd4: {  	s19 =	simm.s32 $0x480;
	[sflag:s14] =	ssyncadd.s32 $0xFFFFC000  }
0xd5: {  	[spmem:s2] =	stream.indirect.scatter.add.f32 [tilespmem:s11], [sflag:$0x5], $0x80, s19, s9, $0xb8;
	[tilespmem:$0x14800] =	vst v63  }
0xd6: {  	_ =	swait.ge [sflag:s13], $0x4000  }
0xd7: {  	[sflag:s13] =	ssyncset.done $0x0  }
0xd8: {  	[sflag:s13] =	ssyncadd.s32 $0xFFFFC000  }
0xd9: {  	[spmem:s2] =	stream.indirect.scatter.add.f32 [tilespmem:s10], [sflag:$0x5], $0x80, s19, s9, $0xb8;
	[tilespmem:$0x14800] =	vst v63  }
0xda: {  	_ =	swait.ge [sflag:s8], $0x4000  }
0xdb: {  	[sflag:s8] =	ssyncset.done $0x0  }
0xdc: {  	[sflag:s8] =	ssyncadd.s32 $0xFFFFC000  }
0xdd: {  	_ =	swait.ge [sflag:s8], $0x4000  }
0xde: {  	[sflag:s8] =	ssyncset.done $0x0  }
0xdf: {  	[sflag:s8] =	ssyncadd.s32 $0xFFFFC000  }
0xe0: {  	_ =	swait.ge [sflag:s8], $0x4000  }
0xe1: {  	[sflag:s8] =	ssyncset.done $0x0  }
0xe2: {  	[sflag:s8] =	ssyncadd.s32 $0xFFFFC000  }
0xe3: {  	_ =	swait.ge [sflag:s8], $0x4000  }
0xe4: {  	[sflag:s8] =	ssyncset.done $0x0  }
0xe5: {  	s19 =	simm.s32 $0x100;
	[sflag:s8] =	ssyncadd.s32 $0xFFFFC000  }
0xe6: {  	[tilespmem:s15], [sflag:$0x1] =	stream.indirect.gather [hbm4b:s6+s9], $0x80, s19, s9, $0xb8;
	[tilespmem:$0x14800] =	vst v63  }
0xe7: {  	_ = 	snop  }
0xe8: {  	[tilespmem:s12], [sflag:$0x2] =	stream.indirect.gather [hbm4b:s7+s9], $0x80, s19, s9, $0xb8;
	[tilespmem:$0x14800] =	vst v63  }
0xe9: {  	_ = 	snop  }
0xea: {  	[tilespmem:s11], [sflag:$0x3] =	stream.indirect.gather [hbm4b:s6+s9], $0x80, s1, s9, $0xb8;
	[tilespmem:$0x14800] =	vst v63  }
0xeb: {  	_ = 	snop  }
0xec: {  	[tilespmem:s10], [sflag:$0x4] =	stream.indirect.gather [hbm4b:s7+s9], $0x80, s1, s9, $0xb8;
	[tilespmem:$0x14800] =	vst v63  }
0xed: {  	_ =	swait.ge [sflag:s17], $0x4000  }
0xee: {  	[sflag:s17] =	ssyncset.done $0x0  }
0xef: {  	[sflag:s17] =	ssyncadd.s32 $0xFFFFC000  }
0xf0: {  	[spmem:s2] =	stream.indirect.scatter.add.f32 [tilespmem:s15], [sflag:$0x5], $0x80, s31, s9, $0xb8;
	[tilespmem:$0x14800] =	vst v63  }
0xf1: {  	_ =	swait.ge [sflag:s16], $0x4000  }
0xf2: {  	[sflag:s16] =	ssyncset.done $0x0  }
0xf3: {  	[sflag:s16] =	ssyncadd.s32 $0xFFFFC000  }
0xf4: {  	[spmem:s2] =	stream.indirect.scatter.add.f32 [tilespmem:s12], [sflag:$0x5], $0x80, s31, s9, $0xb8;
	[tilespmem:$0x14800] =	vst v63  }
0xf5: {  	_ =	swait.ge [sflag:s14], $0x4000  }
0xf6: {  	[sflag:s14] =	ssyncset.done $0x0  }
0xf7: {  	[sflag:s14] =	ssyncadd.s32 $0xFFFFC000  }
0xf8: {  	[spmem:s2] =	stream.indirect.scatter.add.f32 [tilespmem:s11], [sflag:$0x5], $0x80, s30, s9, $0xb8;
	[tilespmem:$0x14800] =	vst v63  }
0xf9: {  	_ =	swait.ge [sflag:s13], $0x4000  }
0xfa: {  	[sflag:s13] =	ssyncset.done $0x0  }
0xfb: {  	[sflag:s13] =	ssyncadd.s32 $0xFFFFC000  }
0xfc: {  	[spmem:s2] =	stream.indirect.scatter.add.f32 [tilespmem:s10], [sflag:$0x5], $0x80, s30, s9, $0xb8;
	[tilespmem:$0x14800] =	vst v63  }
0xfd: {  	_ =	swait.ge [sflag:s8], $0x4000  }
0xfe: {  	[sflag:s8] =	ssyncset.done $0x0  }
0xff: {  	[sflag:s8] =	ssyncadd.s32 $0xFFFFC000  }
0x100: {  	_ =	swait.ge [sflag:s8], $0x4000  }
0x101: {  	[sflag:s8] =	ssyncset.done $0x0  }
0x102: {  	[sflag:s8] =	ssyncadd.s32 $0xFFFFC000  }
0x103: {  	_ =	swait.ge [sflag:s8], $0x4000  }
0x104: {  	[sflag:s8] =	ssyncset.done $0x0  }
0x105: {  	[sflag:s8] =	ssyncadd.s32 $0xFFFFC000  }
0x106: {  	_ =	swait.ge [sflag:s8], $0x4000  }
0x107: {  	[sflag:s8] =	ssyncset.done $0x0  }
0x108: {  	[sflag:s8] =	ssyncadd.s32 $0xFFFFC000  }
0x109: {  	[tilespmem:s15], [sflag:$0x1] =	stream.indirect.gather [hbm4b:s6+s9], $0x80, s29, s9, $0xb8;
	[tilespmem:$0x14800] =	vst v63  }
0x10a: {  	_ = 	snop  }
0x10b: {  	[tilespmem:s12], [sflag:$0x2] =	stream.indirect.gather [hbm4b:s7+s9], $0x80, s29, s9, $0xb8;
	[tilespmem:$0x14800] =	vst v63  }
0x10c: {  	_ = 	snop  }
0x10d: {  	[tilespmem:s11], [sflag:$0x3] =	stream.indirect.gather [hbm4b:s6+s9], $0x80, s26, s9, $0xb8;
	[tilespmem:$0x14800] =	vst v63  }
0x10e: {  	_ = 	snop  }
0x10f: {  	[tilespmem:s10], [sflag:$0x4] =	stream.indirect.gather [hbm4b:s7+s9], $0x80, s26, s9, $0xb8;
	[tilespmem:$0x14800] =	vst v63  }
0x110: {  	_ =	swait.ge [sflag:s17], $0x4000  }
0x111: {  	[sflag:s17] =	ssyncset.done $0x0  }
0x112: {  	[sflag:s17] =	ssyncadd.s32 $0xFFFFC000  }
0x113: {  	[spmem:s2] =	stream.indirect.scatter.add.f32 [tilespmem:s15], [sflag:$0x5], $0x80, s25, s9, $0xb8;
	[tilespmem:$0x14800] =	vst v63  }
0x114: {  	_ =	swait.ge [sflag:s16], $0x4000  }
0x115: {  	[sflag:s16] =	ssyncset.done $0x0  }
0x116: {  	[sflag:s16] =	ssyncadd.s32 $0xFFFFC000  }
0x117: {  	[spmem:s2] =	stream.indirect.scatter.add.f32 [tilespmem:s12], [sflag:$0x5], $0x80, s25, s9, $0xb8;
	[tilespmem:$0x14800] =	vst v63  }
0x118: {  	_ =	swait.ge [sflag:s14], $0x4000  }
0x119: {  	[sflag:s14] =	ssyncset.done $0x0  }
0x11a: {  	[sflag:s14] =	ssyncadd.s32 $0xFFFFC000  }
0x11b: {  	[spmem:s2] =	stream.indirect.scatter.add.f32 [tilespmem:s11], [sflag:$0x5], $0x80, s24, s9, $0xb8;
	[tilespmem:$0x14800] =	vst v63  }
0x11c: {  	_ =	swait.ge [sflag:s13], $0x4000  }
0x11d: {  	[sflag:s13] =	ssyncset.done $0x0  }
0x11e: {  	[sflag:s13] =	ssyncadd.s32 $0xFFFFC000  }
0x11f: {  	[spmem:s2] =	stream.indirect.scatter.add.f32 [tilespmem:s10], [sflag:$0x5], $0x80, s24, s9, $0xb8;
	[tilespmem:$0x14800] =	vst v63  }
0x120: {  	_ =	swait.ge [sflag:s8], $0x4000  }
0x121: {  	[sflag:s8] =	ssyncset.done $0x0  }
0x122: {  	[sflag:s8] =	ssyncadd.s32 $0xFFFFC000  }
0x123: {  	_ =	swait.ge [sflag:s8], $0x4000  }
0x124: {  	[sflag:s8] =	ssyncset.done $0x0  }
0x125: {  	[sflag:s8] =	ssyncadd.s32 $0xFFFFC000  }
0x126: {  	_ =	swait.ge [sflag:s8], $0x4000  }
0x127: {  	[sflag:s8] =	ssyncset.done $0x0  }
0x128: {  	[sflag:s8] =	ssyncadd.s32 $0xFFFFC000  }
0x129: {  	_ =	swait.ge [sflag:s8], $0x4000  }
0x12a: {  	[sflag:s8] =	ssyncset.done $0x0  }
0x12b: {  	[sflag:s8] =	ssyncadd.s32 $0xFFFFC000  }
0x12c: {  	[tilespmem:s15], [sflag:$0x1] =	stream.indirect.gather [hbm4b:s6+s9], $0x80, s23, s9, $0xb8;
	[tilespmem:$0x14800] =	vst v63  }
0x12d: {  	_ = 	snop  }
0x12e: {  	[tilespmem:s12], [sflag:$0x2] =	stream.indirect.gather [hbm4b:s7+s9], $0x80, s23, s9, $0xb8;
	[tilespmem:$0x14800] =	vst v63  }
0x12f: {  	_ = 	snop  }
0x130: {  	[tilespmem:s11], [sflag:$0x3] =	stream.indirect.gather [hbm4b:s6+s9], $0x80, s22, s9, $0xb8;
	[tilespmem:$0x14800] =	vst v63  }
0x131: {  	_ = 	snop  }
0x132: {  	[tilespmem:s10], [sflag:$0x4] =	stream.indirect.gather [hbm4b:s7+s9], $0x80, s22, s9, $0xb8;
	[tilespmem:$0x14800] =	vst v63  }
0x133: {  	_ =	swait.ge [sflag:s17], $0x4000  }
0x134: {  	[sflag:s17] =	ssyncset.done $0x0  }
0x135: {  	[sflag:s17] =	ssyncadd.s32 $0xFFFFC000  }
0x136: {  	[spmem:s2] =	stream.indirect.scatter.add.f32 [tilespmem:s15], [sflag:$0x5], $0x80, s21, s9, $0xb8;
	[tilespmem:$0x14800] =	vst v63  }
0x137: {  	_ =	swait.ge [sflag:s16], $0x4000  }
0x138: {  	[sflag:s16] =	ssyncset.done $0x0  }
0x139: {  	[sflag:s16] =	ssyncadd.s32 $0xFFFFC000  }
0x13a: {  	[spmem:s2] =	stream.indirect.scatter.add.f32 [tilespmem:s12], [sflag:$0x5], $0x80, s21, s9, $0xb8;
	[tilespmem:$0x14800] =	vst v63  }
0x13b: {  	_ =	swait.ge [sflag:s14], $0x4000  }
0x13c: {  	[sflag:s14] =	ssyncset.done $0x0  }
0x13d: {  	[sflag:s14] =	ssyncadd.s32 $0xFFFFC000  }
0x13e: {  	[spmem:s2] =	stream.indirect.scatter.add.f32 [tilespmem:s11], [sflag:$0x5], $0x80, s20, s9, $0xb8;
	[tilespmem:$0x14800] =	vst v63  }
0x13f: {  	_ =	swait.ge [sflag:s13], $0x4000  }
0x140: {  	[sflag:s13] =	ssyncset.done $0x0  }
0x141: {  	[sflag:s13] =	ssyncadd.s32 $0xFFFFC000  }
0x142: {  	[spmem:s2] =	stream.indirect.scatter.add.f32 [tilespmem:s10], [sflag:$0x5], $0x80, s20, s9, $0xb8;
	[tilespmem:$0x14800] =	vst v63  }
0x143: {  	_ =	swait.ge [sflag:s8], $0x4000  }
0x144: {  	[sflag:s8] =	ssyncset.done $0x0  }
0x145: {  	[sflag:s8] =	ssyncadd.s32 $0xFFFFC000  }
0x146: {  	_ =	swait.ge [sflag:s8], $0x4000  }
0x147: {  	[sflag:s8] =	ssyncset.done $0x0  }
0x148: {  	[sflag:s8] =	ssyncadd.s32 $0xFFFFC000  }
0x149: {  	_ =	swait.ge [sflag:s8], $0x4000  }
0x14a: {  	[sflag:s8] =	ssyncset.done $0x0  }
0x14b: {  	[sflag:s8] =	ssyncadd.s32 $0xFFFFC000  }
0x14c: {  	_ =	swait.ge [sflag:s8], $0x4000  }
0x14d: {  	[sflag:s8] =	ssyncset.done $0x0  }
0x14e: {  	p1 =	sne.s32 s18, $0x1;
	[sflag:s8] =	ssyncadd.s32 $0xFFFFC000  }
.Ltmp2:
0x14f: {  	[bflag:$0x0] =	sbarrier.arrive $0xFFFF;
	(pc) =	sbr.rel @p1 .LBB2_2-.Ltmp2, $4  }
0x150: {  	s19 =	rddreg [dreg:$0x6]  }
0x151: {  	[hbm:s19], [sflag:s3] =	dma.local [spmem:s5], $0x800  }
0x152: {  	_ =	swait.ge [sflag:s4], $0x800  }
0x153: {  	s18 =	sadd.s32 $0xFFFFFFFF, s18;
	s19 =	rddreg [dreg:$0x3];
	[sflag:s4] =	ssyncset.done $0x0  }
.LBB2_3:
0x154: {  	[sflag:s4] =	ssyncadd.s32 @p0 $0xFFFFF800  }
0x155: {  	[spmem:s5], [sflag:s3] =	dma.local [hbm:s19], $0x800  }
0x156: {  	_ =	swait.ge [sflag:s4], $0x800  }
0x157: {  	[sflag:s4] =	ssyncset.done $0x0  }
0x158: {  	s18 =	rddreg [dreg:$0x4];
	[sflag:s4] =	ssyncadd.s32 $0xFFFFF800  }
0x159: {  	[tilespmem:s28], [sflag:$0x6] =	stream.linear.gather [hbm4b:s18+s28], $0x400, $0x38;
	[tilespmem:$0x14800] =	vst v63  }
0x15a: {  	_ =	swait.ge [sflag:s4], $0x400  }
0x15b: {  	[sflag:s4] =	ssyncset.done $0x0  }
0x15c: {  	s30 =	rddreg [dreg:$0x5];
	[sflag:s4] =	ssyncadd.s32 $0xFFFFFC00  }
0x15d: {  	[tilespmem:s0], [sflag:$0x6] =	stream.linear.gather [hbm4b:s30+s28], $0x400, $0x38;
	[tilespmem:$0x14800] =	vst v63  }
0x15e: {  	_ =	swait.ge [sflag:s4], $0x400  }
0x15f: {  	[sflag:s4] =	ssyncset.done $0x0  }
0x160: {  	[sflag:s4] =	ssyncadd.s32 $0xFFFFFC00  }
0x161: {  	[bflag:$0x0] =	sbarrier.arrive $0xFFFF  }
0x162: {  	[tilespmem:s15], [sflag:$0x1] =	stream.indirect.gather [hbm4b:s6+s9], $0x80, s28, s9, $0xb8;
	[tilespmem:$0x14800] =	vst v63  }
0x163: {  	_ = 	snop  }
0x164: {  	[tilespmem:s12], [sflag:$0x2] =	stream.indirect.gather [hbm4b:s7+s9], $0x80, s28, s9, $0xb8;
	[tilespmem:$0x14800] =	vst v63  }
0x165: {  	_ = 	snop  }
0x166: {  	[tilespmem:s11], [sflag:$0x3] =	stream.indirect.gather [hbm4b:s6+s9], $0x80, s9, s9, $0xb8;
	[tilespmem:$0x14800] =	vst v63  }
0x167: {  	_ = 	snop  }
0x168: {  	[tilespmem:s10], [sflag:$0x4] =	stream.indirect.gather [hbm4b:s7+s9], $0x80, s9, s9, $0xb8;
	[tilespmem:$0x14800] =	vst v63  }
0x169: {  	_ =	swait.ge [sflag:s17], $0x4000  }
0x16a: {  	[sflag:s17] =	ssyncset.done $0x0  }
0x16b: {  	[sflag:s17] =	ssyncadd.s32 $0xFFFFC000  }
0x16c: {  	[spmem:s2] =	stream.indirect.scatter.add.f32 [tilespmem:s15], [sflag:$0x5], $0x80, s0, s9, $0xb8;
	[tilespmem:$0x14800] =	vst v63  }
0x16d: {  	_ =	swait.ge [sflag:s16], $0x4000  }
0x16e: {  	[sflag:s16] =	ssyncset.done $0x0  }
0x16f: {  	[sflag:s16] =	ssyncadd.s32 $0xFFFFC000  }
0x170: {  	[spmem:s2] =	stream.indirect.scatter.add.f32 [tilespmem:s12], [sflag:$0x5], $0x80, s0, s9, $0xb8;
	[tilespmem:$0x14800] =	vst v63  }
0x171: {  	_ =	swait.ge [sflag:s14], $0x4000  }
0x172: {  	[sflag:s14] =	ssyncset.done $0x0  }
0x173: {  	s31 =	simm.s32 $0x480;
	[sflag:s14] =	ssyncadd.s32 $0xFFFFC000  }
0x174: {  	[spmem:s2] =	stream.indirect.scatter.add.f32 [tilespmem:s11], [sflag:$0x5], $0x80, s31, s9, $0xb8;
	[tilespmem:$0x14800] =	vst v63  }
0x175: {  	_ =	swait.ge [sflag:s13], $0x4000  }
0x176: {  	[sflag:s13] =	ssyncset.done $0x0  }
0x177: {  	[sflag:s13] =	ssyncadd.s32 $0xFFFFC000  }
0x178: {  	[spmem:s2] =	stream.indirect.scatter.add.f32 [tilespmem:s10], [sflag:$0x5], $0x80, s31, s9, $0xb8;
	[tilespmem:$0x14800] =	vst v63  }
0x179: {  	_ =	swait.ge [sflag:s8], $0x4000  }
0x17a: {  	[sflag:s8] =	ssyncset.done $0x0  }
0x17b: {  	[sflag:s8] =	ssyncadd.s32 $0xFFFFC000  }
0x17c: {  	_ =	swait.ge [sflag:s8], $0x4000  }
0x17d: {  	[sflag:s8] =	ssyncset.done $0x0  }
0x17e: {  	[sflag:s8] =	ssyncadd.s32 $0xFFFFC000  }
0x17f: {  	_ =	swait.ge [sflag:s8], $0x4000  }
0x180: {  	[sflag:s8] =	ssyncset.done $0x0  }
0x181: {  	[sflag:s8] =	ssyncadd.s32 $0xFFFFC000  }
0x182: {  	_ =	swait.ge [sflag:s8], $0x4000  }
0x183: {  	[sflag:s8] =	ssyncset.done $0x0  }
0x184: {  	s1 =	simm.s32 $0x100;
	[sflag:s8] =	ssyncadd.s32 $0xFFFFC000  }
0x185: {  	[tilespmem:s15], [sflag:$0x1] =	stream.indirect.gather [hbm4b:s6+s9], $0x80, s1, s9, $0xb8;
	[tilespmem:$0x14800] =	vst v63  }
0x186: {  	_ = 	snop  }
0x187: {  	[tilespmem:s12], [sflag:$0x2] =	stream.indirect.gather [hbm4b:s7+s9], $0x80, s1, s9, $0xb8;
	[tilespmem:$0x14800] =	vst v63  }
0x188: {  	s18 =	simm.s32 $0x180  }
0x189: {  	[tilespmem:s11], [sflag:$0x3] =	stream.indirect.gather [hbm4b:s6+s9], $0x80, s18, s9, $0xb8;
	[tilespmem:$0x14800] =	vst v63  }
0x18a: {  	_ = 	snop  }
0x18b: {  	[tilespmem:s10], [sflag:$0x4] =	stream.indirect.gather [hbm4b:s7+s9], $0x80, s18, s9, $0xb8;
	[tilespmem:$0x14800] =	vst v63  }
0x18c: {  	_ =	swait.ge [sflag:s17], $0x4000  }
0x18d: {  	[sflag:s17] =	ssyncset.done $0x0  }
0x18e: {  	s19 =	simm.s32 $0x500;
	[sflag:s17] =	ssyncadd.s32 $0xFFFFC000  }
0x18f: {  	[spmem:s2] =	stream.indirect.scatter.add.f32 [tilespmem:s15], [sflag:$0x5], $0x80, s19, s9, $0xb8;
	[tilespmem:$0x14800] =	vst v63  }
0x190: {  	_ =	swait.ge [sflag:s16], $0x4000  }
0x191: {  	[sflag:s16] =	ssyncset.done $0x0  }
0x192: {  	[sflag:s16] =	ssyncadd.s32 $0xFFFFC000  }
0x193: {  	[spmem:s2] =	stream.indirect.scatter.add.f32 [tilespmem:s12], [sflag:$0x5], $0x80, s19, s9, $0xb8;
	[tilespmem:$0x14800] =	vst v63  }
0x194: {  	_ =	swait.ge [sflag:s14], $0x4000  }
0x195: {  	[sflag:s14] =	ssyncset.done $0x0  }
0x196: {  	s20 =	simm.s32 $0x580;
	[sflag:s14] =	ssyncadd.s32 $0xFFFFC000  }
0x197: {  	[spmem:s2] =	stream.indirect.scatter.add.f32 [tilespmem:s11], [sflag:$0x5], $0x80, s20, s9, $0xb8;
	[tilespmem:$0x14800] =	vst v63  }
0x198: {  	_ =	swait.ge [sflag:s13], $0x4000  }
0x199: {  	[sflag:s13] =	ssyncset.done $0x0  }
0x19a: {  	[sflag:s13] =	ssyncadd.s32 $0xFFFFC000  }
0x19b: {  	[spmem:s2] =	stream.indirect.scatter.add.f32 [tilespmem:s10], [sflag:$0x5], $0x80, s20, s9, $0xb8;
	[tilespmem:$0x14800] =	vst v63  }
0x19c: {  	_ =	swait.ge [sflag:s8], $0x4000  }
0x19d: {  	[sflag:s8] =	ssyncset.done $0x0  }
0x19e: {  	[sflag:s8] =	ssyncadd.s32 $0xFFFFC000  }
0x19f: {  	_ =	swait.ge [sflag:s8], $0x4000  }
0x1a0: {  	[sflag:s8] =	ssyncset.done $0x0  }
0x1a1: {  	[sflag:s8] =	ssyncadd.s32 $0xFFFFC000  }
0x1a2: {  	_ =	swait.ge [sflag:s8], $0x4000  }
0x1a3: {  	[sflag:s8] =	ssyncset.done $0x0  }
0x1a4: {  	[sflag:s8] =	ssyncadd.s32 $0xFFFFC000  }
0x1a5: {  	_ =	swait.ge [sflag:s8], $0x4000  }
0x1a6: {  	[sflag:s8] =	ssyncset.done $0x0  }
0x1a7: {  	s21 =	simm.s32 $0x200;
	[sflag:s8] =	ssyncadd.s32 $0xFFFFC000  }
0x1a8: {  	[tilespmem:s15], [sflag:$0x1] =	stream.indirect.gather [hbm4b:s6+s9], $0x80, s21, s9, $0xb8;
	[tilespmem:$0x14800] =	vst v63  }
0x1a9: {  	_ = 	snop  }
0x1aa: {  	[tilespmem:s12], [sflag:$0x2] =	stream.indirect.gather [hbm4b:s7+s9], $0x80, s21, s9, $0xb8;
	[tilespmem:$0x14800] =	vst v63  }
0x1ab: {  	s22 =	simm.s32 $0x280  }
0x1ac: {  	[tilespmem:s11], [sflag:$0x3] =	stream.indirect.gather [hbm4b:s6+s9], $0x80, s22, s9, $0xb8;
	[tilespmem:$0x14800] =	vst v63  }
0x1ad: {  	_ = 	snop  }
0x1ae: {  	[tilespmem:s10], [sflag:$0x4] =	stream.indirect.gather [hbm4b:s7+s9], $0x80, s22, s9, $0xb8;
	[tilespmem:$0x14800] =	vst v63  }
0x1af: {  	_ =	swait.ge [sflag:s17], $0x4000  }
0x1b0: {  	[sflag:s17] =	ssyncset.done $0x0  }
0x1b1: {  	s23 =	simm.s32 $0x600;
	[sflag:s17] =	ssyncadd.s32 $0xFFFFC000  }
0x1b2: {  	[spmem:s2] =	stream.indirect.scatter.add.f32 [tilespmem:s15], [sflag:$0x5], $0x80, s23, s9, $0xb8;
	[tilespmem:$0x14800] =	vst v63  }
0x1b3: {  	_ =	swait.ge [sflag:s16], $0x4000  }
0x1b4: {  	[sflag:s16] =	ssyncset.done $0x0  }
0x1b5: {  	[sflag:s16] =	ssyncadd.s32 $0xFFFFC000  }
0x1b6: {  	[spmem:s2] =	stream.indirect.scatter.add.f32 [tilespmem:s12], [sflag:$0x5], $0x80, s23, s9, $0xb8;
	[tilespmem:$0x14800] =	vst v63  }
0x1b7: {  	_ =	swait.ge [sflag:s14], $0x4000  }
0x1b8: {  	[sflag:s14] =	ssyncset.done $0x0  }
0x1b9: {  	s24 =	simm.s32 $0x680;
	[sflag:s14] =	ssyncadd.s32 $0xFFFFC000  }
0x1ba: {  	[spmem:s2] =	stream.indirect.scatter.add.f32 [tilespmem:s11], [sflag:$0x5], $0x80, s24, s9, $0xb8;
	[tilespmem:$0x14800] =	vst v63  }
0x1bb: {  	_ =	swait.ge [sflag:s13], $0x4000  }
0x1bc: {  	[sflag:s13] =	ssyncset.done $0x0  }
0x1bd: {  	[sflag:s13] =	ssyncadd.s32 $0xFFFFC000  }
0x1be: {  	[spmem:s2] =	stream.indirect.scatter.add.f32 [tilespmem:s10], [sflag:$0x5], $0x80, s24, s9, $0xb8;
	[tilespmem:$0x14800] =	vst v63  }
0x1bf: {  	_ =	swait.ge [sflag:s8], $0x4000  }
0x1c0: {  	[sflag:s8] =	ssyncset.done $0x0  }
0x1c1: {  	[sflag:s8] =	ssyncadd.s32 $0xFFFFC000  }
0x1c2: {  	_ =	swait.ge [sflag:s8], $0x4000  }
0x1c3: {  	[sflag:s8] =	ssyncset.done $0x0  }
0x1c4: {  	[sflag:s8] =	ssyncadd.s32 $0xFFFFC000  }
0x1c5: {  	_ =	swait.ge [sflag:s8], $0x4000  }
0x1c6: {  	[sflag:s8] =	ssyncset.done $0x0  }
0x1c7: {  	[sflag:s8] =	ssyncadd.s32 $0xFFFFC000  }
0x1c8: {  	_ =	swait.ge [sflag:s8], $0x4000  }
0x1c9: {  	[sflag:s8] =	ssyncset.done $0x0  }
0x1ca: {  	s25 =	simm.s32 $0x300;
	[sflag:s8] =	ssyncadd.s32 $0xFFFFC000  }
0x1cb: {  	[tilespmem:s15], [sflag:$0x1] =	stream.indirect.gather [hbm4b:s6+s9], $0x80, s25, s9, $0xb8;
	[tilespmem:$0x14800] =	vst v63  }
0x1cc: {  	_ = 	snop  }
0x1cd: {  	[tilespmem:s12], [sflag:$0x2] =	stream.indirect.gather [hbm4b:s7+s9], $0x80, s25, s9, $0xb8;
	[tilespmem:$0x14800] =	vst v63  }
0x1ce: {  	s26 =	simm.s32 $0x380  }
0x1cf: {  	[tilespmem:s11], [sflag:$0x3] =	stream.indirect.gather [hbm4b:s6+s9], $0x80, s26, s9, $0xb8;
	[tilespmem:$0x14800] =	vst v63  }
0x1d0: {  	_ = 	snop  }
0x1d1: {  	[tilespmem:s10], [sflag:$0x4] =	stream.indirect.gather [hbm4b:s7+s9], $0x80, s26, s9, $0xb8;
	[tilespmem:$0x14800] =	vst v63  }
0x1d2: {  	_ =	swait.ge [sflag:s17], $0x4000  }
0x1d3: {  	[sflag:s17] =	ssyncset.done $0x0  }
0x1d4: {  	s28 =	simm.s32 $0x700;
	[sflag:s17] =	ssyncadd.s32 $0xFFFFC000  }
0x1d5: {  	[spmem:s2] =	stream.indirect.scatter.add.f32 [tilespmem:s15], [sflag:$0x5], $0x80, s28, s9, $0xb8;
	[tilespmem:$0x14800] =	vst v63  }
0x1d6: {  	_ =	swait.ge [sflag:s16], $0x4000  }
0x1d7: {  	[sflag:s16] =	ssyncset.done $0x0  }
0x1d8: {  	[sflag:s16] =	ssyncadd.s32 $0xFFFFC000  }
0x1d9: {  	[spmem:s2] =	stream.indirect.scatter.add.f32 [tilespmem:s12], [sflag:$0x5], $0x80, s28, s9, $0xb8;
	[tilespmem:$0x14800] =	vst v63  }
0x1da: {  	_ =	swait.ge [sflag:s14], $0x4000  }
0x1db: {  	[sflag:s14] =	ssyncset.done $0x0  }
0x1dc: {  	s29 =	simm.s32 $0x780;
	[sflag:s14] =	ssyncadd.s32 $0xFFFFC000  }
0x1dd: {  	[spmem:s2] =	stream.indirect.scatter.add.f32 [tilespmem:s11], [sflag:$0x5], $0x80, s29, s9, $0xb8;
	[tilespmem:$0x14800] =	vst v63  }
0x1de: {  	_ =	swait.ge [sflag:s13], $0x4000  }
0x1df: {  	[sflag:s13] =	ssyncset.done $0x0  }
0x1e0: {  	[sflag:s13] =	ssyncadd.s32 $0xFFFFC000  }
0x1e1: {  	[spmem:s2] =	stream.indirect.scatter.add.f32 [tilespmem:s10], [sflag:$0x5], $0x80, s29, s9, $0xb8;
	[tilespmem:$0x14800] =	vst v63  }
0x1e2: {  	_ =	swait.ge [sflag:s8], $0x4000  }
0x1e3: {  	[sflag:s8] =	ssyncset.done $0x0  }
0x1e4: {  	[sflag:s8] =	ssyncadd.s32 $0xFFFFC000  }
0x1e5: {  	_ =	swait.ge [sflag:s8], $0x4000  }
0x1e6: {  	[sflag:s8] =	ssyncset.done $0x0  }
0x1e7: {  	[sflag:s8] =	ssyncadd.s32 $0xFFFFC000  }
0x1e8: {  	_ =	swait.ge [sflag:s8], $0x4000  }
0x1e9: {  	[sflag:s8] =	ssyncset.done $0x0  }
0x1ea: {  	[sflag:s8] =	ssyncadd.s32 $0xFFFFC000  }
0x1eb: {  	_ =	swait.ge [sflag:s8], $0x4000  }
0x1ec: {  	[sflag:s8] =	ssyncset.done $0x0  }
0x1ed: {  	[sflag:s8] =	ssyncadd.s32 $0xFFFFC000  }
0x1ee: {  	[bflag:$0x0] =	sbarrier.arrive $0xFFFF  }
0x1ef: {  	s30 =	rddreg [dreg:$0x6]  }
0x1f0: {  	[hbm:s30], [sflag:s3] =	dma.local [spmem:s5], $0x800  }
0x1f1: {  	_ =	swait.ge [sflag:s4], $0x800  }
0x1f2: {  	[sflag:s4] =	ssyncset.done $0x0  }
0x1f3: {  	[sflag:s4] =	ssyncadd.s32 $0xFFFFF800  }
0x1f4: {  	_ =	sfence.sel $0x180000  }
0x1f5: {  	[bflag:$0x0] =	sbarrier.arrive $0xFFFF  }
0x1f6: {  	_ =	strace $0x9000004A  }
0x1f7: {  	s31 =	stileid.u32;
	[bflag:$0x2] =	sbarrier.arrive $0xFFFF  }
0x1f8: {  	p0 =	sne.s32 s31, $0x0;
	s0 =	rddreg [dreg:$0x2]  }
0x1f9: {  	s0 =	sadd.s32 @!p0 $0x100000, s0  }
0x1fa: {  	[sflag:s0] =	ssyncadd.tile.s32 @!p0 $0x1;
	_ =	shalt  }
.Lfunc_end2:
_tile_overlayer_lowered:
.L_overlay_start_2:
0x1fb: {  	(tag) =	ssettag $0x2  }
0x1fc: {  	s0 =	rddreg [dreg:$0x0];
	s2 =	stileid.u32  }
0x1fd: {  	s1 =	rddreg [dreg:$0x1];
	p0 =	sne.s32 s2, $0x0  }
0x1fe: {  	s3 =	rddreg [dreg:$0x2];
	[bflag:$0x3] =	sbarrier.arrive $0xFFFF;
	s2 =	simm.s32 @!p0 $0x1C06  }
0x1ff: {  	[timem:s3], [sflag:s2] =	dma.local @!p0 [hbm:s0], s1  }
0x200: {  	s0 =	simm.s32 @!p0 $0x6  }
0x201: {  	_ =	swait.ge @!p0 [sflag:s0], s1  }
0x202: {  	s1 =	ssub.s32 @!p0 $0x0, s1;
	[sflag:s0] =	ssyncset.done @!p0 $0x0  }
0x203: {  	[sflag:s0] =	ssyncadd.s32 @!p0 s1  }
0x204: {  	[bflag:$0x3] =	sbarrier.arrive $0xFFFF  }
0x205: {  	_ =	shalt  }

// kernel: kernel.7.cloned.1.call-start
scs
__scs_entry_jumppad:
0x0: {  	(pc) =	sbr.rel $0x88, $3  }
0x1: {  	(tag) =	ssettag $0x0;
	lr =	simm.s32 $0x1  }
0x2: {  	[smem:$0x3F82] =	sst lr;
	_ =	strace $0xD0000000  }
0x3: {  	_ = 	snop  }
0x4: {  	_ = 	snop  }
0x5: {  	_ = 	snop  }
0x6: {  	_ = 	snop  }
0x7: {  	_ = 	snop  }
__scs_overlays_trampoline_lowered:
0x8: {  	[smem:$0x3F91] =	sst s0  }
0x9: {  	[smem:$0x3F92] =	sst s1  }
0xa: {  	[smem:$0x3F93] =	sst s2  }
0xb: {  	[smem:$0x3F94] =	sst s3  }
0xc: {  	[smem:$0x3F95] =	sst s4  }
0xd: {  	[smem:$0x3F96] =	sst s5  }
0xe: {  	[smem:$0x3F97] =	sst s6  }
0xf: {  	[smem:$0x3F98] =	sst s7  }
0x10: {  	[smem:$0x3F99] =	sst s8  }
0x11: {  	[smem:$0x3F9A] =	sst s9;
	s0 =	simm.s32 @!p0 $0x0  }
0x12: {  	s1 =	sld [smem:$0x3F80];
	s0 =	simm.s32 @p0 $0x1  }
0x13: {  	[smem:$0x3F9B] =	sst s0;
	s0 =	simm.s32 @!p1 $0x0  }
0x14: {  	s2 =	sld [smem:$0x3F7F];
	s0 =	simm.s32 @p1 $0x1  }
0x15: {  	[smem:$0x3F9C] =	sst s0;
	s0 =	simm.s32 @!p2 $0x0  }
0x16: {  	s3 =	sld [smem:$0x3FDB];
	s0 =	simm.s32 @p2 $0x1  }
0x17: {  	s4 =	simm.s32 $0x1BF5;
	[smem:$0x3F9E] =	sst s0  }
0x18: {  	s0 =	sld [smem:$0x3F81];
	_ =	swait.ge [sflag:s4], $0x0  }
0x19: {  	s7 =	sld [smem:$0x3F82]  }
0x1a: {  	s8 =	sadd.s32 $0xFFFFE003, lr  }
0x1b: {  	s9 =	sadd.s32 $0xFFFFFEF7, lr;
	s5 =	simm.s32 $0xFFFFFFFF;
	p2 =	slt.u32 s8, $0xFFFFF086  }
0x1c: {  	p1 =	slt.u32 s9, $0xF7A;
	s5 =	simm.s32 @!p2 $0x0  }
0x1d: {  	s5 =	simm.s32 @p1 $0x1;
	p0 =	seq.s32 s7, s2  }
0x1e: {  	s7 =	smul.u32 @!p0 $0xF7A, s2;
	p2 =	seq.s32 @!p0 s5, $0x0  }
0x1f: {  	s9 =	smul.u32 $0xF7A, s1;
	s8 =	simm.s32 @!p0 $0x1BF5;
	p2 =	por !p2, p0  }
0x20: {  	[sflag:s8] =	ssyncset.s32 @!p0 $0xFFFFF086;
	s6 =	sadd.s32 @!p0 s3, s7;
	s7 =	simm.s32 @!p0 $0x108  }
0x21: {  	s3 =	sadd.s32 s3, s9;
	s6 =	sadd.s32 @!p0 $0x88, s6;
	s7 =	simm.s32 @p2 $0x1082  }
0x22: {  	[simem:s7], [sflag:s8] =	dma.local @!p0 [hbm:s6], $0xF7A  }
0x23: {  	s9 =	sor.u32 $0xD0000000, s2;
	s6 =	simm.s32 $0x108;
	_ =	swait.ge @!p0 [sflag:s8], $0x0  }
0x24: {  	s3 =	sadd.s32 $0x88, s3;
	s6 =	simm.s32 @!p1 $0x1082;
	[sflag:s4] =	ssyncset.s32 $0xFFFFF086  }
0x25: {  	[simem:s6], [sflag:s4] =	dma.local [hbm:s3], $0xF7A  }
0x26: {  	[smem:$0x3F82] =	sst s1;
	(tag) =	ssettag s2;
	_ =	strace s9  }
0x27: {  	s1 =	sld [smem:$0x3F92]  }
0x28: {  	s2 =	sld [smem:$0x3F93]  }
0x29: {  	s4 =	sld [smem:$0x3F95]  }
0x2a: {  	p0 =	seq.s32 s5, $0x0;
	s5 =	sld [smem:$0x3F96]  }
0x2b: {  	s6 =	sld [smem:$0x3F97]  }
0x2c: {  	s7 =	sld [smem:$0x3F98]  }
0x2d: {  	s3 =	simm.s32 $0x108;
	s8 =	sld [smem:$0x3F99]  }
0x2e: {  	s3 =	simm.s32 @!p0 $0x1082;
	s9 =	sld [smem:$0x3F9A]  }
0x2f: {  	lr =	sadd.s32 s0, s3;
	s0 =	sld [smem:$0x3F91]  }
0x30: {  	s3 =	sld [smem:$0x3F94]  }
0x31: {  	[smem:$0x3F9D] =	sst s10  }
0x32: {  	s10 =	sld [smem:$0x3F9B];
	_ =	sdelay $0x3  }
0x33: {  	p0 =	seq.s32 s10, $0x1;
	s10 =	sld [smem:$0x3F9D];
	_ =	sdelay $0x3  }
0x34: {  	[smem:$0x3F9D] =	sst s10  }
0x35: {  	s10 =	sld [smem:$0x3F9C];
	_ =	sdelay $0x3  }
0x36: {  	p1 =	seq.s32 s10, $0x1;
	s10 =	sld [smem:$0x3F9D];
	_ =	sdelay $0x3  }
0x37: {  	[smem:$0x3F9D] =	sst s10  }
0x38: {  	s10 =	sld [smem:$0x3F9E]  }
0x39: {  	_ = 	snop;
	(pc) =	sbr.ind lr, $3  }
0x3a: {  	_ = 	snop  }
0x3b: {  	_ = 	snop  }
0x3c: {  	p2 =	seq.s32 s10, $0x1;
	s10 =	sld [smem:$0x3F9D]  }
0x3d: {  	_ =	shalt  }
0x3e: {  	_ =	shalt  }
0x3f: {  	_ =	shalt  }
0x40: {  	_ =	shalt  }
0x41: {  	_ =	shalt  }
0x42: {  	_ =	shalt  }
0x43: {  	_ =	shalt  }
0x44: {  	_ =	shalt  }
0x45: {  	_ =	shalt  }
0x46: {  	_ =	shalt  }
0x47: {  	_ =	shalt  }
0x48: {  	_ =	shalt  }
0x49: {  	_ =	shalt  }
0x4a: {  	_ =	shalt  }
0x4b: {  	_ =	shalt  }
0x4c: {  	_ =	shalt  }
0x4d: {  	_ =	shalt  }
0x4e: {  	_ =	shalt  }
0x4f: {  	_ =	shalt  }
0x50: {  	_ =	shalt  }
0x51: {  	_ =	shalt  }
0x52: {  	_ =	shalt  }
0x53: {  	_ =	shalt  }
0x54: {  	_ =	shalt  }
0x55: {  	_ =	shalt  }
0x56: {  	_ =	shalt  }
0x57: {  	_ =	shalt  }
0x58: {  	_ =	shalt  }
0x59: {  	_ =	shalt  }
0x5a: {  	_ =	shalt  }
0x5b: {  	_ =	shalt  }
0x5c: {  	_ =	shalt  }
0x5d: {  	_ =	shalt  }
0x5e: {  	_ =	shalt  }
0x5f: {  	_ =	shalt  }
0x60: {  	_ =	shalt  }
0x61: {  	_ =	shalt  }
0x62: {  	_ =	shalt  }
0x63: {  	_ =	shalt  }
0x64: {  	_ =	shalt  }
0x65: {  	_ =	shalt  }
0x66: {  	_ =	shalt  }
0x67: {  	_ =	shalt  }
0x68: {  	_ =	shalt  }
0x69: {  	_ =	shalt  }
0x6a: {  	_ =	shalt  }
0x6b: {  	_ =	shalt  }
0x6c: {  	_ =	shalt  }
0x6d: {  	_ =	shalt  }
0x6e: {  	_ =	shalt  }
0x6f: {  	_ =	shalt  }
0x70: {  	_ =	shalt  }
0x71: {  	_ =	shalt  }
0x72: {  	_ =	shalt  }
0x73: {  	_ =	shalt  }
0x74: {  	_ =	shalt  }
0x75: {  	_ =	shalt  }
0x76: {  	_ =	shalt  }
0x77: {  	_ =	shalt  }
0x78: {  	_ =	shalt  }
0x79: {  	_ =	shalt  }
0x7a: {  	_ =	shalt  }
0x7b: {  	_ =	shalt  }
0x7c: {  	_ =	shalt  }
0x7d: {  	_ =	shalt  }
0x7e: {  	_ =	shalt  }
0x7f: {  	_ =	shalt  }
0x80: {  	_ =	shalt  }
0x81: {  	_ =	shalt  }
0x82: {  	_ =	shalt  }
0x83: {  	_ =	shalt  }
0x84: {  	_ =	shalt  }
0x85: {  	_ =	shalt  }
0x86: {  	_ =	shalt  }
0x87: {  	_ =	shalt  }
.Lfunc_end0:
.L_simem_size_0:
called_computation.1_lowered:
.L_overlay_start_0:
0x88: {  	s2 =	sld [smem:$0x3FD9]  }
0x89: {  	s3 =	sld [smem:$0x3FFE];
	_ =	sdelay $0x1  }
0x8a: {  	s1 =	srdreg.scid  }
0x8b: {  	s0 =	sand.u32 $0x1, s1  }
0x8c: {  	s14 =	sshll.u32 s0, $0xA;
	s2 =	sadd.s32 s3, s2  }
0x8d: {  	s2 =	sadd.s32 s2, s14  }
0x8e: {  	[smem:$0x3FA9] =	sst s2  }
0x8f: {  	_ = 	snop  }
0x90: {  	s2 =	sld [smem:$0x3FD0];
	_ =	sdelay $0x2  }
0x91: {  	s4 =	simm.s32 $0xA;
	s5 =	simm.s32 $0x10;
	s15 =	sld [smem:$0x3FC9]  }
0x92: {  	[smem:s5], [sflag:s4] =	dma.local [hbm:s2], $0x1  }
0x93: {  	_ =	swait.eq [sflag:s4], $0x1  }
0x94: {  	[sflag:s4] =	ssyncset.done $0x0  }
0x95: {  	[sflag:s4] =	ssyncadd.s32 $0xFFFFFFFF  }
0x96: {  	s16 =	sld [smem:$0x11];
	(tm) =	ssettm $0x1  }
0x97: {  	s17 =	sld [smem:$0x3FFB];
	_ =	sdelay $0x3  }
0x98: {  	_ =	strace s17  }
0x99: {  	s4 =	sld [smem:$0x3FFC];
	_ =	sdelay $0x3  }
0x9a: {  	_ =	strace s4  }
0x9b: {  	s4 =	sld [smem:$0x3FFD];
	_ =	sdelay $0x3  }
0x9c: {  	_ =	strace s4  }
0x9d: {  	_ =	strace $0x8FFFFFFF  }
0x9e: {  	s18 =	sld [smem:$0x3FDB];
	_ =	sdelay $0x1  }
0x9f: {  	s19 =	simm.s32 $_scs_section_size  }
0xa0: {  	s6 =	simm.s32 $_size__tile_overlayer_lowered;
	s7 =	simm.s32 $_tile_overlayer_lowered  }
0xa1: {  	s22 =	simm.s32 $0x1BFF;
	s21 =	sshll.u32 s7, $0x1;
	s4 =	sadd.s32 s19, s18  }
0xa2: {  	s8 =	simm.s32 $0x0;
	s20 =	sshll.u32 s6, $0x1;
	s6 =	sadd.s32 s21, s4  }
0xa3: {  	[timem:s8], [sflag:s22] =	dma.local [hbm:s6], s20  }
0xa4: {  	_ =	swait.ge [sflag:s22], s20  }
0xa5: {  	s5 =	ssub.s32 $0x0, s20;
	[sflag:s22] =	ssyncset.done $0x0  }
0xa6: {  	[sflag:s22] =	ssyncadd.s32 s5;
	_ =	sdelay $0x1  }
0xa7: {  	s23 =	simm.s32 $0x1B8B  }
0xa8: {  	_ =	swait.ge [sflag:s23], $0x1  }
0xa9: {  	[sflag:s23] =	ssyncset.done $0x0  }
0xaa: {  	s25 =	simm.s32 $0x1B8E;
	s24 =	sld [smem:$0x3FFE];
	[sflag:s23] =	ssyncadd.s32 $0xFFFFFFFF  }
0xab: {  	s26 =	simm.s32 $execute0_lowered;
	[smem:$0x3FD2] =	sst s25  }
0xac: {  	s6 =	sshll.u32 s26, $0x1;
	_ =	strace $0x80000046;
	[dreg:$0x1] =	wrdreg $0xFFFFFFFF  }
0xad: {  	s28 =	simm.s32 $_size_execute0_lowered;
	s4 =	sadd.s32 s4, s6;
	[dreg:$0x0] =	wrdreg $0x0  }
0xae: {  	s6 =	sshll.u32 s28, $0x1;
	[dreg:$0x2] =	wrdreg s4  }
0xaf: {  	[dreg:$0x3] =	wrdreg s6  }
0xb0: {  	[dreg:$0x4] =	wrdreg $0xC0  }
0xb1: {  	_ =	task [dreg:s8], $0x5FFFF  }
0xb2: {  	[dreg:$0x1] =	wrdreg $0xFFFFFFFF  }
0xb3: {  	[dreg:$0x0] =	wrdreg $0x60  }
0xb4: {  	[dreg:$0x2] =	wrdreg s15  }
0xb5: {  	[dreg:$0x3] =	wrdreg s24  }
0xb6: {  	[dreg:$0x4] =	wrdreg s16  }
0xb7: {  	[dreg:$0x5] =	wrdreg $0x108000  }
0xb8: {  	[dreg:$0x6] =	wrdreg $0x9  }
0xb9: {  	_ =	task.clear_ibuf [dreg:s8], $0x7FFFF;
	_ =	strace $0x90000046  }
0xba: {  	s29 =	simm.s32 $0x9;
	_ =	strace $0x80000048  }
0xbb: {  	_ =	swait.ge [sflag:s29], $0x1  }
0xbc: {  	[sflag:s29] =	ssyncadd.s32 $0xFFFFFFFF  }
0xbd: {  	_ =	strace $0x90000048  }
0xbe: {  	_ =	sfence  }
0xbf: {  	s30 =	sld [smem:$0x0];
	_ =	sdelay $0x2  }
0xc0: {  	s31 =	sshll.u32 s1, $0xD;
	s1 =	sshrl.u32 s1, $0x2  }
0xc1: {  	s3 =	sand.u32 $0x4000, s31;
	s1 =	sadd.s32 s1, s30  }
0xc2: {  	s0 =	sor.u32 s3, s0;
	s1 =	sshll.u32 s1, $0x11  }
0xc3: {  	s0 =	sor.u32 s1, s0  }
0xc4: {  	s0 =	sadd.s32 $0x8F2B, s0  }
0xc5: {  	[sflag:s0] =	ssyncadd.remote.s32 $0x1  }
0xc6: {  	_ =	sfence.sel $0xFFFF  }
0xc7: {  	[dreg:$0x0] =	wrdreg $0xFFFFFFFF;
	(pc) =	sbr.abs _section_cstart, $3  }
0xc8: {  	[dreg:$0x1] =	wrdreg $0xFFFFFFFF  }
0xc9: {  	_ =	task.clear_ibuf [dreg:s8], $0x2FFFF;
	_ =	strace $0x9FFFFFFF  }
0xca: {  	(tm) =	ssettm $0x7FFFFFFF  }
0xcb: {  	_ =	shalt  }
tec
execute0_lowered:
.L_overlay_start_1:
0x0: {  	(tag) =	ssettag $0x1  }
0x1: {  	s4 =	rddreg [dreg:$0x0]  }
0x2: {  	s0 =	rddreg [dreg:$0x1]  }
0x3: {  	s1 =	rddreg [dreg:$0x2]  }
0x4: {  	s2 =	rddreg [dreg:$0x3];
	s16 =	simm.s32 $0x0;
	s3 =	srdreg.scid  }
0x5: {  	s10 =	stileid.u32;
	s26 =	simm.s32 $0x400;
	s12 =	simm.s32 $0x800  }
0x6: {  	s11 =	simm.s32 $0x4800;
	s25 =	simm.s32 $0x100;
	s31 =	simm.s32 $0x180  }
0x7: {  	s15 =	simm.s32 $0x2;
	s30 =	simm.s32 $0x480;
	s14 =	simm.s32 $0x3  }
0x8: {  	s29 =	simm.s32 $0x500;
	s13 =	simm.s32 $0x4;
	s28 =	simm.s32 $0x580  }
0x9: {  	p0 =	por $0x0, $0x0;
	[smem:$0x7FF] =	sst s16;
	s3 =	sand.u32 $0x1, s3  }
0xa: {  	s6 =	sshll.u32 s10, $0x7;
	s7 =	sshll.u32 s10, $0xB;
	s19 =	sshll.u32 s10, $0xE  }
0xb: {  	s21 =	sshll.u32 s10, $0x6;
	s10 =	simm.s32 $0x8800;
	_ =	strace $0x80000047  }
0xc: {  	s5 =	sshll.u32 s3, $0xB;
	s8 =	ssub.s32 $0x2, s3;
	s17 =	sadd.s32 s7, s0  }
0xd: {  	s22 =	sshll.u32 s3, $0xF;
	s1 =	sadd.s32 s1, s7;
	s3 =	sor.u32 $0x1C06, s21  }
0xe: {  	s7 =	simm.s32 $0x80;
	[dreg:$0x9] =	wrdreg s25;
	s21 =	simm.s32 $0x200  }
0xf: {  	s25 =	simm.s32 $0x380;
	s5 =	sor.u32 s6, s5;
	s9 =	sshrl.u32 s8, $0x1  }
0x10: {  	s6 =	sadd.s32 $0xA000, s17;
	s23 =	sadd.s32 s22, s1;
	s17 =	simm.s32 $0x1  }
0x11: {  	s22 =	simm.s32 $0x280;
	s0 =	sadd.s32 s5, s0;
	s18 =	ssub.s32 s8, s9  }
0x12: {  	[dreg:$0x5] =	wrdreg s6;
	s8 =	sadd.s32 s19, s2;
	s24 =	smax.u32 s18, $0x1  }
0x13: {  	[dreg:$0x8] =	wrdreg s23;
	s5 =	simm.s32 $0x6;
	p1 =	sne.s32 s24, $0x1  }
.Ltmp0:
0x14: {  	s9 =	simm.s32 $0xC800;
	s23 =	simm.s32 $0x600;
	(pc) =	sbr.rel @!p1 .LBB2_3-.Ltmp0, $4  }
0x15: {  	s19 =	simm.s32 $0x700;
	s20 =	sadd.s32 $0x9000, s0;
	s1 =	rddreg [dreg:$0x5]  }
0x16: {  	s0 =	sadd.s32 $0x8000, s0;
	s6 =	sshrl.u32 s8, $0x3;
	[dreg:$0x6] =	wrdreg s20  }
0x17: {  	s8 =	simm.s32 $0x5;
	s18 =	simm.s32 $0x780;
	[dreg:$0x7] =	wrdreg s0  }
0x18: {  	s0 =	sadd.s32 $0xFFFFFFFF, s24;
	s24 =	simm.s32 $0x300;
	s20 =	simm.s32 $0x680  }
0x19: {  	[spmem:s6], [sflag:s3] =	dma.local [hbm:s1], $0x800  }
0x1a: {  	_ =	swait.ge [sflag:s5], $0x800  }
0x1b: {  	[sflag:s5] =	ssyncset.done $0x0  }
0x1c: {  	s1 =	rddreg [dreg:$0x6];
	[sflag:s5] =	ssyncadd.s32 $0xFFFFF800  }
0x1d: {  	[tilespmem:s16], [sflag:$0x6] =	stream.linear.gather [hbm4b:s1+s16], $0x400, $0x38;
	[tilespmem:$0x14800] =	vst v63  }
0x1e: {  	_ =	swait.ge [sflag:s5], $0x400  }
0x1f: {  	[sflag:s5] =	ssyncset.done $0x0  }
0x20: {  	s1 =	rddreg [dreg:$0x7];
	[sflag:s5] =	ssyncadd.s32 $0xFFFFFC00  }
0x21: {  	[tilespmem:s26], [sflag:$0x6] =	stream.linear.gather [hbm4b:s1+s16], $0x400, $0x38;
	[tilespmem:$0x14800] =	vst v63  }
0x22: {  	_ =	swait.ge [sflag:s5], $0x400  }
0x23: {  	[sflag:s5] =	ssyncset.done $0x0  }
0x24: {  	[sflag:s5] =	ssyncadd.s32 $0xFFFFFC00  }
0x25: {  	[bflag:$0x0] =	sbarrier.arrive $0xFFFF  }
0x26: {  	[tilespmem:s12], [sflag:$0x1] =	stream.indirect.gather [hbm4b:s4+s7], $0x80, s16, s7, $0xb8;
	[tilespmem:$0x14800] =	vst v63  }
0x27: {  	_ = 	snop  }
0x28: {  	[tilespmem:s11], [sflag:$0x2] =	stream.indirect.gather [hbm4b:s4+s7], $0x80, s7, s7, $0xb8;
	[tilespmem:$0x14800] =	vst v63  }
0x29: {  	s1 =	rddreg [dreg:$0x9]  }
0x2a: {  	[tilespmem:s10], [sflag:$0x3] =	stream.indirect.gather [hbm4b:s4+s7], $0x80, s1, s7, $0xb8;
	[tilespmem:$0x14800] =	vst v63  }
0x2b: {  	_ = 	snop  }
0x2c: {  	[tilespmem:s9], [sflag:$0x4] =	stream.indirect.gather [hbm4b:s4+s7], $0x80, s31, s7, $0xb8;
	[tilespmem:$0x14800] =	vst v63  }
0x2d: {  	_ =	swait.ge [sflag:s17], $0x4000  }
0x2e: {  	[sflag:s17] =	ssyncset.done $0x0  }
0x2f: {  	[sflag:s17] =	ssyncadd.s32 $0xFFFFC000  }
0x30: {  	[spmem:s2] =	stream.indirect.scatter.add.f32 [tilespmem:s12], [sflag:$0x5], $0x80, s26, s7, $0xb8;
	[tilespmem:$0x14800] =	vst v63  }
0x31: {  	_ =	swait.ge [sflag:s15], $0x4000  }
0x32: {  	[sflag:s15] =	ssyncset.done $0x0  }
0x33: {  	[sflag:s15] =	ssyncadd.s32 $0xFFFFC000  }
0x34: {  	[spmem:s2] =	stream.indirect.scatter.add.f32 [tilespmem:s11], [sflag:$0x5], $0x80, s30, s7, $0xb8;
	[tilespmem:$0x14800] =	vst v63  }
0x35: {  	_ =	swait.ge [sflag:s14], $0x4000  }
0x36: {  	[sflag:s14] =	ssyncset.done $0x0  }
0x37: {  	[sflag:s14] =	ssyncadd.s32 $0xFFFFC000  }
0x38: {  	[spmem:s2] =	stream.indirect.scatter.add.f32 [tilespmem:s10], [sflag:$0x5], $0x80, s29, s7, $0xb8;
	[tilespmem:$0x14800] =	vst v63  }
0x39: {  	_ =	swait.ge [sflag:s13], $0x4000  }
0x3a: {  	[sflag:s13] =	ssyncset.done $0x0  }
0x3b: {  	[sflag:s13] =	ssyncadd.s32 $0xFFFFC000  }
0x3c: {  	[spmem:s2] =	stream.indirect.scatter.add.f32 [tilespmem:s9], [sflag:$0x5], $0x80, s28, s7, $0xb8;
	[tilespmem:$0x14800] =	vst v63  }
0x3d: {  	_ =	swait.ge [sflag:s8], $0x4000  }
0x3e: {  	[sflag:s8] =	ssyncset.done $0x0  }
0x3f: {  	[sflag:s8] =	ssyncadd.s32 $0xFFFFC000  }
0x40: {  	_ =	swait.ge [sflag:s8], $0x4000  }
0x41: {  	[sflag:s8] =	ssyncset.done $0x0  }
0x42: {  	[sflag:s8] =	ssyncadd.s32 $0xFFFFC000  }
0x43: {  	_ =	swait.ge [sflag:s8], $0x4000  }
0x44: {  	[sflag:s8] =	ssyncset.done $0x0  }
0x45: {  	[sflag:s8] =	ssyncadd.s32 $0xFFFFC000  }
0x46: {  	_ =	swait.ge [sflag:s8], $0x4000  }
0x47: {  	[sflag:s8] =	ssyncset.done $0x0  }
0x48: {  	[sflag:s8] =	ssyncadd.s32 $0xFFFFC000  }
0x49: {  	[tilespmem:s12], [sflag:$0x1] =	stream.indirect.gather [hbm4b:s4+s7], $0x80, s21, s7, $0xb8;
	[tilespmem:$0x14800] =	vst v63  }
0x4a: {  	_ = 	snop  }
0x4b: {  	[tilespmem:s11], [sflag:$0x2] =	stream.indirect.gather [hbm4b:s4+s7], $0x80, s22, s7, $0xb8;
	[tilespmem:$0x14800] =	vst v63  }
0x4c: {  	_ = 	snop  }
0x4d: {  	[tilespmem:s10], [sflag:$0x3] =	stream.indirect.gather [hbm4b:s4+s7], $0x80, s24, s7, $0xb8;
	[tilespmem:$0x14800] =	vst v63  }
0x4e: {  	_ = 	snop  }
0x4f: {  	[tilespmem:s9], [sflag:$0x4] =	stream.indirect.gather [hbm4b:s4+s7], $0x80, s25, s7, $0xb8;
	[tilespmem:$0x14800] =	vst v63  }
0x50: {  	_ =	swait.ge [sflag:s17], $0x4000  }
0x51: {  	[sflag:s17] =	ssyncset.done $0x0  }
0x52: {  	[sflag:s17] =	ssyncadd.s32 $0xFFFFC000  }
0x53: {  	[spmem:s2] =	stream.indirect.scatter.add.f32 [tilespmem:s12], [sflag:$0x5], $0x80, s23, s7, $0xb8;
	[tilespmem:$0x14800] =	vst v63  }
0x54: {  	_ =	swait.ge [sflag:s15], $0x4000  }
0x55: {  	[sflag:s15] =	ssyncset.done $0x0  }
0x56: {  	[sflag:s15] =	ssyncadd.s32 $0xFFFFC000  }
0x57: {  	[spmem:s2] =	stream.indirect.scatter.add.f32 [tilespmem:s11], [sflag:$0x5], $0x80, s20, s7, $0xb8;
	[tilespmem:$0x14800] =	vst v63  }
0x58: {  	_ =	swait.ge [sflag:s14], $0x4000  }
0x59: {  	[sflag:s14] =	ssyncset.done $0x0  }
0x5a: {  	[sflag:s14] =	ssyncadd.s32 $0xFFFFC000  }
0x5b: {  	[spmem:s2] =	stream.indirect.scatter.add.f32 [tilespmem:s10], [sflag:$0x5], $0x80, s19, s7, $0xb8;
	[tilespmem:$0x14800] =	vst v63  }
0x5c: {  	_ =	swait.ge [sflag:s13], $0x4000  }
0x5d: {  	[sflag:s13] =	ssyncset.done $0x0  }
0x5e: {  	[sflag:s13] =	ssyncadd.s32 $0xFFFFC000  }
0x5f: {  	[spmem:s2] =	stream.indirect.scatter.add.f32 [tilespmem:s9], [sflag:$0x5], $0x80, s18, s7, $0xb8;
	[tilespmem:$0x14800] =	vst v63  }
0x60: {  	_ =	swait.ge [sflag:s8], $0x4000  }
0x61: {  	[sflag:s8] =	ssyncset.done $0x0  }
0x62: {  	[sflag:s8] =	ssyncadd.s32 $0xFFFFC000  }
0x63: {  	_ =	swait.ge [sflag:s8], $0x4000  }
0x64: {  	[sflag:s8] =	ssyncset.done $0x0  }
0x65: {  	[sflag:s8] =	ssyncadd.s32 $0xFFFFC000  }
0x66: {  	_ =	swait.ge [sflag:s8], $0x4000  }
0x67: {  	[sflag:s8] =	ssyncset.done $0x0  }
0x68: {  	[sflag:s8] =	ssyncadd.s32 $0xFFFFC000  }
0x69: {  	_ =	swait.ge [sflag:s8], $0x4000  }
0x6a: {  	[sflag:s8] =	ssyncset.done $0x0  }
0x6b: {  	p1 =	sne.s32 s0, $0x1;
	[sflag:s8] =	ssyncadd.s32 $0xFFFFC000  }
.Ltmp1:
0x6c: {  	[bflag:$0x0] =	sbarrier.arrive $0xFFFF;
	(pc) =	sbr.rel @!p1 .LBB2_3-.Ltmp1, $4  }
0x6d: {  	s1 =	rddreg [dreg:$0x8]  }
0x6e: {  	[hbm:s1], [sflag:s3] =	dma.local [spmem:s6], $0x800  }
0x6f: {  	s0 =	sadd.s32 $0xFFFFFFFF, s0;
	_ =	swait.ge [sflag:s5], $0x800  }
0x70: {  	p0 =	por $0x1, $0x1;
	s1 =	rddreg [dreg:$0x5];
	[sflag:s5] =	ssyncset.done $0x0  }
.LBB2_2:
0x71: {  	[sflag:s5] =	ssyncadd.s32 $0xFFFFF800  }
0x72: {  	[spmem:s6], [sflag:s3] =	dma.local [hbm:s1], $0x800  }
0x73: {  	_ =	swait.ge [sflag:s5], $0x800  }
0x74: {  	[sflag:s5] =	ssyncset.done $0x0  }
0x75: {  	s1 =	rddreg [dreg:$0x6];
	[sflag:s5] =	ssyncadd.s32 $0xFFFFF800  }
0x76: {  	[tilespmem:s16], [sflag:$0x6] =	stream.linear.gather [hbm4b:s1+s16], $0x400, $0x38;
	[tilespmem:$0x14800] =	vst v63  }
0x77: {  	_ =	swait.ge [sflag:s5], $0x400  }
0x78: {  	[sflag:s5] =	ssyncset.done $0x0  }
0x79: {  	s1 =	rddreg [dreg:$0x7];
	[sflag:s5] =	ssyncadd.s32 $0xFFFFFC00  }
0x7a: {  	[tilespmem:s26], [sflag:$0x6] =	stream.linear.gather [hbm4b:s1+s16], $0x400, $0x38;
	[tilespmem:$0x14800] =	vst v63  }
0x7b: {  	_ =	swait.ge [sflag:s5], $0x400  }
0x7c: {  	[sflag:s5] =	ssyncset.done $0x0  }
0x7d: {  	[sflag:s5] =	ssyncadd.s32 $0xFFFFFC00  }
0x7e: {  	[bflag:$0x0] =	sbarrier.arrive $0xFFFF  }
0x7f: {  	[tilespmem:s12], [sflag:$0x1] =	stream.indirect.gather [hbm4b:s4+s7], $0x80, s16, s7, $0xb8;
	[tilespmem:$0x14800] =	vst v63  }
0x80: {  	_ = 	snop  }
0x81: {  	[tilespmem:s11], [sflag:$0x2] =	stream.indirect.gather [hbm4b:s4+s7], $0x80, s7, s7, $0xb8;
	[tilespmem:$0x14800] =	vst v63  }
0x82: {  	s1 =	rddreg [dreg:$0x9]  }
0x83: {  	[tilespmem:s10], [sflag:$0x3] =	stream.indirect.gather [hbm4b:s4+s7], $0x80, s1, s7, $0xb8;
	[tilespmem:$0x14800] =	vst v63  }
0x84: {  	_ = 	snop  }
0x85: {  	[tilespmem:s9], [sflag:$0x4] =	stream.indirect.gather [hbm4b:s4+s7], $0x80, s31, s7, $0xb8;
	[tilespmem:$0x14800] =	vst v63  }
0x86: {  	_ =	swait.ge [sflag:s17], $0x4000  }
0x87: {  	[sflag:s17] =	ssyncset.done $0x0  }
0x88: {  	[sflag:s17] =	ssyncadd.s32 $0xFFFFC000  }
0x89: {  	[spmem:s2] =	stream.indirect.scatter.add.f32 [tilespmem:s12], [sflag:$0x5], $0x80, s26, s7, $0xb8;
	[tilespmem:$0x14800] =	vst v63  }
0x8a: {  	_ =	swait.ge [sflag:s15], $0x4000  }
0x8b: {  	[sflag:s15] =	ssyncset.done $0x0  }
0x8c: {  	[sflag:s15] =	ssyncadd.s32 $0xFFFFC000  }
0x8d: {  	[spmem:s2] =	stream.indirect.scatter.add.f32 [tilespmem:s11], [sflag:$0x5], $0x80, s30, s7, $0xb8;
	[tilespmem:$0x14800] =	vst v63  }
0x8e: {  	_ =	swait.ge [sflag:s14], $0x4000  }
0x8f: {  	[sflag:s14] =	ssyncset.done $0x0  }
0x90: {  	[sflag:s14] =	ssyncadd.s32 $0xFFFFC000  }
0x91: {  	[spmem:s2] =	stream.indirect.scatter.add.f32 [tilespmem:s10], [sflag:$0x5], $0x80, s29, s7, $0xb8;
	[tilespmem:$0x14800] =	vst v63  }
0x92: {  	_ =	swait.ge [sflag:s13], $0x4000  }
0x93: {  	[sflag:s13] =	ssyncset.done $0x0  }
0x94: {  	[sflag:s13] =	ssyncadd.s32 $0xFFFFC000  }
0x95: {  	[spmem:s2] =	stream.indirect.scatter.add.f32 [tilespmem:s9], [sflag:$0x5], $0x80, s28, s7, $0xb8;
	[tilespmem:$0x14800] =	vst v63  }
0x96: {  	_ =	swait.ge [sflag:s8], $0x4000  }
0x97: {  	[sflag:s8] =	ssyncset.done $0x0  }
0x98: {  	[sflag:s8] =	ssyncadd.s32 $0xFFFFC000  }
0x99: {  	_ =	swait.ge [sflag:s8], $0x4000  }
0x9a: {  	[sflag:s8] =	ssyncset.done $0x0  }
0x9b: {  	[sflag:s8] =	ssyncadd.s32 $0xFFFFC000  }
0x9c: {  	_ =	swait.ge [sflag:s8], $0x4000  }
0x9d: {  	[sflag:s8] =	ssyncset.done $0x0  }
0x9e: {  	[sflag:s8] =	ssyncadd.s32 $0xFFFFC000  }
0x9f: {  	_ =	swait.ge [sflag:s8], $0x4000  }
0xa0: {  	[sflag:s8] =	ssyncset.done $0x0  }
0xa1: {  	[sflag:s8] =	ssyncadd.s32 $0xFFFFC000  }
0xa2: {  	[tilespmem:s12], [sflag:$0x1] =	stream.indirect.gather [hbm4b:s4+s7], $0x80, s21, s7, $0xb8;
	[tilespmem:$0x14800] =	vst v63  }
0xa3: {  	_ = 	snop  }
0xa4: {  	[tilespmem:s11], [sflag:$0x2] =	stream.indirect.gather [hbm4b:s4+s7], $0x80, s22, s7, $0xb8;
	[tilespmem:$0x14800] =	vst v63  }
0xa5: {  	_ = 	snop  }
0xa6: {  	[tilespmem:s10], [sflag:$0x3] =	stream.indirect.gather [hbm4b:s4+s7], $0x80, s24, s7, $0xb8;
	[tilespmem:$0x14800] =	vst v63  }
0xa7: {  	_ = 	snop  }
0xa8: {  	[tilespmem:s9], [sflag:$0x4] =	stream.indirect.gather [hbm4b:s4+s7], $0x80, s25, s7, $0xb8;
	[tilespmem:$0x14800] =	vst v63  }
0xa9: {  	_ =	swait.ge [sflag:s17], $0x4000  }
0xaa: {  	[sflag:s17] =	ssyncset.done $0x0  }
0xab: {  	[sflag:s17] =	ssyncadd.s32 $0xFFFFC000  }
0xac: {  	[spmem:s2] =	stream.indirect.scatter.add.f32 [tilespmem:s12], [sflag:$0x5], $0x80, s23, s7, $0xb8;
	[tilespmem:$0x14800] =	vst v63  }
0xad: {  	_ =	swait.ge [sflag:s15], $0x4000  }
0xae: {  	[sflag:s15] =	ssyncset.done $0x0  }
0xaf: {  	[sflag:s15] =	ssyncadd.s32 $0xFFFFC000  }
0xb0: {  	[spmem:s2] =	stream.indirect.scatter.add.f32 [tilespmem:s11], [sflag:$0x5], $0x80, s20, s7, $0xb8;
	[tilespmem:$0x14800] =	vst v63  }
0xb1: {  	_ =	swait.ge [sflag:s14], $0x4000  }
0xb2: {  	[sflag:s14] =	ssyncset.done $0x0  }
0xb3: {  	[sflag:s14] =	ssyncadd.s32 $0xFFFFC000  }
0xb4: {  	[spmem:s2] =	stream.indirect.scatter.add.f32 [tilespmem:s10], [sflag:$0x5], $0x80, s19, s7, $0xb8;
	[tilespmem:$0x14800] =	vst v63  }
0xb5: {  	_ =	swait.ge [sflag:s13], $0x4000  }
0xb6: {  	[sflag:s13] =	ssyncset.done $0x0  }
0xb7: {  	[sflag:s13] =	ssyncadd.s32 $0xFFFFC000  }
0xb8: {  	[spmem:s2] =	stream.indirect.scatter.add.f32 [tilespmem:s9], [sflag:$0x5], $0x80, s18, s7, $0xb8;
	[tilespmem:$0x14800] =	vst v63  }
0xb9: {  	_ =	swait.ge [sflag:s8], $0x4000  }
0xba: {  	[sflag:s8] =	ssyncset.done $0x0  }
0xbb: {  	[sflag:s8] =	ssyncadd.s32 $0xFFFFC000  }
0xbc: {  	_ =	swait.ge [sflag:s8], $0x4000  }
0xbd: {  	[sflag:s8] =	ssyncset.done $0x0  }
0xbe: {  	[sflag:s8] =	ssyncadd.s32 $0xFFFFC000  }
0xbf: {  	_ =	swait.ge [sflag:s8], $0x4000  }
0xc0: {  	[sflag:s8] =	ssyncset.done $0x0  }
0xc1: {  	[sflag:s8] =	ssyncadd.s32 $0xFFFFC000  }
0xc2: {  	_ =	swait.ge [sflag:s8], $0x4000  }
0xc3: {  	[sflag:s8] =	ssyncset.done $0x0  }
0xc4: {  	p1 =	sne.s32 s0, $0x1;
	[sflag:s8] =	ssyncadd.s32 $0xFFFFC000  }
.Ltmp2:
0xc5: {  	[bflag:$0x0] =	sbarrier.arrive $0xFFFF;
	(pc) =	sbr.rel @p1 .LBB2_2-.Ltmp2, $4  }
0xc6: {  	s1 =	rddreg [dreg:$0x8]  }
0xc7: {  	[hbm:s1], [sflag:s3] =	dma.local [spmem:s6], $0x800  }
0xc8: {  	_ =	swait.ge [sflag:s5], $0x800  }
0xc9: {  	s0 =	sadd.s32 $0xFFFFFFFF, s0;
	s1 =	rddreg [dreg:$0x5];
	[sflag:s5] =	ssyncset.done $0x0  }
.LBB2_3:
0xca: {  	[sflag:s5] =	ssyncadd.s32 @p0 $0xFFFFF800  }
0xcb: {  	[spmem:s6], [sflag:s3] =	dma.local [hbm:s1], $0x800  }
0xcc: {  	_ =	swait.ge [sflag:s5], $0x800  }
0xcd: {  	[sflag:s5] =	ssyncset.done $0x0  }
0xce: {  	s0 =	rddreg [dreg:$0x6];
	[sflag:s5] =	ssyncadd.s32 $0xFFFFF800  }
0xcf: {  	[tilespmem:s16], [sflag:$0x6] =	stream.linear.gather [hbm4b:s0+s16], $0x400, $0x38;
	[tilespmem:$0x14800] =	vst v63  }
0xd0: {  	_ =	swait.ge [sflag:s5], $0x400  }
0xd1: {  	[sflag:s5] =	ssyncset.done $0x0  }
0xd2: {  	s1 =	rddreg [dreg:$0x7];
	[sflag:s5] =	ssyncadd.s32 $0xFFFFFC00  }
0xd3: {  	[tilespmem:s26], [sflag:$0x6] =	stream.linear.gather [hbm4b:s1+s16], $0x400, $0x38;
	[tilespmem:$0x14800] =	vst v63  }
0xd4: {  	_ =	swait.ge [sflag:s5], $0x400  }
0xd5: {  	[sflag:s5] =	ssyncset.done $0x0  }
0xd6: {  	[sflag:s5] =	ssyncadd.s32 $0xFFFFFC00  }
0xd7: {  	[bflag:$0x0] =	sbarrier.arrive $0xFFFF  }
0xd8: {  	[tilespmem:s12], [sflag:$0x1] =	stream.indirect.gather [hbm4b:s4+s7], $0x80, s16, s7, $0xb8;
	[tilespmem:$0x14800] =	vst v63  }
0xd9: {  	_ = 	snop  }
0xda: {  	[tilespmem:s11], [sflag:$0x2] =	stream.indirect.gather [hbm4b:s4+s7], $0x80, s7, s7, $0xb8;
	[tilespmem:$0x14800] =	vst v63  }
0xdb: {  	s16 =	rddreg [dreg:$0x9]  }
0xdc: {  	[tilespmem:s10], [sflag:$0x3] =	stream.indirect.gather [hbm4b:s4+s7], $0x80, s16, s7, $0xb8;
	[tilespmem:$0x14800] =	vst v63  }
0xdd: {  	_ = 	snop  }
0xde: {  	[tilespmem:s9], [sflag:$0x4] =	stream.indirect.gather [hbm4b:s4+s7], $0x80, s31, s7, $0xb8;
	[tilespmem:$0x14800] =	vst v63  }
0xdf: {  	_ =	swait.ge [sflag:s17], $0x4000  }
0xe0: {  	[sflag:s17] =	ssyncset.done $0x0  }
0xe1: {  	[sflag:s17] =	ssyncadd.s32 $0xFFFFC000  }
0xe2: {  	[spmem:s2] =	stream.indirect.scatter.add.f32 [tilespmem:s12], [sflag:$0x5], $0x80, s26, s7, $0xb8;
	[tilespmem:$0x14800] =	vst v63  }
0xe3: {  	_ =	swait.ge [sflag:s15], $0x4000  }
0xe4: {  	[sflag:s15] =	ssyncset.done $0x0  }
0xe5: {  	[sflag:s15] =	ssyncadd.s32 $0xFFFFC000  }
0xe6: {  	[spmem:s2] =	stream.indirect.scatter.add.f32 [tilespmem:s11], [sflag:$0x5], $0x80, s30, s7, $0xb8;
	[tilespmem:$0x14800] =	vst v63  }
0xe7: {  	_ =	swait.ge [sflag:s14], $0x4000  }
0xe8: {  	[sflag:s14] =	ssyncset.done $0x0  }
0xe9: {  	[sflag:s14] =	ssyncadd.s32 $0xFFFFC000  }
0xea: {  	[spmem:s2] =	stream.indirect.scatter.add.f32 [tilespmem:s10], [sflag:$0x5], $0x80, s29, s7, $0xb8;
	[tilespmem:$0x14800] =	vst v63  }
0xeb: {  	_ =	swait.ge [sflag:s13], $0x4000  }
0xec: {  	[sflag:s13] =	ssyncset.done $0x0  }
0xed: {  	[sflag:s13] =	ssyncadd.s32 $0xFFFFC000  }
0xee: {  	[spmem:s2] =	stream.indirect.scatter.add.f32 [tilespmem:s9], [sflag:$0x5], $0x80, s28, s7, $0xb8;
	[tilespmem:$0x14800] =	vst v63  }
0xef: {  	_ =	swait.ge [sflag:s8], $0x4000  }
0xf0: {  	[sflag:s8] =	ssyncset.done $0x0  }
0xf1: {  	[sflag:s8] =	ssyncadd.s32 $0xFFFFC000  }
0xf2: {  	_ =	swait.ge [sflag:s8], $0x4000  }
0xf3: {  	[sflag:s8] =	ssyncset.done $0x0  }
0xf4: {  	[sflag:s8] =	ssyncadd.s32 $0xFFFFC000  }
0xf5: {  	_ =	swait.ge [sflag:s8], $0x4000  }
0xf6: {  	[sflag:s8] =	ssyncset.done $0x0  }
0xf7: {  	[sflag:s8] =	ssyncadd.s32 $0xFFFFC000  }
0xf8: {  	_ =	swait.ge [sflag:s8], $0x4000  }
0xf9: {  	[sflag:s8] =	ssyncset.done $0x0  }
0xfa: {  	[sflag:s8] =	ssyncadd.s32 $0xFFFFC000  }
0xfb: {  	[tilespmem:s12], [sflag:$0x1] =	stream.indirect.gather [hbm4b:s4+s7], $0x80, s21, s7, $0xb8;
	[tilespmem:$0x14800] =	vst v63  }
0xfc: {  	_ = 	snop  }
0xfd: {  	[tilespmem:s11], [sflag:$0x2] =	stream.indirect.gather [hbm4b:s4+s7], $0x80, s22, s7, $0xb8;
	[tilespmem:$0x14800] =	vst v63  }
0xfe: {  	_ = 	snop  }
0xff: {  	[tilespmem:s10], [sflag:$0x3] =	stream.indirect.gather [hbm4b:s4+s7], $0x80, s24, s7, $0xb8;
	[tilespmem:$0x14800] =	vst v63  }
0x100: {  	_ = 	snop  }
0x101: {  	[tilespmem:s9], [sflag:$0x4] =	stream.indirect.gather [hbm4b:s4+s7], $0x80, s25, s7, $0xb8;
	[tilespmem:$0x14800] =	vst v63  }
0x102: {  	_ =	swait.ge [sflag:s17], $0x4000  }
0x103: {  	[sflag:s17] =	ssyncset.done $0x0  }
0x104: {  	[sflag:s17] =	ssyncadd.s32 $0xFFFFC000  }
0x105: {  	[spmem:s2] =	stream.indirect.scatter.add.f32 [tilespmem:s12], [sflag:$0x5], $0x80, s23, s7, $0xb8;
	[tilespmem:$0x14800] =	vst v63  }
0x106: {  	_ =	swait.ge [sflag:s15], $0x4000  }
0x107: {  	[sflag:s15] =	ssyncset.done $0x0  }
0x108: {  	[sflag:s15] =	ssyncadd.s32 $0xFFFFC000  }
0x109: {  	[spmem:s2] =	stream.indirect.scatter.add.f32 [tilespmem:s11], [sflag:$0x5], $0x80, s20, s7, $0xb8;
	[tilespmem:$0x14800] =	vst v63  }
0x10a: {  	_ =	swait.ge [sflag:s14], $0x4000  }
0x10b: {  	[sflag:s14] =	ssyncset.done $0x0  }
0x10c: {  	[sflag:s14] =	ssyncadd.s32 $0xFFFFC000  }
0x10d: {  	[spmem:s2] =	stream.indirect.scatter.add.f32 [tilespmem:s10], [sflag:$0x5], $0x80, s19, s7, $0xb8;
	[tilespmem:$0x14800] =	vst v63  }
0x10e: {  	_ =	swait.ge [sflag:s13], $0x4000  }
0x10f: {  	[sflag:s13] =	ssyncset.done $0x0  }
0x110: {  	[sflag:s13] =	ssyncadd.s32 $0xFFFFC000  }
0x111: {  	[spmem:s2] =	stream.indirect.scatter.add.f32 [tilespmem:s9], [sflag:$0x5], $0x80, s18, s7, $0xb8;
	[tilespmem:$0x14800] =	vst v63  }
0x112: {  	_ =	swait.ge [sflag:s8], $0x4000  }
0x113: {  	[sflag:s8] =	ssyncset.done $0x0  }
0x114: {  	[sflag:s8] =	ssyncadd.s32 $0xFFFFC000  }
0x115: {  	_ =	swait.ge [sflag:s8], $0x4000  }
0x116: {  	[sflag:s8] =	ssyncset.done $0x0  }
0x117: {  	[sflag:s8] =	ssyncadd.s32 $0xFFFFC000  }
0x118: {  	_ =	swait.ge [sflag:s8], $0x4000  }
0x119: {  	[sflag:s8] =	ssyncset.done $0x0  }
0x11a: {  	[sflag:s8] =	ssyncadd.s32 $0xFFFFC000  }
0x11b: {  	_ =	swait.ge [sflag:s8], $0x4000  }
0x11c: {  	[sflag:s8] =	ssyncset.done $0x0  }
0x11d: {  	[sflag:s8] =	ssyncadd.s32 $0xFFFFC000  }
0x11e: {  	[bflag:$0x0] =	sbarrier.arrive $0xFFFF  }
0x11f: {  	s30 =	rddreg [dreg:$0x8]  }
0x120: {  	[hbm:s30], [sflag:s3] =	dma.local [spmem:s6], $0x800  }
0x121: {  	_ =	swait.ge [sflag:s5], $0x800  }
0x122: {  	[sflag:s5] =	ssyncset.done $0x0  }
0x123: {  	[sflag:s5] =	ssyncadd.s32 $0xFFFFF800  }
0x124: {  	_ =	sfence.sel $0x180000  }
0x125: {  	[bflag:$0x0] =	sbarrier.arrive $0xFFFF  }
0x126: {  	_ =	strace $0x90000047  }
0x127: {  	s31 =	stileid.u32;
	[bflag:$0x2] =	sbarrier.arrive $0xFFFF  }
0x128: {  	p0 =	sne.s32 s31, $0x0;
	s0 =	rddreg [dreg:$0x4]  }
0x129: {  	s0 =	sadd.s32 @!p0 $0x100000, s0  }
0x12a: {  	[sflag:s0] =	ssyncadd.tile.s32 @!p0 $0x1;
	_ =	shalt  }
.Lfunc_end2:
_tile_overlayer_lowered:
.L_overlay_start_2:
0x12b: {  	(tag) =	ssettag $0x2  }
0x12c: {  	s0 =	rddreg [dreg:$0x0];
	s2 =	stileid.u32  }
0x12d: {  	s1 =	rddreg [dreg:$0x1];
	p0 =	sne.s32 s2, $0x0  }
0x12e: {  	s3 =	rddreg [dreg:$0x2];
	[bflag:$0x3] =	sbarrier.arrive $0xFFFF;
	s2 =	simm.s32 @!p0 $0x1C06  }
0x12f: {  	[timem:s3], [sflag:s2] =	dma.local @!p0 [hbm:s0], s1  }
0x130: {  	s0 =	simm.s32 @!p0 $0x6  }
0x131: {  	_ =	swait.ge @!p0 [sflag:s0], s1  }
0x132: {  	s1 =	ssub.s32 @!p0 $0x0, s1;
	[sflag:s0] =	ssyncset.done @!p0 $0x0  }
0x133: {  	[sflag:s0] =	ssyncadd.s32 @!p0 s1  }
0x134: {  	[bflag:$0x3] =	sbarrier.arrive $0xFFFF  }
0x135: {  	_ =	shalt  }

</sc_bundles>
